<compile_context>
chip_gen: v7x
topology: tpu7x:2x2x1
jax: 0.10.2.dev20260603
libtpu: 0.0.44.dev20260713+nightly
codegen_flags: <defaults>
</compile_context>

<pallas_src>
import jax
import jax.numpy as jnp
from jax import lax
from jax.experimental import pallas as pl
from jax.experimental.pallas import tpu as pltpu
from jax.experimental.pallas import tpu_sc as plsc

N = 10000
E = 320000
D = 128

CHUNK = 64
N_CHUNKS = E // CHUNK
NW = 32
CH_PER_W = N_CHUNKS // NW
CH_REM = N_CHUNKS % NW
PIPE = 4
FULL_ITERS = CH_PER_W // PIPE
N_PAD = 10240
ROWS_PER_TILE = N_PAD // 16
DEG_PAD = 10240
DEG_PER_TILE = DEG_PAD // 16


def _make_sc_agg(with_deg):
    mesh = plsc.VectorSubcoreMesh(core_axis_name="c", subcore_axis_name="s")
    out_type = [jax.ShapeDtypeStruct((2, N_PAD, D), jnp.float32)]
    scratch = (
        [pltpu.VMEM((CHUNK,), jnp.int32) for _ in range(PIPE)]
        + [pltpu.VMEM((CHUNK,), jnp.int32) for _ in range(PIPE)]
        + [
            pltpu.VMEM((PIPE, CHUNK, D), jnp.float32),
            pltpu.VMEM_SHARED((N_PAD, D), jnp.float32),
        ]
        + [pltpu.SemaphoreType.DMA for _ in range(5 * PIPE)]
    )
    if with_deg:
        out_type.append(jax.ShapeDtypeStruct((2, DEG_PAD), jnp.float32))
        scratch += [
            pltpu.VMEM((CHUNK,), jnp.float32),
            pltpu.VMEM((DEG_PER_TILE,), jnp.float32),
            pltpu.VMEM_SHARED((DEG_PAD,), jnp.float32),
        ]

    def body(src_hbm, dst_hbm, x_hbm, *refs):
        if with_deg:
            agg_out, deg_out = refs[:2]
            refs = refs[2:]
        else:
            agg_out = refs[0]
            refs = refs[1:]
        srcs = refs[:PIPE]
        dsts = refs[PIPE:2 * PIPE]
        rows_v = refs[2 * PIPE]
        agg_sh = refs[2 * PIPE + 1]
        sems = refs[2 * PIPE + 2:2 * PIPE + 2 + 5 * PIPE]
        isem_s = sems[:PIPE]
        isem_d = sems[PIPE:2 * PIPE]
        gsem = sems[2 * PIPE:3 * PIPE]
        ssem = sems[3 * PIPE:4 * PIPE]
        dsem = sems[4 * PIPE:]
        if with_deg:
            ones_v, zdeg_v, deg_sh = refs[2 * PIPE + 2 + 5 * PIPE:]
        cid = lax.axis_index("c")
        sid = lax.axis_index("s")
        wid = sid * 2 + cid
        start_chunk = wid * CH_PER_W + jnp.minimum(wid, CH_REM)
        n_my = CH_PER_W + jnp.where(wid < CH_REM, 1, 0)

        def zb(i, _):
            rows_v[0, i // 8, pl.ds((i % 8) * 16, 16)] = jnp.zeros((16,), jnp.float32)
            return 0
        lax.fori_loop(0, CHUNK * 8, zb, 0)
        for z in range(ROWS_PER_TILE // CHUNK):
            pltpu.sync_copy(
                rows_v.at[0], agg_sh.at[pl.ds(sid * ROWS_PER_TILE + z * CHUNK, CHUNK)])
        if with_deg:
            def zd(i, _):
                zdeg_v[pl.ds(i * 16, 16)] = jnp.zeros((16,), jnp.float32)
                ones_v[pl.ds((i % (CHUNK // 16)) * 16, 16)] = jnp.ones((16,), jnp.float32)
                return 0
            lax.fori_loop(0, DEG_PER_TILE // 16, zd, 0)
            pltpu.sync_copy(zdeg_v, deg_sh.at[pl.ds(sid * DEG_PER_TILE, DEG_PER_TILE)])
        plsc.subcore_barrier()

        def drain_scatter(k):
            pltpu.make_async_copy(rows_v.at[k], agg_sh.at[dsts[k]], ssem[k]).wait()
            if with_deg:
                pltpu.make_async_copy(ones_v, deg_sh.at[dsts[k]], dsem[k]).wait()

        def pipe_body(t, _):
            iids = []
            for k in range(PIPE):
                @pl.when(t > 0)
                def _(k=k):
                    drain_scatter(k)
                base = (start_chunk + t * PIPE + k) * CHUNK
                iids.append((
                    pltpu.async_copy(src_hbm.at[pl.ds(base, CHUNK)], srcs[k], isem_s[k]),
                    pltpu.async_copy(dst_hbm.at[pl.ds(base, CHUNK)], dsts[k], isem_d[k]),
                ))
            gds = []
            for k in range(PIPE):
                iids[k][0].wait()
                gds.append(pltpu.async_copy(x_hbm.at[srcs[k]], rows_v.at[k], gsem[k]))
            for k in range(PIPE):
                gds[k].wait()
                iids[k][1].wait()
                pltpu.async_copy(rows_v.at[k], agg_sh.at[dsts[k]], ssem[k], add=True)
                if with_deg:
                    pltpu.async_copy(ones_v, deg_sh.at[dsts[k]], dsem[k], add=True)
            return 0
        lax.fori_loop(0, FULL_ITERS, pipe_body, 0)
        for k in range(PIPE):
            drain_scatter(k)

        def tail_body(j, _):
            base = (start_chunk + j) * CHUNK
            pltpu.async_copy(src_hbm.at[pl.ds(base, CHUNK)], srcs[0], isem_s[0]).wait()
            pltpu.async_copy(dst_hbm.at[pl.ds(base, CHUNK)], dsts[0], isem_d[0]).wait()
            pltpu.async_copy(x_hbm.at[srcs[0]], rows_v.at[0], gsem[0]).wait()
            pltpu.sync_copy(rows_v.at[0], agg_sh.at[dsts[0]], add=True)
            if with_deg:
                pltpu.sync_copy(ones_v, deg_sh.at[dsts[0]], add=True)
            return 0
        lax.fori_loop(FULL_ITERS * PIPE, n_my, tail_body, 0)
        plsc.subcore_barrier()

        rbase = sid * ROWS_PER_TILE
        pltpu.sync_copy(agg_sh.at[pl.ds(rbase, ROWS_PER_TILE)],
                        agg_out.at[cid, pl.ds(rbase, ROWS_PER_TILE)])
        if with_deg:
            dbase = sid * DEG_PER_TILE
            pltpu.sync_copy(deg_sh.at[pl.ds(dbase, DEG_PER_TILE)],
                            deg_out.at[cid, pl.ds(dbase, DEG_PER_TILE)])

    return pl.kernel(body, out_type=out_type, mesh=mesh, scratch_types=scratch)


_sc_agg_deg = _make_sc_agg(True)
_sc_agg = _make_sc_agg(False)

BR = 1024

_DN = (((1,), (1,)), ((), ()))


def _make_dense_r():
    def body(x_ref, wr_ref, o_ref):
        o_ref[...] = lax.dot_general(x_ref[...], wr_ref[...], _DN,
                                     preferred_element_type=jnp.float32)

    return pl.pallas_call(
        body,
        grid=(N_PAD // BR,),
        in_specs=[
            pl.BlockSpec((BR, D), lambda i: (i, 0)),
            pl.BlockSpec((D, D), lambda i: (0, 0)),
        ],
        out_specs=pl.BlockSpec((BR, D), lambda i: (i, 0)),
        out_shape=jax.ShapeDtypeStruct((N_PAD, D), jnp.float32),
    )


def _make_combine(final_layer):
    def body(p0_ref, p1_ref, d0_ref, d1_ref, xr_ref, wl_ref, b_ref, o_ref):
        deg = jnp.maximum(d0_ref[0, 0] + d1_ref[0, 0], 1.0)
        agg = (p0_ref[0] + p1_ref[0]) / deg
        hl = lax.dot_general(agg, wl_ref[...], _DN, preferred_element_type=jnp.float32)
        h = hl + xr_ref[...] + b_ref[...]
        if final_layer:
            nrm = jnp.sqrt(jnp.sum(h * h, axis=1, keepdims=True))
            o_ref[...] = h / jnp.maximum(nrm, 1e-12)
        else:
            o_ref[...] = jnp.maximum(h, 0.0)

    return pl.pallas_call(
        body,
        grid=(N_PAD // BR,),
        in_specs=[
            pl.BlockSpec((1, BR, D), lambda i: (0, i, 0)),
            pl.BlockSpec((1, BR, D), lambda i: (1, i, 0)),
            pl.BlockSpec((1, 1, BR, 1), lambda i: (0, i, 0, 0)),
            pl.BlockSpec((1, 1, BR, 1), lambda i: (1, i, 0, 0)),
            pl.BlockSpec((BR, D), lambda i: (i, 0)),
            pl.BlockSpec((D, D), lambda i: (0, 0)),
            pl.BlockSpec((1, D), lambda i: (0, 0)),
        ],
        out_specs=pl.BlockSpec((BR, D), lambda i: (i, 0)),
        out_shape=jax.ShapeDtypeStruct((N_PAD, D), jnp.float32),
    )


_dense_r = _make_dense_r()
_combine1 = _make_combine(False)
_combine2 = _make_combine(True)


def kernel(x, edge_index, W1l, b1l, W1r, W2l, b2l, W2r):
    src = edge_index[0]
    dst = edge_index[1]
    xp = jnp.pad(x, ((0, N_PAD - N), (0, 0)))
    part1, degp = _sc_agg_deg(src, dst, xp)
    xr1 = _dense_r(xp, W1r)
    dd = degp.reshape(2, N_PAD // BR, BR, 1)
    h = _combine1(part1, part1, dd, dd, xr1, W1l, b1l.reshape(1, D))
    (part2,) = _sc_agg(src, dst, h)
    xr2 = _dense_r(h, W2r)
    out = _combine2(part2, part2, dd, dd, xr2, W2l, b2l.reshape(1, D))
    return out[:N]

# --- scband reference (transcript-rebuilt; emitter-appended) ---
"""Pipeline reference for scband-graph-sage-89309549953639 (READ-ONLY COPY).

The authoritative reference and input builder live on the scoring server;
editing this copy changes nothing except your own understanding.
"""

import jax, jax.numpy as jnp
import numpy as np

N_NODES = 10000
N_EDGES = 320000
IN_DIM = 128
HID_DIM = 128
OUT_DIM = 128


def _glorot(key, shape):
    fan_in, fan_out = shape[1], shape[0]
    limit = np.sqrt(6.0 / (fan_in + fan_out))
    return jax.random.uniform(key, shape, dtype=jnp.float32, minval=-limit, maxval=limit)


def setup_inputs(seed: int = 0) -> dict:
    key = jax.random.key(seed)
    ks = jax.random.split(key, 8)
    x = jax.random.normal(ks[0], (N_NODES, IN_DIM), dtype=jnp.float32)
    edge_index = jax.random.randint(ks[1], (2, N_EDGES), 0, N_NODES, dtype=jnp.int64 if jax.config.jax_enable_x64 else jnp.int32).astype(jnp.int32)
    # SAGEConv layer 1: lin_l (neighbor agg, with bias), lin_r (root, no bias)
    W1l = _glorot(ks[2], (HID_DIM, IN_DIM))
    b1l = jnp.zeros((HID_DIM,), dtype=jnp.float32)
    W1r = _glorot(ks[3], (HID_DIM, IN_DIM))
    # SAGEConv layer 2
    W2l = _glorot(ks[4], (OUT_DIM, HID_DIM))
    b2l = jnp.zeros((OUT_DIM,), dtype=jnp.float32)
    W2r = _glorot(ks[5], (OUT_DIM, HID_DIM))
    return {"x": x, "edge_index": edge_index, "W1l": W1l, "b1l": b1l, "W1r": W1r,
            "W2l": W2l, "b2l": b2l, "W2r": W2r}


def _sage_conv(x, edge_index, Wl, bl, Wr):
    src = edge_index[0]
    dst = edge_index[1]
    msg = jnp.take(x, src, axis=0)                      # gather [E, d]
    agg = jax.ops.segment_sum(msg, dst, num_segments=N_NODES)  # scatter-add
    deg = jax.ops.segment_sum(jnp.ones((msg.shape[0],), dtype=x.dtype), dst, num_segments=N_NODES)
    agg = agg / jnp.maximum(deg, 1.0)[:, None]          # mean aggregation
    return agg @ Wl.T + bl + x @ Wr.T


def reference(x, edge_index, W1l, b1l, W1r, W2l, b2l, W2r):
    h = _sage_conv(x, edge_index, W1l, b1l, W1r)
    h = jax.nn.relu(h)
    # dropout is identity in eval mode
    h = _sage_conv(h, edge_index, W2l, b2l, W2r)
    norm = jnp.linalg.norm(h, ord=2, axis=1, keepdims=True)
    return h / jnp.maximum(norm, 1e-12)

if __name__ == "__main__":
    import jax
    _d = setup_inputs()
    print(jax.jit(kernel)(*tuple(_d.values())))

</pallas_src>

<mosaic_0001>
#map = affine_map<(d0, d1) -> (0)>
#map1 = affine_map<(d0, d1) -> (0, 0)>
#map2 = affine_map<(d0, d1) -> (0, 0, 0)>
module attributes {stable_mosaic.version = 14 : i64} {
  func.func @body(%arg0: i32, %arg1: i32, %arg2: memref<320000xi32, #tpu.memory_space<hbm>>, %arg3: memref<320000xi32, #tpu.memory_space<hbm>>, %arg4: memref<10240x128xf32, #tpu.memory_space<hbm>>, %arg5: memref<2x10240x128xf32, #tpu.memory_space<hbm>>, %arg6: memref<2x10240xf32, #tpu.memory_space<hbm>>, %arg7: memref<64xi32, #tpu.memory_space<vmem>>, %arg8: memref<64xi32, #tpu.memory_space<vmem>>, %arg9: memref<64xi32, #tpu.memory_space<vmem>>, %arg10: memref<64xi32, #tpu.memory_space<vmem>>, %arg11: memref<64xi32, #tpu.memory_space<vmem>>, %arg12: memref<64xi32, #tpu.memory_space<vmem>>, %arg13: memref<64xi32, #tpu.memory_space<vmem>>, %arg14: memref<64xi32, #tpu.memory_space<vmem>>, %arg15: memref<4x64x128xf32, #tpu.memory_space<vmem>>, %arg16: memref<10240x128xf32, #tpu.memory_space<vmem_shared>>, %arg17: memref<!tpu.dma_semaphore, #tpu.memory_space<semaphore_mem>>, %arg18: memref<!tpu.dma_semaphore, #tpu.memory_space<semaphore_mem>>, %arg19: memref<!tpu.dma_semaphore, #tpu.memory_space<semaphore_mem>>, %arg20: memref<!tpu.dma_semaphore, #tpu.memory_space<semaphore_mem>>, %arg21: memref<!tpu.dma_semaphore, #tpu.memory_space<semaphore_mem>>, %arg22: memref<!tpu.dma_semaphore, #tpu.memory_space<semaphore_mem>>, %arg23: memref<!tpu.dma_semaphore, #tpu.memory_space<semaphore_mem>>, %arg24: memref<!tpu.dma_semaphore, #tpu.memory_space<semaphore_mem>>, %arg25: memref<!tpu.dma_semaphore, #tpu.memory_space<semaphore_mem>>, %arg26: memref<!tpu.dma_semaphore, #tpu.memory_space<semaphore_mem>>, %arg27: memref<!tpu.dma_semaphore, #tpu.memory_space<semaphore_mem>>, %arg28: memref<!tpu.dma_semaphore, #tpu.memory_space<semaphore_mem>>, %arg29: memref<!tpu.dma_semaphore, #tpu.memory_space<semaphore_mem>>, %arg30: memref<!tpu.dma_semaphore, #tpu.memory_space<semaphore_mem>>, %arg31: memref<!tpu.dma_semaphore, #tpu.memory_space<semaphore_mem>>, %arg32: memref<!tpu.dma_semaphore, #tpu.memory_space<semaphore_mem>>, %arg33: memref<!tpu.dma_semaphore, #tpu.memory_space<semaphore_mem>>, %arg34: memref<!tpu.dma_semaphore, #tpu.memory_space<semaphore_mem>>, %arg35: memref<!tpu.dma_semaphore, #tpu.memory_space<semaphore_mem>>, %arg36: memref<!tpu.dma_semaphore, #tpu.memory_space<semaphore_mem>>, %arg37: memref<64xf32, #tpu.memory_space<vmem>>, %arg38: memref<640xf32, #tpu.memory_space<vmem>>, %arg39: memref<10240xf32, #tpu.memory_space<vmem_shared>>) attributes {dimension_semantics = [#tpu.dimension_semantics<core_parallel>, #tpu.dimension_semantics<subcore_parallel>], iteration_bounds = array<i64: 2, 16>, scalar_prefetch = 0 : i64, scratch_operands = 33 : i64, tpu.core_type = #tpu.core_type<sc_vector_subcore>, window_params = [{transform_indices = #map}, {transform_indices = #map}, {transform_indices = #map1}, {transform_indices = #map2}, {transform_indices = #map1}]} {
    %mul3A = arith.constant 2 : i32
    %mul3A_0 = arith.muli %arg1, %mul3A : i32
    %add3A = arith.addi %mul3A_0, %arg0 : i32
    %mul3A_1 = arith.constant 156 : i32
    %mul3A_2 = arith.muli %add3A, %mul3A_1 : i32
    %min3A = arith.constant 8 : i32
    %min3A_3 = arith.minsi %add3A, %min3A : i32
    %add3A_4 = arith.addi %mul3A_2, %min3A_3 : i32
    %lt3A = arith.constant 8 : i32
    %lt3A_5 = arith.cmpi slt, %add3A, %lt3A : i32
    %jit3A = arith.constant 1 : i32
    %jit3A_6 = arith.constant 0 : i32
    %select_n3A = arith.select %lt3A_5, %jit3A, %jit3A_6 : i32
    %add3A_7 = arith.constant 156 : i32
    %add3A_8 = arith.addi %add3A_7, %select_n3A : i32
    %scan3A = arith.constant 0 : i32
    %scan3A_9 = arith.constant 0 : i32
    %scan3A_10 = arith.constant 512 : i32
    %scan3A_11 = arith.addi %scan3A_9, %scan3A_10 : i32
    %scan3A_12 = arith.constant 1 : i32
    %scan3A_13 = scf.for %scan3A_135 = %scan3A_9 to %scan3A_11 step %scan3A_12 iter_args(%scan3A_136 = %scan3A) -> (i32)  : i32 {
      %broadcast_in_dim3A = arith.constant 0.000000e+00 : f32
      %broadcast_in_dim3A_137 = vector.broadcast %broadcast_in_dim3A : f32 to vector<16xf32>
      %jit3A_138 = arith.constant 8 : i32
      %div3A = arith.divsi %scan3A_135, %jit3A_138 : i32
      %sign3A = arith.constant 0 : i32
      %sign3A_139 = arith.cmpi sgt, %scan3A_135, %sign3A : i32
      %sign3A_140 = arith.extui %sign3A_139 : i1 to i32
      %sign3A_141 = arith.constant 0 : i32
      %sign3A_142 = arith.cmpi slt, %scan3A_135, %sign3A_141 : i32
      %sign3A_143 = arith.extui %sign3A_142 : i1 to i32
      %sign3A_144 = arith.subi %sign3A_140, %sign3A_143 : i32
      %sign3A_145 = arith.constant 0 : i32
      %sign3A_146 = arith.cmpi sgt, %jit3A_138, %sign3A_145 : i32
      %sign3A_147 = arith.extui %sign3A_146 : i1 to i32
      %sign3A_148 = arith.constant 0 : i32
      %sign3A_149 = arith.cmpi slt, %jit3A_138, %sign3A_148 : i32
      %sign3A_150 = arith.extui %sign3A_149 : i1 to i32
      %sign3A_151 = arith.subi %sign3A_147, %sign3A_150 : i32
      %ne3A = arith.cmpi ne, %sign3A_144, %sign3A_151 : i32
      %rem3A = arith.remsi %scan3A_135, %jit3A_138 : i32
      %ne3A_152 = arith.constant 0 : i32
      %ne3A_153 = arith.cmpi ne, %rem3A, %ne3A_152 : i32
      %and3A = arith.andi %ne3A, %ne3A_153 : i1
      %sub3A = arith.constant 1 : i32
      %sub3A_154 = arith.subi %div3A, %sub3A : i32
      %select_n3A_155 = arith.select %and3A, %sub3A_154, %div3A : i32
      %jit3A_156 = arith.constant 8 : i32
      %eq3A = arith.constant 0 : i32
      %eq3A_157 = arith.cmpi eq, %jit3A_156, %eq3A : i32
      %jit3A_158 = arith.constant 1 : i32
      %select_n3A_159 = arith.select %eq3A_157, %jit3A_158, %jit3A_156 : i32
      %rem3A_160 = arith.remsi %scan3A_135, %select_n3A_159 : i32
      %ne3A_161 = arith.constant 0 : i32
      %ne3A_162 = arith.cmpi ne, %rem3A_160, %ne3A_161 : i32
      %lt3A_163 = arith.constant 0 : i32
      %lt3A_164 = arith.cmpi slt, %rem3A_160, %lt3A_163 : i32
      %lt3A_165 = arith.constant 0 : i32
      %lt3A_166 = arith.cmpi slt, %select_n3A_159, %lt3A_165 : i32
      %ne3A_167 = arith.xori %lt3A_164, %lt3A_166 : i1
      %and3A_168 = arith.andi %ne3A_167, %ne3A_162 : i1
      %add3A_169 = arith.addi %rem3A_160, %select_n3A_159 : i32
      %select_n3A_170 = arith.select %and3A_168, %add3A_169, %rem3A_160 : i32
      %mul3A_171 = arith.constant 16 : i32
      %mul3A_172 = arith.muli %select_n3A_170, %mul3A_171 : i32
      %swap3A = arith.constant 0 : i32
      %swap3A_173 = arith.index_cast %swap3A : i32 to index
      %swap3A_174 = arith.index_cast %select_n3A_155 : i32 to index
      %swap3A_175 = arith.index_cast %mul3A_172 : i32 to index
      %swap3A_176 = tpu.vector_load %arg15[%swap3A_173, %swap3A_174, %swap3A_175] {strides = array<i32>} : memref<4x64x128xf32, #tpu.memory_space<vmem>>, vector<1x1x16xf32>,
      %swap3A_177 = vector.shape_cast %swap3A_176 : vector<1x1x16xf32> to vector<16xf32>
      %swap3A_178 = vector.shape_cast %broadcast_in_dim3A_137 : vector<16xf32> to vector<1x1x16xf32>
      tpu.vector_store %arg15[%swap3A_173, %swap3A_174, %swap3A_175], %swap3A_178 {strides = array<i32>} : memref<4x64x128xf32, #tpu.memory_space<vmem>>, vector<1x1x16xf32>,
      %scan3A_179 = arith.constant 0 : i32
      scf.yield %scan3A_179 : i32
    }
    %scan3A_14 = arith.constant 512 : i32
    %mul3A_15 = arith.constant 640 : i32
    %mul3A_16 = arith.muli %arg1, %mul3A_15 : i32
    %add3A_17 = arith.constant 0 : i32
    %add3A_18 = arith.addi %mul3A_16, %add3A_17 : i32
    %run_scoped3A = arith.constant 0 : i32
    "tpu.region"() ({
      %run_scoped3A_135 = tpu.sem_alloc : memref<!tpu.dma_semaphore, #tpu.memory_space<semaphore_mem>>
      %dma_start3A = arith.constant 0 : i32
      %dma_start3A_136 = arith.constant 0 : i32
      %dma_start3A_137 = tpu.memref_slice %arg15[%run_scoped3A, %dma_start3A, %dma_start3A_136] : memref<4x64x128xf32, #tpu.memory_space<vmem>> -> memref<1x64x128xf32, #tpu.memory_space<vmem>>
      %dma_start3A_138 = tpu.memref_squeeze %dma_start3A_137 : memref<1x64x128xf32, #tpu.memory_space<vmem>> -> memref<64x128xf32, #tpu.memory_space<vmem>>
      %dma_start3A_139 = arith.constant 0 : i32
      %dma_start3A_140 = tpu.memref_slice %arg16[%add3A_18, %dma_start3A_139] : memref<10240x128xf32, #tpu.memory_space<vmem_shared>> -> memref<64x128xf32, #tpu.memory_space<vmem_shared>>
      %dma_start3A_141 = arith.constant 0 : i32
      %dma_start3A_142 = tpu.memref_slice %arg16[%add3A_18, %dma_start3A_141] : memref<10240x128xf32, #tpu.memory_space<vmem_shared>> -> memref<64x128xf32, #tpu.memory_space<vmem_shared>>
      %dma_start3A_143 = arith.constant 0 : i32
      %dma_start3A_144 = arith.constant 0 : i32
      %dma_start3A_145 = tpu.memref_slice %arg15[%run_scoped3A, %dma_start3A_143, %dma_start3A_144] : memref<4x64x128xf32, #tpu.memory_space<vmem>> -> memref<1x64x128xf32, #tpu.memory_space<vmem>>
      %dma_start3A_146 = tpu.memref_squeeze %dma_start3A_145 : memref<1x64x128xf32, #tpu.memory_space<vmem>> -> memref<64x128xf32, #tpu.memory_space<vmem>>
      tpu.enqueue_dma source(%dma_start3A_146 : memref<64x128xf32, #tpu.memory_space<vmem>>) target(%dma_start3A_142 : memref<64x128xf32, #tpu.memory_space<vmem_shared>>) target_semaphore(%run_scoped3A_135 : memref<!tpu.dma_semaphore, #tpu.memory_space<semaphore_mem>>)
      %dma_wait3A_147 = arith.constant 0 : i32
      %dma_wait3A_148 = arith.constant 0 : i32
      %dma_wait3A_149 = tpu.memref_slice %arg15[%run_scoped3A, %dma_wait3A_147, %dma_wait3A_148] : memref<4x64x128xf32, #tpu.memory_space<vmem>> -> memref<1x64x128xf32, #tpu.memory_space<vmem>>
      %dma_wait3A_150 = tpu.memref_squeeze %dma_wait3A_149 : memref<1x64x128xf32, #tpu.memory_space<vmem>> -> memref<64x128xf32, #tpu.memory_space<vmem>>
      %dma_wait3A_151 = arith.constant 0 : i32
      %dma_wait3A_152 = tpu.memref_slice %arg16[%add3A_18, %dma_wait3A_151] : memref<10240x128xf32, #tpu.memory_space<vmem_shared>> -> memref<64x128xf32, #tpu.memory_space<vmem_shared>>
      %dma_wait3A_153 = arith.constant 0 : i32
      %dma_wait3A_154 = tpu.memref_slice %arg16[%add3A_18, %dma_wait3A_153] : memref<10240x128xf32, #tpu.memory_space<vmem_shared>> -> memref<64x128xf32, #tpu.memory_space<vmem_shared>>
      %dma_wait3A_155 = arith.constant 0 : i32
      %dma_wait3A_156 = arith.constant 0 : i32
      %dma_wait3A_157 = tpu.memref_slice %arg15[%run_scoped3A, %dma_wait3A_155, %dma_wait3A_156] : memref<4x64x128xf32, #tpu.memory_space<vmem>> -> memref<1x64x128xf32, #tpu.memory_space<vmem>>
      %dma_wait3A_158 = tpu.memref_squeeze %dma_wait3A_157 : memref<1x64x128xf32, #tpu.memory_space<vmem>> -> memref<64x128xf32, #tpu.memory_space<vmem>>
      tpu.wait_dma2 semaphore(%run_scoped3A_135 : memref<!tpu.dma_semaphore, #tpu.memory_space<semaphore_mem>>) src(%dma_wait3A_158 : memref<64x128xf32, #tpu.memory_space<vmem>>) dst(%dma_wait3A_154 : memref<64x128xf32, #tpu.memory_space<vmem_shared>>)
      tpu.yield
    }) : () -> ()
    %mul3A_19 = arith.constant 640 : i32
    %mul3A_20 = arith.muli %arg1, %mul3A_19 : i32
    %add3A_21 = arith.constant 64 : i32
    %add3A_22 = arith.addi %mul3A_20, %add3A_21 : i32
    %run_scoped3A_23 = arith.constant 0 : i32
    "tpu.region"() ({
      %run_scoped3A_135 = tpu.sem_alloc : memref<!tpu.dma_semaphore, #tpu.memory_space<semaphore_mem>>
      %dma_start3A = arith.constant 0 : i32
      %dma_start3A_136 = arith.constant 0 : i32
      %dma_start3A_137 = tpu.memref_slice %arg15[%run_scoped3A_23, %dma_start3A, %dma_start3A_136] : memref<4x64x128xf32, #tpu.memory_space<vmem>> -> memref<1x64x128xf32, #tpu.memory_space<vmem>>
      %dma_start3A_138 = tpu.memref_squeeze %dma_start3A_137 : memref<1x64x128xf32, #tpu.memory_space<vmem>> -> memref<64x128xf32, #tpu.memory_space<vmem>>
      %dma_start3A_139 = arith.constant 0 : i32
      %dma_start3A_140 = tpu.memref_slice %arg16[%add3A_22, %dma_start3A_139] : memref<10240x128xf32, #tpu.memory_space<vmem_shared>> -> memref<64x128xf32, #tpu.memory_space<vmem_shared>>
      %dma_start3A_141 = arith.constant 0 : i32
      %dma_start3A_142 = tpu.memref_slice %arg16[%add3A_22, %dma_start3A_141] : memref<10240x128xf32, #tpu.memory_space<vmem_shared>> -> memref<64x128xf32, #tpu.memory_space<vmem_shared>>
      %dma_start3A_143 = arith.constant 0 : i32
      %dma_start3A_144 = arith.constant 0 : i32
      %dma_start3A_145 = tpu.memref_slice %arg15[%run_scoped3A_23, %dma_start3A_143, %dma_start3A_144] : memref<4x64x128xf32, #tpu.memory_space<vmem>> -> memref<1x64x128xf32, #tpu.memory_space<vmem>>
      %dma_start3A_146 = tpu.memref_squeeze %dma_start3A_145 : memref<1x64x128xf32, #tpu.memory_space<vmem>> -> memref<64x128xf32, #tpu.memory_space<vmem>>
      tpu.enqueue_dma source(%dma_start3A_146 : memref<64x128xf32, #tpu.memory_space<vmem>>) target(%dma_start3A_142 : memref<64x128xf32, #tpu.memory_space<vmem_shared>>) target_semaphore(%run_scoped3A_135 : memref<!tpu.dma_semaphore, #tpu.memory_space<semaphore_mem>>)
      %dma_wait3A_147 = arith.constant 0 : i32
      %dma_wait3A_148 = arith.constant 0 : i32
      %dma_wait3A_149 = tpu.memref_slice %arg15[%run_scoped3A_23, %dma_wait3A_147, %dma_wait3A_148] : memref<4x64x128xf32, #tpu.memory_space<vmem>> -> memref<1x64x128xf32, #tpu.memory_space<vmem>>
      %dma_wait3A_150 = tpu.memref_squeeze %dma_wait3A_149 : memref<1x64x128xf32, #tpu.memory_space<vmem>> -> memref<64x128xf32, #tpu.memory_space<vmem>>
      %dma_wait3A_151 = arith.constant 0 : i32
      %dma_wait3A_152 = tpu.memref_slice %arg16[%add3A_22, %dma_wait3A_151] : memref<10240x128xf32, #tpu.memory_space<vmem_shared>> -> memref<64x128xf32, #tpu.memory_space<vmem_shared>>
      %dma_wait3A_153 = arith.constant 0 : i32
      %dma_wait3A_154 = tpu.memref_slice %arg16[%add3A_22, %dma_wait3A_153] : memref<10240x128xf32, #tpu.memory_space<vmem_shared>> -> memref<64x128xf32, #tpu.memory_space<vmem_shared>>
      %dma_wait3A_155 = arith.constant 0 : i32
      %dma_wait3A_156 = arith.constant 0 : i32
      %dma_wait3A_157 = tpu.memref_slice %arg15[%run_scoped3A_23, %dma_wait3A_155, %dma_wait3A_156] : memref<4x64x128xf32, #tpu.memory_space<vmem>> -> memref<1x64x128xf32, #tpu.memory_space<vmem>>
      %dma_wait3A_158 = tpu.memref_squeeze %dma_wait3A_157 : memref<1x64x128xf32, #tpu.memory_space<vmem>> -> memref<64x128xf32, #tpu.memory_space<vmem>>
      tpu.wait_dma2 semaphore(%run_scoped3A_135 : memref<!tpu.dma_semaphore, #tpu.memory_space<semaphore_mem>>) src(%dma_wait3A_158 : memref<64x128xf32, #tpu.memory_space<vmem>>) dst(%dma_wait3A_154 : memref<64x128xf32, #tpu.memory_space<vmem_shared>>)
      tpu.yield
    }) : () -> ()
    %mul3A_24 = arith.constant 640 : i32
    %mul3A_25 = arith.muli %arg1, %mul3A_24 : i32
    %add3A_26 = arith.constant 128 : i32
    %add3A_27 = arith.addi %mul3A_25, %add3A_26 : i32
    %run_scoped3A_28 = arith.constant 0 : i32
    "tpu.region"() ({
      %run_scoped3A_135 = tpu.sem_alloc : memref<!tpu.dma_semaphore, #tpu.memory_space<semaphore_mem>>
      %dma_start3A = arith.constant 0 : i32
      %dma_start3A_136 = arith.constant 0 : i32
      %dma_start3A_137 = tpu.memref_slice %arg15[%run_scoped3A_28, %dma_start3A, %dma_start3A_136] : memref<4x64x128xf32, #tpu.memory_space<vmem>> -> memref<1x64x128xf32, #tpu.memory_space<vmem>>
      %dma_start3A_138 = tpu.memref_squeeze %dma_start3A_137 : memref<1x64x128xf32, #tpu.memory_space<vmem>> -> memref<64x128xf32, #tpu.memory_space<vmem>>
      %dma_start3A_139 = arith.constant 0 : i32
      %dma_start3A_140 = tpu.memref_slice %arg16[%add3A_27, %dma_start3A_139] : memref<10240x128xf32, #tpu.memory_space<vmem_shared>> -> memref<64x128xf32, #tpu.memory_space<vmem_shared>>
      %dma_start3A_141 = arith.constant 0 : i32
      %dma_start3A_142 = tpu.memref_slice %arg16[%add3A_27, %dma_start3A_141] : memref<10240x128xf32, #tpu.memory_space<vmem_shared>> -> memref<64x128xf32, #tpu.memory_space<vmem_shared>>
      %dma_start3A_143 = arith.constant 0 : i32
      %dma_start3A_144 = arith.constant 0 : i32
      %dma_start3A_145 = tpu.memref_slice %arg15[%run_scoped3A_28, %dma_start3A_143, %dma_start3A_144] : memref<4x64x128xf32, #tpu.memory_space<vmem>> -> memref<1x64x128xf32, #tpu.memory_space<vmem>>
      %dma_start3A_146 = tpu.memref_squeeze %dma_start3A_145 : memref<1x64x128xf32, #tpu.memory_space<vmem>> -> memref<64x128xf32, #tpu.memory_space<vmem>>
      tpu.enqueue_dma source(%dma_start3A_146 : memref<64x128xf32, #tpu.memory_space<vmem>>) target(%dma_start3A_142 : memref<64x128xf32, #tpu.memory_space<vmem_shared>>) target_semaphore(%run_scoped3A_135 : memref<!tpu.dma_semaphore, #tpu.memory_space<semaphore_mem>>)
      %dma_wait3A_147 = arith.constant 0 : i32
      %dma_wait3A_148 = arith.constant 0 : i32
      %dma_wait3A_149 = tpu.memref_slice %arg15[%run_scoped3A_28, %dma_wait3A_147, %dma_wait3A_148] : memref<4x64x128xf32, #tpu.memory_space<vmem>> -> memref<1x64x128xf32, #tpu.memory_space<vmem>>
      %dma_wait3A_150 = tpu.memref_squeeze %dma_wait3A_149 : memref<1x64x128xf32, #tpu.memory_space<vmem>> -> memref<64x128xf32, #tpu.memory_space<vmem>>
      %dma_wait3A_151 = arith.constant 0 : i32
      %dma_wait3A_152 = tpu.memref_slice %arg16[%add3A_27, %dma_wait3A_151] : memref<10240x128xf32, #tpu.memory_space<vmem_shared>> -> memref<64x128xf32, #tpu.memory_space<vmem_shared>>
      %dma_wait3A_153 = arith.constant 0 : i32
      %dma_wait3A_154 = tpu.memref_slice %arg16[%add3A_27, %dma_wait3A_153] : memref<10240x128xf32, #tpu.memory_space<vmem_shared>> -> memref<64x128xf32, #tpu.memory_space<vmem_shared>>
      %dma_wait3A_155 = arith.constant 0 : i32
      %dma_wait3A_156 = arith.constant 0 : i32
      %dma_wait3A_157 = tpu.memref_slice %arg15[%run_scoped3A_28, %dma_wait3A_155, %dma_wait3A_156] : memref<4x64x128xf32, #tpu.memory_space<vmem>> -> memref<1x64x128xf32, #tpu.memory_space<vmem>>
      %dma_wait3A_158 = tpu.memref_squeeze %dma_wait3A_157 : memref<1x64x128xf32, #tpu.memory_space<vmem>> -> memref<64x128xf32, #tpu.memory_space<vmem>>
      tpu.wait_dma2 semaphore(%run_scoped3A_135 : memref<!tpu.dma_semaphore, #tpu.memory_space<semaphore_mem>>) src(%dma_wait3A_158 : memref<64x128xf32, #tpu.memory_space<vmem>>) dst(%dma_wait3A_154 : memref<64x128xf32, #tpu.memory_space<vmem_shared>>)
      tpu.yield
    }) : () -> ()
    %mul3A_29 = arith.constant 640 : i32
    %mul3A_30 = arith.muli %arg1, %mul3A_29 : i32
    %add3A_31 = arith.constant 192 : i32
    %add3A_32 = arith.addi %mul3A_30, %add3A_31 : i32
    %run_scoped3A_33 = arith.constant 0 : i32
    "tpu.region"() ({
      %run_scoped3A_135 = tpu.sem_alloc : memref<!tpu.dma_semaphore, #tpu.memory_space<semaphore_mem>>
      %dma_start3A = arith.constant 0 : i32
      %dma_start3A_136 = arith.constant 0 : i32
      %dma_start3A_137 = tpu.memref_slice %arg15[%run_scoped3A_33, %dma_start3A, %dma_start3A_136] : memref<4x64x128xf32, #tpu.memory_space<vmem>> -> memref<1x64x128xf32, #tpu.memory_space<vmem>>
      %dma_start3A_138 = tpu.memref_squeeze %dma_start3A_137 : memref<1x64x128xf32, #tpu.memory_space<vmem>> -> memref<64x128xf32, #tpu.memory_space<vmem>>
      %dma_start3A_139 = arith.constant 0 : i32
      %dma_start3A_140 = tpu.memref_slice %arg16[%add3A_32, %dma_start3A_139] : memref<10240x128xf32, #tpu.memory_space<vmem_shared>> -> memref<64x128xf32, #tpu.memory_space<vmem_shared>>
      %dma_start3A_141 = arith.constant 0 : i32
      %dma_start3A_142 = tpu.memref_slice %arg16[%add3A_32, %dma_start3A_141] : memref<10240x128xf32, #tpu.memory_space<vmem_shared>> -> memref<64x128xf32, #tpu.memory_space<vmem_shared>>
      %dma_start3A_143 = arith.constant 0 : i32
      %dma_start3A_144 = arith.constant 0 : i32
      %dma_start3A_145 = tpu.memref_slice %arg15[%run_scoped3A_33, %dma_start3A_143, %dma_start3A_144] : memref<4x64x128xf32, #tpu.memory_space<vmem>> -> memref<1x64x128xf32, #tpu.memory_space<vmem>>
      %dma_start3A_146 = tpu.memref_squeeze %dma_start3A_145 : memref<1x64x128xf32, #tpu.memory_space<vmem>> -> memref<64x128xf32, #tpu.memory_space<vmem>>
      tpu.enqueue_dma source(%dma_start3A_146 : memref<64x128xf32, #tpu.memory_space<vmem>>) target(%dma_start3A_142 : memref<64x128xf32, #tpu.memory_space<vmem_shared>>) target_semaphore(%run_scoped3A_135 : memref<!tpu.dma_semaphore, #tpu.memory_space<semaphore_mem>>)
      %dma_wait3A_147 = arith.constant 0 : i32
      %dma_wait3A_148 = arith.constant 0 : i32
      %dma_wait3A_149 = tpu.memref_slice %arg15[%run_scoped3A_33, %dma_wait3A_147, %dma_wait3A_148] : memref<4x64x128xf32, #tpu.memory_space<vmem>> -> memref<1x64x128xf32, #tpu.memory_space<vmem>>
      %dma_wait3A_150 = tpu.memref_squeeze %dma_wait3A_149 : memref<1x64x128xf32, #tpu.memory_space<vmem>> -> memref<64x128xf32, #tpu.memory_space<vmem>>
      %dma_wait3A_151 = arith.constant 0 : i32
      %dma_wait3A_152 = tpu.memref_slice %arg16[%add3A_32, %dma_wait3A_151] : memref<10240x128xf32, #tpu.memory_space<vmem_shared>> -> memref<64x128xf32, #tpu.memory_space<vmem_shared>>
      %dma_wait3A_153 = arith.constant 0 : i32
      %dma_wait3A_154 = tpu.memref_slice %arg16[%add3A_32, %dma_wait3A_153] : memref<10240x128xf32, #tpu.memory_space<vmem_shared>> -> memref<64x128xf32, #tpu.memory_space<vmem_shared>>
      %dma_wait3A_155 = arith.constant 0 : i32
      %dma_wait3A_156 = arith.constant 0 : i32
      %dma_wait3A_157 = tpu.memref_slice %arg15[%run_scoped3A_33, %dma_wait3A_155, %dma_wait3A_156] : memref<4x64x128xf32, #tpu.memory_space<vmem>> -> memref<1x64x128xf32, #tpu.memory_space<vmem>>
      %dma_wait3A_158 = tpu.memref_squeeze %dma_wait3A_157 : memref<1x64x128xf32, #tpu.memory_space<vmem>> -> memref<64x128xf32, #tpu.memory_space<vmem>>
      tpu.wait_dma2 semaphore(%run_scoped3A_135 : memref<!tpu.dma_semaphore, #tpu.memory_space<semaphore_mem>>) src(%dma_wait3A_158 : memref<64x128xf32, #tpu.memory_space<vmem>>) dst(%dma_wait3A_154 : memref<64x128xf32, #tpu.memory_space<vmem_shared>>)
      tpu.yield
    }) : () -> ()
    %mul3A_34 = arith.constant 640 : i32
    %mul3A_35 = arith.muli %arg1, %mul3A_34 : i32
    %add3A_36 = arith.constant 256 : i32
    %add3A_37 = arith.addi %mul3A_35, %add3A_36 : i32
    %run_scoped3A_38 = arith.constant 0 : i32
    "tpu.region"() ({
      %run_scoped3A_135 = tpu.sem_alloc : memref<!tpu.dma_semaphore, #tpu.memory_space<semaphore_mem>>
      %dma_start3A = arith.constant 0 : i32
      %dma_start3A_136 = arith.constant 0 : i32
      %dma_start3A_137 = tpu.memref_slice %arg15[%run_scoped3A_38, %dma_start3A, %dma_start3A_136] : memref<4x64x128xf32, #tpu.memory_space<vmem>> -> memref<1x64x128xf32, #tpu.memory_space<vmem>>
      %dma_start3A_138 = tpu.memref_squeeze %dma_start3A_137 : memref<1x64x128xf32, #tpu.memory_space<vmem>> -> memref<64x128xf32, #tpu.memory_space<vmem>>
      %dma_start3A_139 = arith.constant 0 : i32
      %dma_start3A_140 = tpu.memref_slice %arg16[%add3A_37, %dma_start3A_139] : memref<10240x128xf32, #tpu.memory_space<vmem_shared>> -> memref<64x128xf32, #tpu.memory_space<vmem_shared>>
      %dma_start3A_141 = arith.constant 0 : i32
      %dma_start3A_142 = tpu.memref_slice %arg16[%add3A_37, %dma_start3A_141] : memref<10240x128xf32, #tpu.memory_space<vmem_shared>> -> memref<64x128xf32, #tpu.memory_space<vmem_shared>>
      %dma_start3A_143 = arith.constant 0 : i32
      %dma_start3A_144 = arith.constant 0 : i32
      %dma_start3A_145 = tpu.memref_slice %arg15[%run_scoped3A_38, %dma_start3A_143, %dma_start3A_144] : memref<4x64x128xf32, #tpu.memory_space<vmem>> -> memref<1x64x128xf32, #tpu.memory_space<vmem>>
      %dma_start3A_146 = tpu.memref_squeeze %dma_start3A_145 : memref<1x64x128xf32, #tpu.memory_space<vmem>> -> memref<64x128xf32, #tpu.memory_space<vmem>>
      tpu.enqueue_dma source(%dma_start3A_146 : memref<64x128xf32, #tpu.memory_space<vmem>>) target(%dma_start3A_142 : memref<64x128xf32, #tpu.memory_space<vmem_shared>>) target_semaphore(%run_scoped3A_135 : memref<!tpu.dma_semaphore, #tpu.memory_space<semaphore_mem>>)
      %dma_wait3A_147 = arith.constant 0 : i32
      %dma_wait3A_148 = arith.constant 0 : i32
      %dma_wait3A_149 = tpu.memref_slice %arg15[%run_scoped3A_38, %dma_wait3A_147, %dma_wait3A_148] : memref<4x64x128xf32, #tpu.memory_space<vmem>> -> memref<1x64x128xf32, #tpu.memory_space<vmem>>
      %dma_wait3A_150 = tpu.memref_squeeze %dma_wait3A_149 : memref<1x64x128xf32, #tpu.memory_space<vmem>> -> memref<64x128xf32, #tpu.memory_space<vmem>>
      %dma_wait3A_151 = arith.constant 0 : i32
      %dma_wait3A_152 = tpu.memref_slice %arg16[%add3A_37, %dma_wait3A_151] : memref<10240x128xf32, #tpu.memory_space<vmem_shared>> -> memref<64x128xf32, #tpu.memory_space<vmem_shared>>
      %dma_wait3A_153 = arith.constant 0 : i32
      %dma_wait3A_154 = tpu.memref_slice %arg16[%add3A_37, %dma_wait3A_153] : memref<10240x128xf32, #tpu.memory_space<vmem_shared>> -> memref<64x128xf32, #tpu.memory_space<vmem_shared>>
      %dma_wait3A_155 = arith.constant 0 : i32
      %dma_wait3A_156 = arith.constant 0 : i32
      %dma_wait3A_157 = tpu.memref_slice %arg15[%run_scoped3A_38, %dma_wait3A_155, %dma_wait3A_156] : memref<4x64x128xf32, #tpu.memory_space<vmem>> -> memref<1x64x128xf32, #tpu.memory_space<vmem>>
      %dma_wait3A_158 = tpu.memref_squeeze %dma_wait3A_157 : memref<1x64x128xf32, #tpu.memory_space<vmem>> -> memref<64x128xf32, #tpu.memory_space<vmem>>
      tpu.wait_dma2 semaphore(%run_scoped3A_135 : memref<!tpu.dma_semaphore, #tpu.memory_space<semaphore_mem>>) src(%dma_wait3A_158 : memref<64x128xf32, #tpu.memory_space<vmem>>) dst(%dma_wait3A_154 : memref<64x128xf32, #tpu.memory_space<vmem_shared>>)
      tpu.yield
    }) : () -> ()
    %mul3A_39 = arith.constant 640 : i32
    %mul3A_40 = arith.muli %arg1, %mul3A_39 : i32
    %add3A_41 = arith.constant 320 : i32
    %add3A_42 = arith.addi %mul3A_40, %add3A_41 : i32
    %run_scoped3A_43 = arith.constant 0 : i32
    "tpu.region"() ({
      %run_scoped3A_135 = tpu.sem_alloc : memref<!tpu.dma_semaphore, #tpu.memory_space<semaphore_mem>>
      %dma_start3A = arith.constant 0 : i32
      %dma_start3A_136 = arith.constant 0 : i32
      %dma_start3A_137 = tpu.memref_slice %arg15[%run_scoped3A_43, %dma_start3A, %dma_start3A_136] : memref<4x64x128xf32, #tpu.memory_space<vmem>> -> memref<1x64x128xf32, #tpu.memory_space<vmem>>
      %dma_start3A_138 = tpu.memref_squeeze %dma_start3A_137 : memref<1x64x128xf32, #tpu.memory_space<vmem>> -> memref<64x128xf32, #tpu.memory_space<vmem>>
      %dma_start3A_139 = arith.constant 0 : i32
      %dma_start3A_140 = tpu.memref_slice %arg16[%add3A_42, %dma_start3A_139] : memref<10240x128xf32, #tpu.memory_space<vmem_shared>> -> memref<64x128xf32, #tpu.memory_space<vmem_shared>>
      %dma_start3A_141 = arith.constant 0 : i32
      %dma_start3A_142 = tpu.memref_slice %arg16[%add3A_42, %dma_start3A_141] : memref<10240x128xf32, #tpu.memory_space<vmem_shared>> -> memref<64x128xf32, #tpu.memory_space<vmem_shared>>
      %dma_start3A_143 = arith.constant 0 : i32
      %dma_start3A_144 = arith.constant 0 : i32
      %dma_start3A_145 = tpu.memref_slice %arg15[%run_scoped3A_43, %dma_start3A_143, %dma_start3A_144] : memref<4x64x128xf32, #tpu.memory_space<vmem>> -> memref<1x64x128xf32, #tpu.memory_space<vmem>>
      %dma_start3A_146 = tpu.memref_squeeze %dma_start3A_145 : memref<1x64x128xf32, #tpu.memory_space<vmem>> -> memref<64x128xf32, #tpu.memory_space<vmem>>
      tpu.enqueue_dma source(%dma_start3A_146 : memref<64x128xf32, #tpu.memory_space<vmem>>) target(%dma_start3A_142 : memref<64x128xf32, #tpu.memory_space<vmem_shared>>) target_semaphore(%run_scoped3A_135 : memref<!tpu.dma_semaphore, #tpu.memory_space<semaphore_mem>>)
      %dma_wait3A_147 = arith.constant 0 : i32
      %dma_wait3A_148 = arith.constant 0 : i32
      %dma_wait3A_149 = tpu.memref_slice %arg15[%run_scoped3A_43, %dma_wait3A_147, %dma_wait3A_148] : memref<4x64x128xf32, #tpu.memory_space<vmem>> -> memref<1x64x128xf32, #tpu.memory_space<vmem>>
      %dma_wait3A_150 = tpu.memref_squeeze %dma_wait3A_149 : memref<1x64x128xf32, #tpu.memory_space<vmem>> -> memref<64x128xf32, #tpu.memory_space<vmem>>
      %dma_wait3A_151 = arith.constant 0 : i32
      %dma_wait3A_152 = tpu.memref_slice %arg16[%add3A_42, %dma_wait3A_151] : memref<10240x128xf32, #tpu.memory_space<vmem_shared>> -> memref<64x128xf32, #tpu.memory_space<vmem_shared>>
      %dma_wait3A_153 = arith.constant 0 : i32
      %dma_wait3A_154 = tpu.memref_slice %arg16[%add3A_42, %dma_wait3A_153] : memref<10240x128xf32, #tpu.memory_space<vmem_shared>> -> memref<64x128xf32, #tpu.memory_space<vmem_shared>>
      %dma_wait3A_155 = arith.constant 0 : i32
      %dma_wait3A_156 = arith.constant 0 : i32
      %dma_wait3A_157 = tpu.memref_slice %arg15[%run_scoped3A_43, %dma_wait3A_155, %dma_wait3A_156] : memref<4x64x128xf32, #tpu.memory_space<vmem>> -> memref<1x64x128xf32, #tpu.memory_space<vmem>>
      %dma_wait3A_158 = tpu.memref_squeeze %dma_wait3A_157 : memref<1x64x128xf32, #tpu.memory_space<vmem>> -> memref<64x128xf32, #tpu.memory_space<vmem>>
      tpu.wait_dma2 semaphore(%run_scoped3A_135 : memref<!tpu.dma_semaphore, #tpu.memory_space<semaphore_mem>>) src(%dma_wait3A_158 : memref<64x128xf32, #tpu.memory_space<vmem>>) dst(%dma_wait3A_154 : memref<64x128xf32, #tpu.memory_space<vmem_shared>>)
      tpu.yield
    }) : () -> ()
    %mul3A_44 = arith.constant 640 : i32
    %mul3A_45 = arith.muli %arg1, %mul3A_44 : i32
    %add3A_46 = arith.constant 384 : i32
    %add3A_47 = arith.addi %mul3A_45, %add3A_46 : i32
    %run_scoped3A_48 = arith.constant 0 : i32
    "tpu.region"() ({
      %run_scoped3A_135 = tpu.sem_alloc : memref<!tpu.dma_semaphore, #tpu.memory_space<semaphore_mem>>
      %dma_start3A = arith.constant 0 : i32
      %dma_start3A_136 = arith.constant 0 : i32
      %dma_start3A_137 = tpu.memref_slice %arg15[%run_scoped3A_48, %dma_start3A, %dma_start3A_136] : memref<4x64x128xf32, #tpu.memory_space<vmem>> -> memref<1x64x128xf32, #tpu.memory_space<vmem>>
      %dma_start3A_138 = tpu.memref_squeeze %dma_start3A_137 : memref<1x64x128xf32, #tpu.memory_space<vmem>> -> memref<64x128xf32, #tpu.memory_space<vmem>>
      %dma_start3A_139 = arith.constant 0 : i32
      %dma_start3A_140 = tpu.memref_slice %arg16[%add3A_47, %dma_start3A_139] : memref<10240x128xf32, #tpu.memory_space<vmem_shared>> -> memref<64x128xf32, #tpu.memory_space<vmem_shared>>
      %dma_start3A_141 = arith.constant 0 : i32
      %dma_start3A_142 = tpu.memref_slice %arg16[%add3A_47, %dma_start3A_141] : memref<10240x128xf32, #tpu.memory_space<vmem_shared>> -> memref<64x128xf32, #tpu.memory_space<vmem_shared>>
      %dma_start3A_143 = arith.constant 0 : i32
      %dma_start3A_144 = arith.constant 0 : i32
      %dma_start3A_145 = tpu.memref_slice %arg15[%run_scoped3A_48, %dma_start3A_143, %dma_start3A_144] : memref<4x64x128xf32, #tpu.memory_space<vmem>> -> memref<1x64x128xf32, #tpu.memory_space<vmem>>
      %dma_start3A_146 = tpu.memref_squeeze %dma_start3A_145 : memref<1x64x128xf32, #tpu.memory_space<vmem>> -> memref<64x128xf32, #tpu.memory_space<vmem>>
      tpu.enqueue_dma source(%dma_start3A_146 : memref<64x128xf32, #tpu.memory_space<vmem>>) target(%dma_start3A_142 : memref<64x128xf32, #tpu.memory_space<vmem_shared>>) target_semaphore(%run_scoped3A_135 : memref<!tpu.dma_semaphore, #tpu.memory_space<semaphore_mem>>)
      %dma_wait3A_147 = arith.constant 0 : i32
      %dma_wait3A_148 = arith.constant 0 : i32
      %dma_wait3A_149 = tpu.memref_slice %arg15[%run_scoped3A_48, %dma_wait3A_147, %dma_wait3A_148] : memref<4x64x128xf32, #tpu.memory_space<vmem>> -> memref<1x64x128xf32, #tpu.memory_space<vmem>>
      %dma_wait3A_150 = tpu.memref_squeeze %dma_wait3A_149 : memref<1x64x128xf32, #tpu.memory_space<vmem>> -> memref<64x128xf32, #tpu.memory_space<vmem>>
      %dma_wait3A_151 = arith.constant 0 : i32
      %dma_wait3A_152 = tpu.memref_slice %arg16[%add3A_47, %dma_wait3A_151] : memref<10240x128xf32, #tpu.memory_space<vmem_shared>> -> memref<64x128xf32, #tpu.memory_space<vmem_shared>>
      %dma_wait3A_153 = arith.constant 0 : i32
      %dma_wait3A_154 = tpu.memref_slice %arg16[%add3A_47, %dma_wait3A_153] : memref<10240x128xf32, #tpu.memory_space<vmem_shared>> -> memref<64x128xf32, #tpu.memory_space<vmem_shared>>
      %dma_wait3A_155 = arith.constant 0 : i32
      %dma_wait3A_156 = arith.constant 0 : i32
      %dma_wait3A_157 = tpu.memref_slice %arg15[%run_scoped3A_48, %dma_wait3A_155, %dma_wait3A_156] : memref<4x64x128xf32, #tpu.memory_space<vmem>> -> memref<1x64x128xf32, #tpu.memory_space<vmem>>
      %dma_wait3A_158 = tpu.memref_squeeze %dma_wait3A_157 : memref<1x64x128xf32, #tpu.memory_space<vmem>> -> memref<64x128xf32, #tpu.memory_space<vmem>>
      tpu.wait_dma2 semaphore(%run_scoped3A_135 : memref<!tpu.dma_semaphore, #tpu.memory_space<semaphore_mem>>) src(%dma_wait3A_158 : memref<64x128xf32, #tpu.memory_space<vmem>>) dst(%dma_wait3A_154 : memref<64x128xf32, #tpu.memory_space<vmem_shared>>)
      tpu.yield
    }) : () -> ()
    %mul3A_49 = arith.constant 640 : i32
    %mul3A_50 = arith.muli %arg1, %mul3A_49 : i32
    %add3A_51 = arith.constant 448 : i32
    %add3A_52 = arith.addi %mul3A_50, %add3A_51 : i32
    %run_scoped3A_53 = arith.constant 0 : i32
    "tpu.region"() ({
      %run_scoped3A_135 = tpu.sem_alloc : memref<!tpu.dma_semaphore, #tpu.memory_space<semaphore_mem>>
      %dma_start3A = arith.constant 0 : i32
      %dma_start3A_136 = arith.constant 0 : i32
      %dma_start3A_137 = tpu.memref_slice %arg15[%run_scoped3A_53, %dma_start3A, %dma_start3A_136] : memref<4x64x128xf32, #tpu.memory_space<vmem>> -> memref<1x64x128xf32, #tpu.memory_space<vmem>>
      %dma_start3A_138 = tpu.memref_squeeze %dma_start3A_137 : memref<1x64x128xf32, #tpu.memory_space<vmem>> -> memref<64x128xf32, #tpu.memory_space<vmem>>
      %dma_start3A_139 = arith.constant 0 : i32
      %dma_start3A_140 = tpu.memref_slice %arg16[%add3A_52, %dma_start3A_139] : memref<10240x128xf32, #tpu.memory_space<vmem_shared>> -> memref<64x128xf32, #tpu.memory_space<vmem_shared>>
      %dma_start3A_141 = arith.constant 0 : i32
      %dma_start3A_142 = tpu.memref_slice %arg16[%add3A_52, %dma_start3A_141] : memref<10240x128xf32, #tpu.memory_space<vmem_shared>> -> memref<64x128xf32, #tpu.memory_space<vmem_shared>>
      %dma_start3A_143 = arith.constant 0 : i32
      %dma_start3A_144 = arith.constant 0 : i32
      %dma_start3A_145 = tpu.memref_slice %arg15[%run_scoped3A_53, %dma_start3A_143, %dma_start3A_144] : memref<4x64x128xf32, #tpu.memory_space<vmem>> -> memref<1x64x128xf32, #tpu.memory_space<vmem>>
      %dma_start3A_146 = tpu.memref_squeeze %dma_start3A_145 : memref<1x64x128xf32, #tpu.memory_space<vmem>> -> memref<64x128xf32, #tpu.memory_space<vmem>>
      tpu.enqueue_dma source(%dma_start3A_146 : memref<64x128xf32, #tpu.memory_space<vmem>>) target(%dma_start3A_142 : memref<64x128xf32, #tpu.memory_space<vmem_shared>>) target_semaphore(%run_scoped3A_135 : memref<!tpu.dma_semaphore, #tpu.memory_space<semaphore_mem>>)
      %dma_wait3A_147 = arith.constant 0 : i32
      %dma_wait3A_148 = arith.constant 0 : i32
      %dma_wait3A_149 = tpu.memref_slice %arg15[%run_scoped3A_53, %dma_wait3A_147, %dma_wait3A_148] : memref<4x64x128xf32, #tpu.memory_space<vmem>> -> memref<1x64x128xf32, #tpu.memory_space<vmem>>
      %dma_wait3A_150 = tpu.memref_squeeze %dma_wait3A_149 : memref<1x64x128xf32, #tpu.memory_space<vmem>> -> memref<64x128xf32, #tpu.memory_space<vmem>>
      %dma_wait3A_151 = arith.constant 0 : i32
      %dma_wait3A_152 = tpu.memref_slice %arg16[%add3A_52, %dma_wait3A_151] : memref<10240x128xf32, #tpu.memory_space<vmem_shared>> -> memref<64x128xf32, #tpu.memory_space<vmem_shared>>
      %dma_wait3A_153 = arith.constant 0 : i32
      %dma_wait3A_154 = tpu.memref_slice %arg16[%add3A_52, %dma_wait3A_153] : memref<10240x128xf32, #tpu.memory_space<vmem_shared>> -> memref<64x128xf32, #tpu.memory_space<vmem_shared>>
      %dma_wait3A_155 = arith.constant 0 : i32
      %dma_wait3A_156 = arith.constant 0 : i32
      %dma_wait3A_157 = tpu.memref_slice %arg15[%run_scoped3A_53, %dma_wait3A_155, %dma_wait3A_156] : memref<4x64x128xf32, #tpu.memory_space<vmem>> -> memref<1x64x128xf32, #tpu.memory_space<vmem>>
      %dma_wait3A_158 = tpu.memref_squeeze %dma_wait3A_157 : memref<1x64x128xf32, #tpu.memory_space<vmem>> -> memref<64x128xf32, #tpu.memory_space<vmem>>
      tpu.wait_dma2 semaphore(%run_scoped3A_135 : memref<!tpu.dma_semaphore, #tpu.memory_space<semaphore_mem>>) src(%dma_wait3A_158 : memref<64x128xf32, #tpu.memory_space<vmem>>) dst(%dma_wait3A_154 : memref<64x128xf32, #tpu.memory_space<vmem_shared>>)
      tpu.yield
    }) : () -> ()
    %mul3A_54 = arith.constant 640 : i32
    %mul3A_55 = arith.muli %arg1, %mul3A_54 : i32
    %add3A_56 = arith.constant 512 : i32
    %add3A_57 = arith.addi %mul3A_55, %add3A_56 : i32
    %run_scoped3A_58 = arith.constant 0 : i32
    "tpu.region"() ({
      %run_scoped3A_135 = tpu.sem_alloc : memref<!tpu.dma_semaphore, #tpu.memory_space<semaphore_mem>>
      %dma_start3A = arith.constant 0 : i32
      %dma_start3A_136 = arith.constant 0 : i32
      %dma_start3A_137 = tpu.memref_slice %arg15[%run_scoped3A_58, %dma_start3A, %dma_start3A_136] : memref<4x64x128xf32, #tpu.memory_space<vmem>> -> memref<1x64x128xf32, #tpu.memory_space<vmem>>
      %dma_start3A_138 = tpu.memref_squeeze %dma_start3A_137 : memref<1x64x128xf32, #tpu.memory_space<vmem>> -> memref<64x128xf32, #tpu.memory_space<vmem>>
      %dma_start3A_139 = arith.constant 0 : i32
      %dma_start3A_140 = tpu.memref_slice %arg16[%add3A_57, %dma_start3A_139] : memref<10240x128xf32, #tpu.memory_space<vmem_shared>> -> memref<64x128xf32, #tpu.memory_space<vmem_shared>>
      %dma_start3A_141 = arith.constant 0 : i32
      %dma_start3A_142 = tpu.memref_slice %arg16[%add3A_57, %dma_start3A_141] : memref<10240x128xf32, #tpu.memory_space<vmem_shared>> -> memref<64x128xf32, #tpu.memory_space<vmem_shared>>
      %dma_start3A_143 = arith.constant 0 : i32
      %dma_start3A_144 = arith.constant 0 : i32
      %dma_start3A_145 = tpu.memref_slice %arg15[%run_scoped3A_58, %dma_start3A_143, %dma_start3A_144] : memref<4x64x128xf32, #tpu.memory_space<vmem>> -> memref<1x64x128xf32, #tpu.memory_space<vmem>>
      %dma_start3A_146 = tpu.memref_squeeze %dma_start3A_145 : memref<1x64x128xf32, #tpu.memory_space<vmem>> -> memref<64x128xf32, #tpu.memory_space<vmem>>
      tpu.enqueue_dma source(%dma_start3A_146 : memref<64x128xf32, #tpu.memory_space<vmem>>) target(%dma_start3A_142 : memref<64x128xf32, #tpu.memory_space<vmem_shared>>) target_semaphore(%run_scoped3A_135 : memref<!tpu.dma_semaphore, #tpu.memory_space<semaphore_mem>>)
      %dma_wait3A_147 = arith.constant 0 : i32
      %dma_wait3A_148 = arith.constant 0 : i32
      %dma_wait3A_149 = tpu.memref_slice %arg15[%run_scoped3A_58, %dma_wait3A_147, %dma_wait3A_148] : memref<4x64x128xf32, #tpu.memory_space<vmem>> -> memref<1x64x128xf32, #tpu.memory_space<vmem>>
      %dma_wait3A_150 = tpu.memref_squeeze %dma_wait3A_149 : memref<1x64x128xf32, #tpu.memory_space<vmem>> -> memref<64x128xf32, #tpu.memory_space<vmem>>
      %dma_wait3A_151 = arith.constant 0 : i32
      %dma_wait3A_152 = tpu.memref_slice %arg16[%add3A_57, %dma_wait3A_151] : memref<10240x128xf32, #tpu.memory_space<vmem_shared>> -> memref<64x128xf32, #tpu.memory_space<vmem_shared>>
      %dma_wait3A_153 = arith.constant 0 : i32
      %dma_wait3A_154 = tpu.memref_slice %arg16[%add3A_57, %dma_wait3A_153] : memref<10240x128xf32, #tpu.memory_space<vmem_shared>> -> memref<64x128xf32, #tpu.memory_space<vmem_shared>>
      %dma_wait3A_155 = arith.constant 0 : i32
      %dma_wait3A_156 = arith.constant 0 : i32
      %dma_wait3A_157 = tpu.memref_slice %arg15[%run_scoped3A_58, %dma_wait3A_155, %dma_wait3A_156] : memref<4x64x128xf32, #tpu.memory_space<vmem>> -> memref<1x64x128xf32, #tpu.memory_space<vmem>>
      %dma_wait3A_158 = tpu.memref_squeeze %dma_wait3A_157 : memref<1x64x128xf32, #tpu.memory_space<vmem>> -> memref<64x128xf32, #tpu.memory_space<vmem>>
      tpu.wait_dma2 semaphore(%run_scoped3A_135 : memref<!tpu.dma_semaphore, #tpu.memory_space<semaphore_mem>>) src(%dma_wait3A_158 : memref<64x128xf32, #tpu.memory_space<vmem>>) dst(%dma_wait3A_154 : memref<64x128xf32, #tpu.memory_space<vmem_shared>>)
      tpu.yield
    }) : () -> ()
    %mul3A_59 = arith.constant 640 : i32
    %mul3A_60 = arith.muli %arg1, %mul3A_59 : i32
    %add3A_61 = arith.constant 576 : i32
    %add3A_62 = arith.addi %mul3A_60, %add3A_61 : i32
    %run_scoped3A_63 = arith.constant 0 : i32
    "tpu.region"() ({
      %run_scoped3A_135 = tpu.sem_alloc : memref<!tpu.dma_semaphore, #tpu.memory_space<semaphore_mem>>
      %dma_start3A = arith.constant 0 : i32
      %dma_start3A_136 = arith.constant 0 : i32
      %dma_start3A_137 = tpu.memref_slice %arg15[%run_scoped3A_63, %dma_start3A, %dma_start3A_136] : memref<4x64x128xf32, #tpu.memory_space<vmem>> -> memref<1x64x128xf32, #tpu.memory_space<vmem>>
      %dma_start3A_138 = tpu.memref_squeeze %dma_start3A_137 : memref<1x64x128xf32, #tpu.memory_space<vmem>> -> memref<64x128xf32, #tpu.memory_space<vmem>>
      %dma_start3A_139 = arith.constant 0 : i32
      %dma_start3A_140 = tpu.memref_slice %arg16[%add3A_62, %dma_start3A_139] : memref<10240x128xf32, #tpu.memory_space<vmem_shared>> -> memref<64x128xf32, #tpu.memory_space<vmem_shared>>
      %dma_start3A_141 = arith.constant 0 : i32
      %dma_start3A_142 = tpu.memref_slice %arg16[%add3A_62, %dma_start3A_141] : memref<10240x128xf32, #tpu.memory_space<vmem_shared>> -> memref<64x128xf32, #tpu.memory_space<vmem_shared>>
      %dma_start3A_143 = arith.constant 0 : i32
      %dma_start3A_144 = arith.constant 0 : i32
      %dma_start3A_145 = tpu.memref_slice %arg15[%run_scoped3A_63, %dma_start3A_143, %dma_start3A_144] : memref<4x64x128xf32, #tpu.memory_space<vmem>> -> memref<1x64x128xf32, #tpu.memory_space<vmem>>
      %dma_start3A_146 = tpu.memref_squeeze %dma_start3A_145 : memref<1x64x128xf32, #tpu.memory_space<vmem>> -> memref<64x128xf32, #tpu.memory_space<vmem>>
      tpu.enqueue_dma source(%dma_start3A_146 : memref<64x128xf32, #tpu.memory_space<vmem>>) target(%dma_start3A_142 : memref<64x128xf32, #tpu.memory_space<vmem_shared>>) target_semaphore(%run_scoped3A_135 : memref<!tpu.dma_semaphore, #tpu.memory_space<semaphore_mem>>)
      %dma_wait3A_147 = arith.constant 0 : i32
      %dma_wait3A_148 = arith.constant 0 : i32
      %dma_wait3A_149 = tpu.memref_slice %arg15[%run_scoped3A_63, %dma_wait3A_147, %dma_wait3A_148] : memref<4x64x128xf32, #tpu.memory_space<vmem>> -> memref<1x64x128xf32, #tpu.memory_space<vmem>>
      %dma_wait3A_150 = tpu.memref_squeeze %dma_wait3A_149 : memref<1x64x128xf32, #tpu.memory_space<vmem>> -> memref<64x128xf32, #tpu.memory_space<vmem>>
      %dma_wait3A_151 = arith.constant 0 : i32
      %dma_wait3A_152 = tpu.memref_slice %arg16[%add3A_62, %dma_wait3A_151] : memref<10240x128xf32, #tpu.memory_space<vmem_shared>> -> memref<64x128xf32, #tpu.memory_space<vmem_shared>>
      %dma_wait3A_153 = arith.constant 0 : i32
      %dma_wait3A_154 = tpu.memref_slice %arg16[%add3A_62, %dma_wait3A_153] : memref<10240x128xf32, #tpu.memory_space<vmem_shared>> -> memref<64x128xf32, #tpu.memory_space<vmem_shared>>
      %dma_wait3A_155 = arith.constant 0 : i32
      %dma_wait3A_156 = arith.constant 0 : i32
      %dma_wait3A_157 = tpu.memref_slice %arg15[%run_scoped3A_63, %dma_wait3A_155, %dma_wait3A_156] : memref<4x64x128xf32, #tpu.memory_space<vmem>> -> memref<1x64x128xf32, #tpu.memory_space<vmem>>
      %dma_wait3A_158 = tpu.memref_squeeze %dma_wait3A_157 : memref<1x64x128xf32, #tpu.memory_space<vmem>> -> memref<64x128xf32, #tpu.memory_space<vmem>>
      tpu.wait_dma2 semaphore(%run_scoped3A_135 : memref<!tpu.dma_semaphore, #tpu.memory_space<semaphore_mem>>) src(%dma_wait3A_158 : memref<64x128xf32, #tpu.memory_space<vmem>>) dst(%dma_wait3A_154 : memref<64x128xf32, #tpu.memory_space<vmem_shared>>)
      tpu.yield
    }) : () -> ()
    %scan3A_64 = arith.constant 0 : i32
    %scan3A_65 = arith.constant 0 : i32
    %scan3A_66 = arith.constant 40 : i32
    %scan3A_67 = arith.addi %scan3A_65, %scan3A_66 : i32
    %scan3A_68 = arith.constant 1 : i32
    %scan3A_69 = scf.for %scan3A_135 = %scan3A_65 to %scan3A_67 step %scan3A_68 iter_args(%scan3A_136 = %scan3A_64) -> (i32)  : i32 {
      %broadcast_in_dim3A = arith.constant 0.000000e+00 : f32
      %broadcast_in_dim3A_137 = vector.broadcast %broadcast_in_dim3A : f32 to vector<16xf32>
      %mul3A_138 = arith.constant 16 : i32
      %mul3A_139 = arith.muli %scan3A_135, %mul3A_138 : i32
      %swap3A = arith.index_cast %mul3A_139 : i32 to index
      %swap3A_140 = tpu.vector_load %arg38[%swap3A] {strides = array<i32>} : memref<640xf32, #tpu.memory_space<vmem>>, vector<16xf32>,
      %swap3A_141 = vector.shape_cast %swap3A_140 : vector<16xf32> to vector<16xf32>
      %swap3A_142 = vector.shape_cast %broadcast_in_dim3A_137 : vector<16xf32> to vector<16xf32>
      tpu.vector_store %arg38[%swap3A], %swap3A_142 {strides = array<i32>} : memref<640xf32, #tpu.memory_space<vmem>>, vector<16xf32>,
      %broadcast_in_dim3A_143 = arith.constant 1.000000e+00 : f32
      %broadcast_in_dim3A_144 = vector.broadcast %broadcast_in_dim3A_143 : f32 to vector<16xf32>
      %jit3A_145 = arith.constant 4 : i32
      %eq3A = arith.constant 0 : i32
      %eq3A_146 = arith.cmpi eq, %jit3A_145, %eq3A : i32
      %jit3A_147 = arith.constant 1 : i32
      %select_n3A_148 = arith.select %eq3A_146, %jit3A_147, %jit3A_145 : i32
      %rem3A = arith.remsi %scan3A_135, %select_n3A_148 : i32
      %ne3A = arith.constant 0 : i32
      %ne3A_149 = arith.cmpi ne, %rem3A, %ne3A : i32
      %lt3A_150 = arith.constant 0 : i32
      %lt3A_151 = arith.cmpi slt, %rem3A, %lt3A_150 : i32
      %lt3A_152 = arith.constant 0 : i32
      %lt3A_153 = arith.cmpi slt, %select_n3A_148, %lt3A_152 : i32
      %ne3A_154 = arith.xori %lt3A_151, %lt3A_153 : i1
      %and3A = arith.andi %ne3A_154, %ne3A_149 : i1
      %add3A_155 = arith.addi %rem3A, %select_n3A_148 : i32
      %select_n3A_156 = arith.select %and3A, %add3A_155, %rem3A : i32
      %mul3A_157 = arith.constant 16 : i32
      %mul3A_158 = arith.muli %select_n3A_156, %mul3A_157 : i32
      %swap3A_159 = arith.index_cast %mul3A_158 : i32 to index
      %swap3A_160 = tpu.vector_load %arg37[%swap3A_159] {strides = array<i32>} : memref<64xf32, #tpu.memory_space<vmem>>, vector<16xf32>,
      %swap3A_161 = vector.shape_cast %swap3A_160 : vector<16xf32> to vector<16xf32>
      %swap3A_162 = vector.shape_cast %broadcast_in_dim3A_144 : vector<16xf32> to vector<16xf32>
      tpu.vector_store %arg37[%swap3A_159], %swap3A_162 {strides = array<i32>} : memref<64xf32, #tpu.memory_space<vmem>>, vector<16xf32>,
      %scan3A_163 = arith.constant 0 : i32
      scf.yield %scan3A_163 : i32
    }
    %scan3A_70 = arith.constant 40 : i32
    %mul3A_71 = arith.constant 640 : i32
    %mul3A_72 = arith.muli %arg1, %mul3A_71 : i32
    "tpu.region"() ({
      %run_scoped3A_135 = tpu.sem_alloc : memref<!tpu.dma_semaphore, #tpu.memory_space<semaphore_mem>>
      %dma_start3A = tpu.memref_slice %arg39[%mul3A_72] : memref<10240xf32, #tpu.memory_space<vmem_shared>> -> memref<640xf32, #tpu.memory_space<vmem_shared>>
      %dma_start3A_136 = tpu.memref_slice %arg39[%mul3A_72] : memref<10240xf32, #tpu.memory_space<vmem_shared>> -> memref<640xf32, #tpu.memory_space<vmem_shared>>
      tpu.enqueue_dma source(%arg38 : memref<640xf32, #tpu.memory_space<vmem>>) target(%dma_start3A_136 : memref<640xf32, #tpu.memory_space<vmem_shared>>) target_semaphore(%run_scoped3A_135 : memref<!tpu.dma_semaphore, #tpu.memory_space<semaphore_mem>>)
      %dma_wait3A_137 = tpu.memref_slice %arg39[%mul3A_72] : memref<10240xf32, #tpu.memory_space<vmem_shared>> -> memref<640xf32, #tpu.memory_space<vmem_shared>>
      %dma_wait3A_138 = tpu.memref_slice %arg39[%mul3A_72] : memref<10240xf32, #tpu.memory_space<vmem_shared>> -> memref<640xf32, #tpu.memory_space<vmem_shared>>
      tpu.wait_dma2 semaphore(%run_scoped3A_135 : memref<!tpu.dma_semaphore, #tpu.memory_space<semaphore_mem>>) src(%arg38 : memref<640xf32, #tpu.memory_space<vmem>>) dst(%dma_wait3A_138 : memref<640xf32, #tpu.memory_space<vmem_shared>>)
      tpu.yield
    }) : () -> ()
    %barrier3A = arith.constant 0 : index
    tpu.barrier barrier_id(%barrier3A)
    %scan3A_73 = arith.constant 0 : i32
    %scan3A_74 = arith.constant 0 : i32
    %scan3A_75 = arith.constant 39 : i32
    %scan3A_76 = arith.addi %scan3A_74, %scan3A_75 : i32
    %scan3A_77 = arith.constant 1 : i32
    %scan3A_78 = scf.for %scan3A_135 = %scan3A_74 to %scan3A_76 step %scan3A_77 iter_args(%scan3A_136 = %scan3A_73) -> (i32)  : i32 {
      %gt3A = arith.constant 0 : i32
      %gt3A_137 = arith.cmpi sgt, %scan3A_135, %gt3A : i32
      %convert_element_type3A = arith.extui %gt3A_137 : i1 to i32
      %cond3A = arith.constant 0 : i32
      %cond3A_138 = arith.cmpi ne, %convert_element_type3A, %cond3A : i32
      scf.if %cond3A_138 {
        %dma_wait3A_318 = arith.constant 0 : i32
        %dma_wait3A_319 = arith.constant 0 : i32
        %dma_wait3A_320 = arith.constant 0 : i32
        %dma_wait3A_321 = tpu.memref_slice %arg15[%dma_wait3A_318, %dma_wait3A_319, %dma_wait3A_320] : memref<4x64x128xf32, #tpu.memory_space<vmem>> -> memref<1x64x128xf32, #tpu.memory_space<vmem>>
        %dma_wait3A_322 = tpu.memref_squeeze %dma_wait3A_321 : memref<1x64x128xf32, #tpu.memory_space<vmem>> -> memref<64x128xf32, #tpu.memory_space<vmem>>
        %dma_wait3A_323 = arith.constant 0 : i32
        %dma_wait3A_324 = arith.constant 0 : i32
        %dma_wait3A_325 = tpu.memref_slice %arg16[%dma_wait3A_323, %dma_wait3A_324] : memref<10240x128xf32, #tpu.memory_space<vmem_shared>> -> memref<10240x128xf32, #tpu.memory_space<vmem_shared>>
        tpu.wait_indirect_dma semaphore(%arg29 : memref<!tpu.dma_semaphore, #tpu.memory_space<semaphore_mem>>) src(%dma_wait3A_322 : memref<64x128xf32, #tpu.memory_space<vmem>>) dst(%dma_wait3A_325 : memref<10240x128xf32, #tpu.memory_space<vmem_shared>>)
        %dma_wait3A_326 = arith.constant 0 : i32
        %dma_wait3A_327 = tpu.memref_slice %arg39[%dma_wait3A_326] : memref<10240xf32, #tpu.memory_space<vmem_shared>> -> memref<10240xf32, #tpu.memory_space<vmem_shared>>
        tpu.wait_indirect_dma semaphore(%arg33 : memref<!tpu.dma_semaphore, #tpu.memory_space<semaphore_mem>>) src(%arg37 : memref<64xf32, #tpu.memory_space<vmem>>) dst(%dma_wait3A_327 : memref<10240xf32, #tpu.memory_space<vmem_shared>>)
      } else {
      }
      %mul3A_139 = arith.constant 4 : i32
      %mul3A_140 = arith.muli %scan3A_135, %mul3A_139 : i32
      %add3A_141 = arith.addi %add3A_4, %mul3A_140 : i32
      %add3A_142 = arith.constant 0 : i32
      %add3A_143 = arith.addi %add3A_141, %add3A_142 : i32
      %mul3A_144 = arith.constant 64 : i32
      %mul3A_145 = arith.muli %add3A_143, %mul3A_144 : i32
      %dma_start3A = tpu.memref_slice %arg2[%mul3A_145] : memref<320000xi32, #tpu.memory_space<hbm>> -> memref<64xi32, #tpu.memory_space<hbm>>
      %dma_start3A_146 = tpu.memref_slice %arg2[%mul3A_145] : memref<320000xi32, #tpu.memory_space<hbm>> -> memref<64xi32, #tpu.memory_space<hbm>>
      tpu.enqueue_dma source(%dma_start3A_146 : memref<64xi32, #tpu.memory_space<hbm>>) target(%arg7 : memref<64xi32, #tpu.memory_space<vmem>>) target_semaphore(%arg17 : memref<!tpu.dma_semaphore, #tpu.memory_space<semaphore_mem>>)
      %dma_start3A_147 = tpu.memref_slice %arg3[%mul3A_145] : memref<320000xi32, #tpu.memory_space<hbm>> -> memref<64xi32, #tpu.memory_space<hbm>>
      %dma_start3A_148 = tpu.memref_slice %arg3[%mul3A_145] : memref<320000xi32, #tpu.memory_space<hbm>> -> memref<64xi32, #tpu.memory_space<hbm>>
      tpu.enqueue_dma source(%dma_start3A_148 : memref<64xi32, #tpu.memory_space<hbm>>) target(%arg11 : memref<64xi32, #tpu.memory_space<vmem>>) target_semaphore(%arg21 : memref<!tpu.dma_semaphore, #tpu.memory_space<semaphore_mem>>)
      %gt3A_149 = arith.constant 0 : i32
      %gt3A_150 = arith.cmpi sgt, %scan3A_135, %gt3A_149 : i32
      %convert_element_type3A_151 = arith.extui %gt3A_150 : i1 to i32
      %cond3A_152 = arith.constant 0 : i32
      %cond3A_153 = arith.cmpi ne, %convert_element_type3A_151, %cond3A_152 : i32
      scf.if %cond3A_153 {
        %dma_wait3A_318 = arith.constant 1 : i32
        %dma_wait3A_319 = arith.constant 0 : i32
        %dma_wait3A_320 = arith.constant 0 : i32
        %dma_wait3A_321 = tpu.memref_slice %arg15[%dma_wait3A_318, %dma_wait3A_319, %dma_wait3A_320] : memref<4x64x128xf32, #tpu.memory_space<vmem>> -> memref<1x64x128xf32, #tpu.memory_space<vmem>>
        %dma_wait3A_322 = tpu.memref_squeeze %dma_wait3A_321 : memref<1x64x128xf32, #tpu.memory_space<vmem>> -> memref<64x128xf32, #tpu.memory_space<vmem>>
        %dma_wait3A_323 = arith.constant 0 : i32
        %dma_wait3A_324 = arith.constant 0 : i32
        %dma_wait3A_325 = tpu.memref_slice %arg16[%dma_wait3A_323, %dma_wait3A_324] : memref<10240x128xf32, #tpu.memory_space<vmem_shared>> -> memref<10240x128xf32, #tpu.memory_space<vmem_shared>>
        tpu.wait_indirect_dma semaphore(%arg30 : memref<!tpu.dma_semaphore, #tpu.memory_space<semaphore_mem>>) src(%dma_wait3A_322 : memref<64x128xf32, #tpu.memory_space<vmem>>) dst(%dma_wait3A_325 : memref<10240x128xf32, #tpu.memory_space<vmem_shared>>)
        %dma_wait3A_326 = arith.constant 0 : i32
        %dma_wait3A_327 = tpu.memref_slice %arg39[%dma_wait3A_326] : memref<10240xf32, #tpu.memory_space<vmem_shared>> -> memref<10240xf32, #tpu.memory_space<vmem_shared>>
        tpu.wait_indirect_dma semaphore(%arg34 : memref<!tpu.dma_semaphore, #tpu.memory_space<semaphore_mem>>) src(%arg37 : memref<64xf32, #tpu.memory_space<vmem>>) dst(%dma_wait3A_327 : memref<10240xf32, #tpu.memory_space<vmem_shared>>)
      } else {
      }
      %mul3A_154 = arith.constant 4 : i32
      %mul3A_155 = arith.muli %scan3A_135, %mul3A_154 : i32
      %add3A_156 = arith.addi %add3A_4, %mul3A_155 : i32
      %add3A_157 = arith.constant 1 : i32
      %add3A_158 = arith.addi %add3A_156, %add3A_157 : i32
      %mul3A_159 = arith.constant 64 : i32
      %mul3A_160 = arith.muli %add3A_158, %mul3A_159 : i32
      %dma_start3A_161 = tpu.memref_slice %arg2[%mul3A_160] : memref<320000xi32, #tpu.memory_space<hbm>> -> memref<64xi32, #tpu.memory_space<hbm>>
      %dma_start3A_162 = tpu.memref_slice %arg2[%mul3A_160] : memref<320000xi32, #tpu.memory_space<hbm>> -> memref<64xi32, #tpu.memory_space<hbm>>
      tpu.enqueue_dma source(%dma_start3A_162 : memref<64xi32, #tpu.memory_space<hbm>>) target(%arg8 : memref<64xi32, #tpu.memory_space<vmem>>) target_semaphore(%arg18 : memref<!tpu.dma_semaphore, #tpu.memory_space<semaphore_mem>>)
      %dma_start3A_163 = tpu.memref_slice %arg3[%mul3A_160] : memref<320000xi32, #tpu.memory_space<hbm>> -> memref<64xi32, #tpu.memory_space<hbm>>
      %dma_start3A_164 = tpu.memref_slice %arg3[%mul3A_160] : memref<320000xi32, #tpu.memory_space<hbm>> -> memref<64xi32, #tpu.memory_space<hbm>>
      tpu.enqueue_dma source(%dma_start3A_164 : memref<64xi32, #tpu.memory_space<hbm>>) target(%arg12 : memref<64xi32, #tpu.memory_space<vmem>>) target_semaphore(%arg22 : memref<!tpu.dma_semaphore, #tpu.memory_space<semaphore_mem>>)
      %gt3A_165 = arith.constant 0 : i32
      %gt3A_166 = arith.cmpi sgt, %scan3A_135, %gt3A_165 : i32
      %convert_element_type3A_167 = arith.extui %gt3A_166 : i1 to i32
      %cond3A_168 = arith.constant 0 : i32
      %cond3A_169 = arith.cmpi ne, %convert_element_type3A_167, %cond3A_168 : i32
      scf.if %cond3A_169 {
        %dma_wait3A_318 = arith.constant 2 : i32
        %dma_wait3A_319 = arith.constant 0 : i32
        %dma_wait3A_320 = arith.constant 0 : i32
        %dma_wait3A_321 = tpu.memref_slice %arg15[%dma_wait3A_318, %dma_wait3A_319, %dma_wait3A_320] : memref<4x64x128xf32, #tpu.memory_space<vmem>> -> memref<1x64x128xf32, #tpu.memory_space<vmem>>
        %dma_wait3A_322 = tpu.memref_squeeze %dma_wait3A_321 : memref<1x64x128xf32, #tpu.memory_space<vmem>> -> memref<64x128xf32, #tpu.memory_space<vmem>>
        %dma_wait3A_323 = arith.constant 0 : i32
        %dma_wait3A_324 = arith.constant 0 : i32
        %dma_wait3A_325 = tpu.memref_slice %arg16[%dma_wait3A_323, %dma_wait3A_324] : memref<10240x128xf32, #tpu.memory_space<vmem_shared>> -> memref<10240x128xf32, #tpu.memory_space<vmem_shared>>
        tpu.wait_indirect_dma semaphore(%arg31 : memref<!tpu.dma_semaphore, #tpu.memory_space<semaphore_mem>>) src(%dma_wait3A_322 : memref<64x128xf32, #tpu.memory_space<vmem>>) dst(%dma_wait3A_325 : memref<10240x128xf32, #tpu.memory_space<vmem_shared>>)
        %dma_wait3A_326 = arith.constant 0 : i32
        %dma_wait3A_327 = tpu.memref_slice %arg39[%dma_wait3A_326] : memref<10240xf32, #tpu.memory_space<vmem_shared>> -> memref<10240xf32, #tpu.memory_space<vmem_shared>>
        tpu.wait_indirect_dma semaphore(%arg35 : memref<!tpu.dma_semaphore, #tpu.memory_space<semaphore_mem>>) src(%arg37 : memref<64xf32, #tpu.memory_space<vmem>>) dst(%dma_wait3A_327 : memref<10240xf32, #tpu.memory_space<vmem_shared>>)
      } else {
      }
      %mul3A_170 = arith.constant 4 : i32
      %mul3A_171 = arith.muli %scan3A_135, %mul3A_170 : i32
      %add3A_172 = arith.addi %add3A_4, %mul3A_171 : i32
      %add3A_173 = arith.constant 2 : i32
      %add3A_174 = arith.addi %add3A_172, %add3A_173 : i32
      %mul3A_175 = arith.constant 64 : i32
      %mul3A_176 = arith.muli %add3A_174, %mul3A_175 : i32
      %dma_start3A_177 = tpu.memref_slice %arg2[%mul3A_176] : memref<320000xi32, #tpu.memory_space<hbm>> -> memref<64xi32, #tpu.memory_space<hbm>>
      %dma_start3A_178 = tpu.memref_slice %arg2[%mul3A_176] : memref<320000xi32, #tpu.memory_space<hbm>> -> memref<64xi32, #tpu.memory_space<hbm>>
      tpu.enqueue_dma source(%dma_start3A_178 : memref<64xi32, #tpu.memory_space<hbm>>) target(%arg9 : memref<64xi32, #tpu.memory_space<vmem>>) target_semaphore(%arg19 : memref<!tpu.dma_semaphore, #tpu.memory_space<semaphore_mem>>)
      %dma_start3A_179 = tpu.memref_slice %arg3[%mul3A_176] : memref<320000xi32, #tpu.memory_space<hbm>> -> memref<64xi32, #tpu.memory_space<hbm>>
      %dma_start3A_180 = tpu.memref_slice %arg3[%mul3A_176] : memref<320000xi32, #tpu.memory_space<hbm>> -> memref<64xi32, #tpu.memory_space<hbm>>
      tpu.enqueue_dma source(%dma_start3A_180 : memref<64xi32, #tpu.memory_space<hbm>>) target(%arg13 : memref<64xi32, #tpu.memory_space<vmem>>) target_semaphore(%arg23 : memref<!tpu.dma_semaphore, #tpu.memory_space<semaphore_mem>>)
      %gt3A_181 = arith.constant 0 : i32
      %gt3A_182 = arith.cmpi sgt, %scan3A_135, %gt3A_181 : i32
      %convert_element_type3A_183 = arith.extui %gt3A_182 : i1 to i32
      %cond3A_184 = arith.constant 0 : i32
      %cond3A_185 = arith.cmpi ne, %convert_element_type3A_183, %cond3A_184 : i32
      scf.if %cond3A_185 {
        %dma_wait3A_318 = arith.constant 3 : i32
        %dma_wait3A_319 = arith.constant 0 : i32
        %dma_wait3A_320 = arith.constant 0 : i32
        %dma_wait3A_321 = tpu.memref_slice %arg15[%dma_wait3A_318, %dma_wait3A_319, %dma_wait3A_320] : memref<4x64x128xf32, #tpu.memory_space<vmem>> -> memref<1x64x128xf32, #tpu.memory_space<vmem>>
        %dma_wait3A_322 = tpu.memref_squeeze %dma_wait3A_321 : memref<1x64x128xf32, #tpu.memory_space<vmem>> -> memref<64x128xf32, #tpu.memory_space<vmem>>
        %dma_wait3A_323 = arith.constant 0 : i32
        %dma_wait3A_324 = arith.constant 0 : i32
        %dma_wait3A_325 = tpu.memref_slice %arg16[%dma_wait3A_323, %dma_wait3A_324] : memref<10240x128xf32, #tpu.memory_space<vmem_shared>> -> memref<10240x128xf32, #tpu.memory_space<vmem_shared>>
        tpu.wait_indirect_dma semaphore(%arg32 : memref<!tpu.dma_semaphore, #tpu.memory_space<semaphore_mem>>) src(%dma_wait3A_322 : memref<64x128xf32, #tpu.memory_space<vmem>>) dst(%dma_wait3A_325 : memref<10240x128xf32, #tpu.memory_space<vmem_shared>>)
        %dma_wait3A_326 = arith.constant 0 : i32
        %dma_wait3A_327 = tpu.memref_slice %arg39[%dma_wait3A_326] : memref<10240xf32, #tpu.memory_space<vmem_shared>> -> memref<10240xf32, #tpu.memory_space<vmem_shared>>
        tpu.wait_indirect_dma semaphore(%arg36 : memref<!tpu.dma_semaphore, #tpu.memory_space<semaphore_mem>>) src(%arg37 : memref<64xf32, #tpu.memory_space<vmem>>) dst(%dma_wait3A_327 : memref<10240xf32, #tpu.memory_space<vmem_shared>>)
      } else {
      }
      %mul3A_186 = arith.constant 4 : i32
      %mul3A_187 = arith.muli %scan3A_135, %mul3A_186 : i32
      %add3A_188 = arith.addi %add3A_4, %mul3A_187 : i32
      %add3A_189 = arith.constant 3 : i32
      %add3A_190 = arith.addi %add3A_188, %add3A_189 : i32
      %mul3A_191 = arith.constant 64 : i32
      %mul3A_192 = arith.muli %add3A_190, %mul3A_191 : i32
      %dma_start3A_193 = tpu.memref_slice %arg2[%mul3A_192] : memref<320000xi32, #tpu.memory_space<hbm>> -> memref<64xi32, #tpu.memory_space<hbm>>
      %dma_start3A_194 = tpu.memref_slice %arg2[%mul3A_192] : memref<320000xi32, #tpu.memory_space<hbm>> -> memref<64xi32, #tpu.memory_space<hbm>>
      tpu.enqueue_dma source(%dma_start3A_194 : memref<64xi32, #tpu.memory_space<hbm>>) target(%arg10 : memref<64xi32, #tpu.memory_space<vmem>>) target_semaphore(%arg20 : memref<!tpu.dma_semaphore, #tpu.memory_space<semaphore_mem>>)
      %dma_start3A_195 = tpu.memref_slice %arg3[%mul3A_192] : memref<320000xi32, #tpu.memory_space<hbm>> -> memref<64xi32, #tpu.memory_space<hbm>>
      %dma_start3A_196 = tpu.memref_slice %arg3[%mul3A_192] : memref<320000xi32, #tpu.memory_space<hbm>> -> memref<64xi32, #tpu.memory_space<hbm>>
      tpu.enqueue_dma source(%dma_start3A_196 : memref<64xi32, #tpu.memory_space<hbm>>) target(%arg14 : memref<64xi32, #tpu.memory_space<vmem>>) target_semaphore(%arg24 : memref<!tpu.dma_semaphore, #tpu.memory_space<semaphore_mem>>)
      %dma_wait3A_197 = tpu.memref_slice %arg2[%mul3A_145] : memref<320000xi32, #tpu.memory_space<hbm>> -> memref<64xi32, #tpu.memory_space<hbm>>
      %dma_wait3A_198 = tpu.memref_slice %arg2[%mul3A_145] : memref<320000xi32, #tpu.memory_space<hbm>> -> memref<64xi32, #tpu.memory_space<hbm>>
      tpu.wait_dma2 semaphore(%arg17 : memref<!tpu.dma_semaphore, #tpu.memory_space<semaphore_mem>>) src(%dma_wait3A_198 : memref<64xi32, #tpu.memory_space<hbm>>) dst(%arg7 : memref<64xi32, #tpu.memory_space<vmem>>)
      %dma_start3A_199 = arith.constant 0 : i32
      %dma_start3A_200 = arith.constant 0 : i32
      %dma_start3A_201 = arith.constant 0 : i32
      %dma_start3A_202 = tpu.memref_slice %arg15[%dma_start3A_199, %dma_start3A_200, %dma_start3A_201] : memref<4x64x128xf32, #tpu.memory_space<vmem>> -> memref<1x64x128xf32, #tpu.memory_space<vmem>>
      %dma_start3A_203 = tpu.memref_squeeze %dma_start3A_202 : memref<1x64x128xf32, #tpu.memory_space<vmem>> -> memref<64x128xf32, #tpu.memory_space<vmem>>
      %dma_start3A_204 = arith.constant 0 : i32
      %dma_start3A_205 = arith.constant 0 : i32
      %dma_start3A_206 = tpu.memref_slice %arg4[%dma_start3A_204, %dma_start3A_205] : memref<10240x128xf32, #tpu.memory_space<hbm>> -> memref<10240x128xf32, #tpu.memory_space<hbm>>
      tpu.enqueue_indirect_dma source(%dma_start3A_206 : memref<10240x128xf32, #tpu.memory_space<hbm>>) target(%dma_start3A_203 : memref<64x128xf32, #tpu.memory_space<vmem>>) offsets(%arg7 : memref<64xi32, #tpu.memory_space<vmem>>) semaphore(%arg25 : memref<!tpu.dma_semaphore, #tpu.memory_space<semaphore_mem>>)
      %dma_wait3A_207 = tpu.memref_slice %arg2[%mul3A_160] : memref<320000xi32, #tpu.memory_space<hbm>> -> memref<64xi32, #tpu.memory_space<hbm>>
      %dma_wait3A_208 = tpu.memref_slice %arg2[%mul3A_160] : memref<320000xi32, #tpu.memory_space<hbm>> -> memref<64xi32, #tpu.memory_space<hbm>>
      tpu.wait_dma2 semaphore(%arg18 : memref<!tpu.dma_semaphore, #tpu.memory_space<semaphore_mem>>) src(%dma_wait3A_208 : memref<64xi32, #tpu.memory_space<hbm>>) dst(%arg8 : memref<64xi32, #tpu.memory_space<vmem>>)
      %dma_start3A_209 = arith.constant 1 : i32
      %dma_start3A_210 = arith.constant 0 : i32
      %dma_start3A_211 = arith.constant 0 : i32
      %dma_start3A_212 = tpu.memref_slice %arg15[%dma_start3A_209, %dma_start3A_210, %dma_start3A_211] : memref<4x64x128xf32, #tpu.memory_space<vmem>> -> memref<1x64x128xf32, #tpu.memory_space<vmem>>
      %dma_start3A_213 = tpu.memref_squeeze %dma_start3A_212 : memref<1x64x128xf32, #tpu.memory_space<vmem>> -> memref<64x128xf32, #tpu.memory_space<vmem>>
      %dma_start3A_214 = arith.constant 0 : i32
      %dma_start3A_215 = arith.constant 0 : i32
      %dma_start3A_216 = tpu.memref_slice %arg4[%dma_start3A_214, %dma_start3A_215] : memref<10240x128xf32, #tpu.memory_space<hbm>> -> memref<10240x128xf32, #tpu.memory_space<hbm>>
      tpu.enqueue_indirect_dma source(%dma_start3A_216 : memref<10240x128xf32, #tpu.memory_space<hbm>>) target(%dma_start3A_213 : memref<64x128xf32, #tpu.memory_space<vmem>>) offsets(%arg8 : memref<64xi32, #tpu.memory_space<vmem>>) semaphore(%arg26 : memref<!tpu.dma_semaphore, #tpu.memory_space<semaphore_mem>>)
      %dma_wait3A_217 = tpu.memref_slice %arg2[%mul3A_176] : memref<320000xi32, #tpu.memory_space<hbm>> -> memref<64xi32, #tpu.memory_space<hbm>>
      %dma_wait3A_218 = tpu.memref_slice %arg2[%mul3A_176] : memref<320000xi32, #tpu.memory_space<hbm>> -> memref<64xi32, #tpu.memory_space<hbm>>
      tpu.wait_dma2 semaphore(%arg19 : memref<!tpu.dma_semaphore, #tpu.memory_space<semaphore_mem>>) src(%dma_wait3A_218 : memref<64xi32, #tpu.memory_space<hbm>>) dst(%arg9 : memref<64xi32, #tpu.memory_space<vmem>>)
      %dma_start3A_219 = arith.constant 2 : i32
      %dma_start3A_220 = arith.constant 0 : i32
      %dma_start3A_221 = arith.constant 0 : i32
      %dma_start3A_222 = tpu.memref_slice %arg15[%dma_start3A_219, %dma_start3A_220, %dma_start3A_221] : memref<4x64x128xf32, #tpu.memory_space<vmem>> -> memref<1x64x128xf32, #tpu.memory_space<vmem>>
      %dma_start3A_223 = tpu.memref_squeeze %dma_start3A_222 : memref<1x64x128xf32, #tpu.memory_space<vmem>> -> memref<64x128xf32, #tpu.memory_space<vmem>>
      %dma_start3A_224 = arith.constant 0 : i32
      %dma_start3A_225 = arith.constant 0 : i32
      %dma_start3A_226 = tpu.memref_slice %arg4[%dma_start3A_224, %dma_start3A_225] : memref<10240x128xf32, #tpu.memory_space<hbm>> -> memref<10240x128xf32, #tpu.memory_space<hbm>>
      tpu.enqueue_indirect_dma source(%dma_start3A_226 : memref<10240x128xf32, #tpu.memory_space<hbm>>) target(%dma_start3A_223 : memref<64x128xf32, #tpu.memory_space<vmem>>) offsets(%arg9 : memref<64xi32, #tpu.memory_space<vmem>>) semaphore(%arg27 : memref<!tpu.dma_semaphore, #tpu.memory_space<semaphore_mem>>)
      %dma_wait3A_227 = tpu.memref_slice %arg2[%mul3A_192] : memref<320000xi32, #tpu.memory_space<hbm>> -> memref<64xi32, #tpu.memory_space<hbm>>
      %dma_wait3A_228 = tpu.memref_slice %arg2[%mul3A_192] : memref<320000xi32, #tpu.memory_space<hbm>> -> memref<64xi32, #tpu.memory_space<hbm>>
      tpu.wait_dma2 semaphore(%arg20 : memref<!tpu.dma_semaphore, #tpu.memory_space<semaphore_mem>>) src(%dma_wait3A_228 : memref<64xi32, #tpu.memory_space<hbm>>) dst(%arg10 : memref<64xi32, #tpu.memory_space<vmem>>)
      %dma_start3A_229 = arith.constant 3 : i32
      %dma_start3A_230 = arith.constant 0 : i32
      %dma_start3A_231 = arith.constant 0 : i32
      %dma_start3A_232 = tpu.memref_slice %arg15[%dma_start3A_229, %dma_start3A_230, %dma_start3A_231] : memref<4x64x128xf32, #tpu.memory_space<vmem>> -> memref<1x64x128xf32, #tpu.memory_space<vmem>>
      %dma_start3A_233 = tpu.memref_squeeze %dma_start3A_232 : memref<1x64x128xf32, #tpu.memory_space<vmem>> -> memref<64x128xf32, #tpu.memory_space<vmem>>
      %dma_start3A_234 = arith.constant 0 : i32
      %dma_start3A_235 = arith.constant 0 : i32
      %dma_start3A_236 = tpu.memref_slice %arg4[%dma_start3A_234, %dma_start3A_235] : memref<10240x128xf32, #tpu.memory_space<hbm>> -> memref<10240x128xf32, #tpu.memory_space<hbm>>
      tpu.enqueue_indirect_dma source(%dma_start3A_236 : memref<10240x128xf32, #tpu.memory_space<hbm>>) target(%dma_start3A_233 : memref<64x128xf32, #tpu.memory_space<vmem>>) offsets(%arg10 : memref<64xi32, #tpu.memory_space<vmem>>) semaphore(%arg28 : memref<!tpu.dma_semaphore, #tpu.memory_space<semaphore_mem>>)
      %dma_wait3A_237 = arith.constant 0 : i32
      %dma_wait3A_238 = arith.constant 0 : i32
      %dma_wait3A_239 = arith.constant 0 : i32
      %dma_wait3A_240 = tpu.memref_slice %arg15[%dma_wait3A_237, %dma_wait3A_238, %dma_wait3A_239] : memref<4x64x128xf32, #tpu.memory_space<vmem>> -> memref<1x64x128xf32, #tpu.memory_space<vmem>>
      %dma_wait3A_241 = tpu.memref_squeeze %dma_wait3A_240 : memref<1x64x128xf32, #tpu.memory_space<vmem>> -> memref<64x128xf32, #tpu.memory_space<vmem>>
      %dma_wait3A_242 = arith.constant 0 : i32
      %dma_wait3A_243 = arith.constant 0 : i32
      %dma_wait3A_244 = tpu.memref_slice %arg4[%dma_wait3A_242, %dma_wait3A_243] : memref<10240x128xf32, #tpu.memory_space<hbm>> -> memref<10240x128xf32, #tpu.memory_space<hbm>>
      tpu.wait_indirect_dma semaphore(%arg25 : memref<!tpu.dma_semaphore, #tpu.memory_space<semaphore_mem>>) src(%dma_wait3A_244 : memref<10240x128xf32, #tpu.memory_space<hbm>>) dst(%dma_wait3A_241 : memref<64x128xf32, #tpu.memory_space<vmem>>)
      %dma_wait3A_245 = tpu.memref_slice %arg3[%mul3A_145] : memref<320000xi32, #tpu.memory_space<hbm>> -> memref<64xi32, #tpu.memory_space<hbm>>
      %dma_wait3A_246 = tpu.memref_slice %arg3[%mul3A_145] : memref<320000xi32, #tpu.memory_space<hbm>> -> memref<64xi32, #tpu.memory_space<hbm>>
      tpu.wait_dma2 semaphore(%arg21 : memref<!tpu.dma_semaphore, #tpu.memory_space<semaphore_mem>>) src(%dma_wait3A_246 : memref<64xi32, #tpu.memory_space<hbm>>) dst(%arg11 : memref<64xi32, #tpu.memory_space<vmem>>)
      %dma_start3A_247 = arith.constant 0 : i32
      %dma_start3A_248 = arith.constant 0 : i32
      %dma_start3A_249 = arith.constant 0 : i32
      %dma_start3A_250 = tpu.memref_slice %arg15[%dma_start3A_247, %dma_start3A_248, %dma_start3A_249] : memref<4x64x128xf32, #tpu.memory_space<vmem>> -> memref<1x64x128xf32, #tpu.memory_space<vmem>>
      %dma_start3A_251 = tpu.memref_squeeze %dma_start3A_250 : memref<1x64x128xf32, #tpu.memory_space<vmem>> -> memref<64x128xf32, #tpu.memory_space<vmem>>
      %dma_start3A_252 = arith.constant 0 : i32
      %dma_start3A_253 = arith.constant 0 : i32
      %dma_start3A_254 = tpu.memref_slice %arg16[%dma_start3A_252, %dma_start3A_253] : memref<10240x128xf32, #tpu.memory_space<vmem_shared>> -> memref<10240x128xf32, #tpu.memory_space<vmem_shared>>
      tpu.enqueue_indirect_dma source(%dma_start3A_251 : memref<64x128xf32, #tpu.memory_space<vmem>>) target(%dma_start3A_254 : memref<10240x128xf32, #tpu.memory_space<vmem_shared>>) offsets(%arg11 : memref<64xi32, #tpu.memory_space<vmem>>) semaphore(%arg29 : memref<!tpu.dma_semaphore, #tpu.memory_space<semaphore_mem>>) {add = true}
      %dma_start3A_255 = arith.constant 0 : i32
      %dma_start3A_256 = tpu.memref_slice %arg39[%dma_start3A_255] : memref<10240xf32, #tpu.memory_space<vmem_shared>> -> memref<10240xf32, #tpu.memory_space<vmem_shared>>
      tpu.enqueue_indirect_dma source(%arg37 : memref<64xf32, #tpu.memory_space<vmem>>) target(%dma_start3A_256 : memref<10240xf32, #tpu.memory_space<vmem_shared>>) offsets(%arg11 : memref<64xi32, #tpu.memory_space<vmem>>) semaphore(%arg33 : memref<!tpu.dma_semaphore, #tpu.memory_space<semaphore_mem>>) {add = true}
      %dma_wait3A_257 = arith.constant 1 : i32
      %dma_wait3A_258 = arith.constant 0 : i32
      %dma_wait3A_259 = arith.constant 0 : i32
      %dma_wait3A_260 = tpu.memref_slice %arg15[%dma_wait3A_257, %dma_wait3A_258, %dma_wait3A_259] : memref<4x64x128xf32, #tpu.memory_space<vmem>> -> memref<1x64x128xf32, #tpu.memory_space<vmem>>
      %dma_wait3A_261 = tpu.memref_squeeze %dma_wait3A_260 : memref<1x64x128xf32, #tpu.memory_space<vmem>> -> memref<64x128xf32, #tpu.memory_space<vmem>>
      %dma_wait3A_262 = arith.constant 0 : i32
      %dma_wait3A_263 = arith.constant 0 : i32
      %dma_wait3A_264 = tpu.memref_slice %arg4[%dma_wait3A_262, %dma_wait3A_263] : memref<10240x128xf32, #tpu.memory_space<hbm>> -> memref<10240x128xf32, #tpu.memory_space<hbm>>
      tpu.wait_indirect_dma semaphore(%arg26 : memref<!tpu.dma_semaphore, #tpu.memory_space<semaphore_mem>>) src(%dma_wait3A_264 : memref<10240x128xf32, #tpu.memory_space<hbm>>) dst(%dma_wait3A_261 : memref<64x128xf32, #tpu.memory_space<vmem>>)
      %dma_wait3A_265 = tpu.memref_slice %arg3[%mul3A_160] : memref<320000xi32, #tpu.memory_space<hbm>> -> memref<64xi32, #tpu.memory_space<hbm>>
      %dma_wait3A_266 = tpu.memref_slice %arg3[%mul3A_160] : memref<320000xi32, #tpu.memory_space<hbm>> -> memref<64xi32, #tpu.memory_space<hbm>>
      tpu.wait_dma2 semaphore(%arg22 : memref<!tpu.dma_semaphore, #tpu.memory_space<semaphore_mem>>) src(%dma_wait3A_266 : memref<64xi32, #tpu.memory_space<hbm>>) dst(%arg12 : memref<64xi32, #tpu.memory_space<vmem>>)
      %dma_start3A_267 = arith.constant 1 : i32
      %dma_start3A_268 = arith.constant 0 : i32
      %dma_start3A_269 = arith.constant 0 : i32
      %dma_start3A_270 = tpu.memref_slice %arg15[%dma_start3A_267, %dma_start3A_268, %dma_start3A_269] : memref<4x64x128xf32, #tpu.memory_space<vmem>> -> memref<1x64x128xf32, #tpu.memory_space<vmem>>
      %dma_start3A_271 = tpu.memref_squeeze %dma_start3A_270 : memref<1x64x128xf32, #tpu.memory_space<vmem>> -> memref<64x128xf32, #tpu.memory_space<vmem>>
      %dma_start3A_272 = arith.constant 0 : i32
      %dma_start3A_273 = arith.constant 0 : i32
      %dma_start3A_274 = tpu.memref_slice %arg16[%dma_start3A_272, %dma_start3A_273] : memref<10240x128xf32, #tpu.memory_space<vmem_shared>> -> memref<10240x128xf32, #tpu.memory_space<vmem_shared>>
      tpu.enqueue_indirect_dma source(%dma_start3A_271 : memref<64x128xf32, #tpu.memory_space<vmem>>) target(%dma_start3A_274 : memref<10240x128xf32, #tpu.memory_space<vmem_shared>>) offsets(%arg12 : memref<64xi32, #tpu.memory_space<vmem>>) semaphore(%arg30 : memref<!tpu.dma_semaphore, #tpu.memory_space<semaphore_mem>>) {add = true}
      %dma_start3A_275 = arith.constant 0 : i32
      %dma_start3A_276 = tpu.memref_slice %arg39[%dma_start3A_275] : memref<10240xf32, #tpu.memory_space<vmem_shared>> -> memref<10240xf32, #tpu.memory_space<vmem_shared>>
      tpu.enqueue_indirect_dma source(%arg37 : memref<64xf32, #tpu.memory_space<vmem>>) target(%dma_start3A_276 : memref<10240xf32, #tpu.memory_space<vmem_shared>>) offsets(%arg12 : memref<64xi32, #tpu.memory_space<vmem>>) semaphore(%arg34 : memref<!tpu.dma_semaphore, #tpu.memory_space<semaphore_mem>>) {add = true}
      %dma_wait3A_277 = arith.constant 2 : i32
      %dma_wait3A_278 = arith.constant 0 : i32
      %dma_wait3A_279 = arith.constant 0 : i32
      %dma_wait3A_280 = tpu.memref_slice %arg15[%dma_wait3A_277, %dma_wait3A_278, %dma_wait3A_279] : memref<4x64x128xf32, #tpu.memory_space<vmem>> -> memref<1x64x128xf32, #tpu.memory_space<vmem>>
      %dma_wait3A_281 = tpu.memref_squeeze %dma_wait3A_280 : memref<1x64x128xf32, #tpu.memory_space<vmem>> -> memref<64x128xf32, #tpu.memory_space<vmem>>
      %dma_wait3A_282 = arith.constant 0 : i32
      %dma_wait3A_283 = arith.constant 0 : i32
      %dma_wait3A_284 = tpu.memref_slice %arg4[%dma_wait3A_282, %dma_wait3A_283] : memref<10240x128xf32, #tpu.memory_space<hbm>> -> memref<10240x128xf32, #tpu.memory_space<hbm>>
      tpu.wait_indirect_dma semaphore(%arg27 : memref<!tpu.dma_semaphore, #tpu.memory_space<semaphore_mem>>) src(%dma_wait3A_284 : memref<10240x128xf32, #tpu.memory_space<hbm>>) dst(%dma_wait3A_281 : memref<64x128xf32, #tpu.memory_space<vmem>>)
      %dma_wait3A_285 = tpu.memref_slice %arg3[%mul3A_176] : memref<320000xi32, #tpu.memory_space<hbm>> -> memref<64xi32, #tpu.memory_space<hbm>>
      %dma_wait3A_286 = tpu.memref_slice %arg3[%mul3A_176] : memref<320000xi32, #tpu.memory_space<hbm>> -> memref<64xi32, #tpu.memory_space<hbm>>
      tpu.wait_dma2 semaphore(%arg23 : memref<!tpu.dma_semaphore, #tpu.memory_space<semaphore_mem>>) src(%dma_wait3A_286 : memref<64xi32, #tpu.memory_space<hbm>>) dst(%arg13 : memref<64xi32, #tpu.memory_space<vmem>>)
      %dma_start3A_287 = arith.constant 2 : i32
      %dma_start3A_288 = arith.constant 0 : i32
      %dma_start3A_289 = arith.constant 0 : i32
      %dma_start3A_290 = tpu.memref_slice %arg15[%dma_start3A_287, %dma_start3A_288, %dma_start3A_289] : memref<4x64x128xf32, #tpu.memory_space<vmem>> -> memref<1x64x128xf32, #tpu.memory_space<vmem>>
      %dma_start3A_291 = tpu.memref_squeeze %dma_start3A_290 : memref<1x64x128xf32, #tpu.memory_space<vmem>> -> memref<64x128xf32, #tpu.memory_space<vmem>>
      %dma_start3A_292 = arith.constant 0 : i32
      %dma_start3A_293 = arith.constant 0 : i32
      %dma_start3A_294 = tpu.memref_slice %arg16[%dma_start3A_292, %dma_start3A_293] : memref<10240x128xf32, #tpu.memory_space<vmem_shared>> -> memref<10240x128xf32, #tpu.memory_space<vmem_shared>>
      tpu.enqueue_indirect_dma source(%dma_start3A_291 : memref<64x128xf32, #tpu.memory_space<vmem>>) target(%dma_start3A_294 : memref<10240x128xf32, #tpu.memory_space<vmem_shared>>) offsets(%arg13 : memref<64xi32, #tpu.memory_space<vmem>>) semaphore(%arg31 : memref<!tpu.dma_semaphore, #tpu.memory_space<semaphore_mem>>) {add = true}
      %dma_start3A_295 = arith.constant 0 : i32
      %dma_start3A_296 = tpu.memref_slice %arg39[%dma_start3A_295] : memref<10240xf32, #tpu.memory_space<vmem_shared>> -> memref<10240xf32, #tpu.memory_space<vmem_shared>>
      tpu.enqueue_indirect_dma source(%arg37 : memref<64xf32, #tpu.memory_space<vmem>>) target(%dma_start3A_296 : memref<10240xf32, #tpu.memory_space<vmem_shared>>) offsets(%arg13 : memref<64xi32, #tpu.memory_space<vmem>>) semaphore(%arg35 : memref<!tpu.dma_semaphore, #tpu.memory_space<semaphore_mem>>) {add = true}
      %dma_wait3A_297 = arith.constant 3 : i32
      %dma_wait3A_298 = arith.constant 0 : i32
      %dma_wait3A_299 = arith.constant 0 : i32
      %dma_wait3A_300 = tpu.memref_slice %arg15[%dma_wait3A_297, %dma_wait3A_298, %dma_wait3A_299] : memref<4x64x128xf32, #tpu.memory_space<vmem>> -> memref<1x64x128xf32, #tpu.memory_space<vmem>>
      %dma_wait3A_301 = tpu.memref_squeeze %dma_wait3A_300 : memref<1x64x128xf32, #tpu.memory_space<vmem>> -> memref<64x128xf32, #tpu.memory_space<vmem>>
      %dma_wait3A_302 = arith.constant 0 : i32
      %dma_wait3A_303 = arith.constant 0 : i32
      %dma_wait3A_304 = tpu.memref_slice %arg4[%dma_wait3A_302, %dma_wait3A_303] : memref<10240x128xf32, #tpu.memory_space<hbm>> -> memref<10240x128xf32, #tpu.memory_space<hbm>>
      tpu.wait_indirect_dma semaphore(%arg28 : memref<!tpu.dma_semaphore, #tpu.memory_space<semaphore_mem>>) src(%dma_wait3A_304 : memref<10240x128xf32, #tpu.memory_space<hbm>>) dst(%dma_wait3A_301 : memref<64x128xf32, #tpu.memory_space<vmem>>)
      %dma_wait3A_305 = tpu.memref_slice %arg3[%mul3A_192] : memref<320000xi32, #tpu.memory_space<hbm>> -> memref<64xi32, #tpu.memory_space<hbm>>
      %dma_wait3A_306 = tpu.memref_slice %arg3[%mul3A_192] : memref<320000xi32, #tpu.memory_space<hbm>> -> memref<64xi32, #tpu.memory_space<hbm>>
      tpu.wait_dma2 semaphore(%arg24 : memref<!tpu.dma_semaphore, #tpu.memory_space<semaphore_mem>>) src(%dma_wait3A_306 : memref<64xi32, #tpu.memory_space<hbm>>) dst(%arg14 : memref<64xi32, #tpu.memory_space<vmem>>)
      %dma_start3A_307 = arith.constant 3 : i32
      %dma_start3A_308 = arith.constant 0 : i32
      %dma_start3A_309 = arith.constant 0 : i32
      %dma_start3A_310 = tpu.memref_slice %arg15[%dma_start3A_307, %dma_start3A_308, %dma_start3A_309] : memref<4x64x128xf32, #tpu.memory_space<vmem>> -> memref<1x64x128xf32, #tpu.memory_space<vmem>>
      %dma_start3A_311 = tpu.memref_squeeze %dma_start3A_310 : memref<1x64x128xf32, #tpu.memory_space<vmem>> -> memref<64x128xf32, #tpu.memory_space<vmem>>
      %dma_start3A_312 = arith.constant 0 : i32
      %dma_start3A_313 = arith.constant 0 : i32
      %dma_start3A_314 = tpu.memref_slice %arg16[%dma_start3A_312, %dma_start3A_313] : memref<10240x128xf32, #tpu.memory_space<vmem_shared>> -> memref<10240x128xf32, #tpu.memory_space<vmem_shared>>
      tpu.enqueue_indirect_dma source(%dma_start3A_311 : memref<64x128xf32, #tpu.memory_space<vmem>>) target(%dma_start3A_314 : memref<10240x128xf32, #tpu.memory_space<vmem_shared>>) offsets(%arg14 : memref<64xi32, #tpu.memory_space<vmem>>) semaphore(%arg32 : memref<!tpu.dma_semaphore, #tpu.memory_space<semaphore_mem>>) {add = true}
      %dma_start3A_315 = arith.constant 0 : i32
      %dma_start3A_316 = tpu.memref_slice %arg39[%dma_start3A_315] : memref<10240xf32, #tpu.memory_space<vmem_shared>> -> memref<10240xf32, #tpu.memory_space<vmem_shared>>
      tpu.enqueue_indirect_dma source(%arg37 : memref<64xf32, #tpu.memory_space<vmem>>) target(%dma_start3A_316 : memref<10240xf32, #tpu.memory_space<vmem_shared>>) offsets(%arg14 : memref<64xi32, #tpu.memory_space<vmem>>) semaphore(%arg36 : memref<!tpu.dma_semaphore, #tpu.memory_space<semaphore_mem>>) {add = true}
      %scan3A_317 = arith.constant 0 : i32
      scf.yield %scan3A_317 : i32
    }
    %scan3A_79 = arith.constant 39 : i32
    %dma_wait3A = arith.constant 0 : i32
    %dma_wait3A_80 = arith.constant 0 : i32
    %dma_wait3A_81 = arith.constant 0 : i32
    %dma_wait3A_82 = tpu.memref_slice %arg15[%dma_wait3A, %dma_wait3A_80, %dma_wait3A_81] : memref<4x64x128xf32, #tpu.memory_space<vmem>> -> memref<1x64x128xf32, #tpu.memory_space<vmem>>
    %dma_wait3A_83 = tpu.memref_squeeze %dma_wait3A_82 : memref<1x64x128xf32, #tpu.memory_space<vmem>> -> memref<64x128xf32, #tpu.memory_space<vmem>>
    %dma_wait3A_84 = arith.constant 0 : i32
    %dma_wait3A_85 = arith.constant 0 : i32
    %dma_wait3A_86 = tpu.memref_slice %arg16[%dma_wait3A_84, %dma_wait3A_85] : memref<10240x128xf32, #tpu.memory_space<vmem_shared>> -> memref<10240x128xf32, #tpu.memory_space<vmem_shared>>
    tpu.wait_indirect_dma semaphore(%arg29 : memref<!tpu.dma_semaphore, #tpu.memory_space<semaphore_mem>>) src(%dma_wait3A_83 : memref<64x128xf32, #tpu.memory_space<vmem>>) dst(%dma_wait3A_86 : memref<10240x128xf32, #tpu.memory_space<vmem_shared>>)
    %dma_wait3A_87 = arith.constant 0 : i32
    %dma_wait3A_88 = tpu.memref_slice %arg39[%dma_wait3A_87] : memref<10240xf32, #tpu.memory_space<vmem_shared>> -> memref<10240xf32, #tpu.memory_space<vmem_shared>>
    tpu.wait_indirect_dma semaphore(%arg33 : memref<!tpu.dma_semaphore, #tpu.memory_space<semaphore_mem>>) src(%arg37 : memref<64xf32, #tpu.memory_space<vmem>>) dst(%dma_wait3A_88 : memref<10240xf32, #tpu.memory_space<vmem_shared>>)
    %dma_wait3A_89 = arith.constant 1 : i32
    %dma_wait3A_90 = arith.constant 0 : i32
    %dma_wait3A_91 = arith.constant 0 : i32
    %dma_wait3A_92 = tpu.memref_slice %arg15[%dma_wait3A_89, %dma_wait3A_90, %dma_wait3A_91] : memref<4x64x128xf32, #tpu.memory_space<vmem>> -> memref<1x64x128xf32, #tpu.memory_space<vmem>>
    %dma_wait3A_93 = tpu.memref_squeeze %dma_wait3A_92 : memref<1x64x128xf32, #tpu.memory_space<vmem>> -> memref<64x128xf32, #tpu.memory_space<vmem>>
    %dma_wait3A_94 = arith.constant 0 : i32
    %dma_wait3A_95 = arith.constant 0 : i32
    %dma_wait3A_96 = tpu.memref_slice %arg16[%dma_wait3A_94, %dma_wait3A_95] : memref<10240x128xf32, #tpu.memory_space<vmem_shared>> -> memref<10240x128xf32, #tpu.memory_space<vmem_shared>>
    tpu.wait_indirect_dma semaphore(%arg30 : memref<!tpu.dma_semaphore, #tpu.memory_space<semaphore_mem>>) src(%dma_wait3A_93 : memref<64x128xf32, #tpu.memory_space<vmem>>) dst(%dma_wait3A_96 : memref<10240x128xf32, #tpu.memory_space<vmem_shared>>)
    %dma_wait3A_97 = arith.constant 0 : i32
    %dma_wait3A_98 = tpu.memref_slice %arg39[%dma_wait3A_97] : memref<10240xf32, #tpu.memory_space<vmem_shared>> -> memref<10240xf32, #tpu.memory_space<vmem_shared>>
    tpu.wait_indirect_dma semaphore(%arg34 : memref<!tpu.dma_semaphore, #tpu.memory_space<semaphore_mem>>) src(%arg37 : memref<64xf32, #tpu.memory_space<vmem>>) dst(%dma_wait3A_98 : memref<10240xf32, #tpu.memory_space<vmem_shared>>)
    %dma_wait3A_99 = arith.constant 2 : i32
    %dma_wait3A_100 = arith.constant 0 : i32
    %dma_wait3A_101 = arith.constant 0 : i32
    %dma_wait3A_102 = tpu.memref_slice %arg15[%dma_wait3A_99, %dma_wait3A_100, %dma_wait3A_101] : memref<4x64x128xf32, #tpu.memory_space<vmem>> -> memref<1x64x128xf32, #tpu.memory_space<vmem>>
    %dma_wait3A_103 = tpu.memref_squeeze %dma_wait3A_102 : memref<1x64x128xf32, #tpu.memory_space<vmem>> -> memref<64x128xf32, #tpu.memory_space<vmem>>
    %dma_wait3A_104 = arith.constant 0 : i32
    %dma_wait3A_105 = arith.constant 0 : i32
    %dma_wait3A_106 = tpu.memref_slice %arg16[%dma_wait3A_104, %dma_wait3A_105] : memref<10240x128xf32, #tpu.memory_space<vmem_shared>> -> memref<10240x128xf32, #tpu.memory_space<vmem_shared>>
    tpu.wait_indirect_dma semaphore(%arg31 : memref<!tpu.dma_semaphore, #tpu.memory_space<semaphore_mem>>) src(%dma_wait3A_103 : memref<64x128xf32, #tpu.memory_space<vmem>>) dst(%dma_wait3A_106 : memref<10240x128xf32, #tpu.memory_space<vmem_shared>>)
    %dma_wait3A_107 = arith.constant 0 : i32
    %dma_wait3A_108 = tpu.memref_slice %arg39[%dma_wait3A_107] : memref<10240xf32, #tpu.memory_space<vmem_shared>> -> memref<10240xf32, #tpu.memory_space<vmem_shared>>
    tpu.wait_indirect_dma semaphore(%arg35 : memref<!tpu.dma_semaphore, #tpu.memory_space<semaphore_mem>>) src(%arg37 : memref<64xf32, #tpu.memory_space<vmem>>) dst(%dma_wait3A_108 : memref<10240xf32, #tpu.memory_space<vmem_shared>>)
    %dma_wait3A_109 = arith.constant 3 : i32
    %dma_wait3A_110 = arith.constant 0 : i32
    %dma_wait3A_111 = arith.constant 0 : i32
    %dma_wait3A_112 = tpu.memref_slice %arg15[%dma_wait3A_109, %dma_wait3A_110, %dma_wait3A_111] : memref<4x64x128xf32, #tpu.memory_space<vmem>> -> memref<1x64x128xf32, #tpu.memory_space<vmem>>
    %dma_wait3A_113 = tpu.memref_squeeze %dma_wait3A_112 : memref<1x64x128xf32, #tpu.memory_space<vmem>> -> memref<64x128xf32, #tpu.memory_space<vmem>>
    %dma_wait3A_114 = arith.constant 0 : i32
    %dma_wait3A_115 = arith.constant 0 : i32
    %dma_wait3A_116 = tpu.memref_slice %arg16[%dma_wait3A_114, %dma_wait3A_115] : memref<10240x128xf32, #tpu.memory_space<vmem_shared>> -> memref<10240x128xf32, #tpu.memory_space<vmem_shared>>
    tpu.wait_indirect_dma semaphore(%arg32 : memref<!tpu.dma_semaphore, #tpu.memory_space<semaphore_mem>>) src(%dma_wait3A_113 : memref<64x128xf32, #tpu.memory_space<vmem>>) dst(%dma_wait3A_116 : memref<10240x128xf32, #tpu.memory_space<vmem_shared>>)
    %dma_wait3A_117 = arith.constant 0 : i32
    %dma_wait3A_118 = tpu.memref_slice %arg39[%dma_wait3A_117] : memref<10240xf32, #tpu.memory_space<vmem_shared>> -> memref<10240xf32, #tpu.memory_space<vmem_shared>>
    tpu.wait_indirect_dma semaphore(%arg36 : memref<!tpu.dma_semaphore, #tpu.memory_space<semaphore_mem>>) src(%arg37 : memref<64xf32, #tpu.memory_space<vmem>>) dst(%dma_wait3A_118 : memref<10240xf32, #tpu.memory_space<vmem_shared>>)
    %while3A = arith.constant 156 : i32
    %while3A_119 = arith.constant 0 : i32
    %while3A_120 = arith.subi %add3A_8, %while3A : i32
    %while3A_121 = arith.addi %while3A, %while3A_120 : i32
    %while3A_122 = arith.constant 1 : i32
    %while3A_123 = arith.divsi %while3A_120, %while3A_122 : i32
    %while3A_124 = arith.muli %while3A_123, %while3A_122 : i32
    %while3A_125 = arith.addi %while3A, %while3A_124 : i32
    %while3A_126 = arith.constant 1 : i32
    %while3A_127 = scf.for %while3A_135 = %while3A to %while3A_125 step %while3A_126 iter_args(%while3A_136 = %while3A_119) -> (i32)  : i32 {
      %add3A_137 = arith.addi %add3A_4, %while3A_135 : i32
      %mul3A_138 = arith.constant 64 : i32
      %mul3A_139 = arith.muli %add3A_137, %mul3A_138 : i32
      %dma_start3A = tpu.memref_slice %arg2[%mul3A_139] : memref<320000xi32, #tpu.memory_space<hbm>> -> memref<64xi32, #tpu.memory_space<hbm>>
      %dma_start3A_140 = tpu.memref_slice %arg2[%mul3A_139] : memref<320000xi32, #tpu.memory_space<hbm>> -> memref<64xi32, #tpu.memory_space<hbm>>
      tpu.enqueue_dma source(%dma_start3A_140 : memref<64xi32, #tpu.memory_space<hbm>>) target(%arg7 : memref<64xi32, #tpu.memory_space<vmem>>) target_semaphore(%arg17 : memref<!tpu.dma_semaphore, #tpu.memory_space<semaphore_mem>>)
      %dma_wait3A_141 = tpu.memref_slice %arg2[%mul3A_139] : memref<320000xi32, #tpu.memory_space<hbm>> -> memref<64xi32, #tpu.memory_space<hbm>>
      %dma_wait3A_142 = tpu.memref_slice %arg2[%mul3A_139] : memref<320000xi32, #tpu.memory_space<hbm>> -> memref<64xi32, #tpu.memory_space<hbm>>
      tpu.wait_dma2 semaphore(%arg17 : memref<!tpu.dma_semaphore, #tpu.memory_space<semaphore_mem>>) src(%dma_wait3A_142 : memref<64xi32, #tpu.memory_space<hbm>>) dst(%arg7 : memref<64xi32, #tpu.memory_space<vmem>>)
      %dma_start3A_143 = tpu.memref_slice %arg3[%mul3A_139] : memref<320000xi32, #tpu.memory_space<hbm>> -> memref<64xi32, #tpu.memory_space<hbm>>
      %dma_start3A_144 = tpu.memref_slice %arg3[%mul3A_139] : memref<320000xi32, #tpu.memory_space<hbm>> -> memref<64xi32, #tpu.memory_space<hbm>>
      tpu.enqueue_dma source(%dma_start3A_144 : memref<64xi32, #tpu.memory_space<hbm>>) target(%arg11 : memref<64xi32, #tpu.memory_space<vmem>>) target_semaphore(%arg21 : memref<!tpu.dma_semaphore, #tpu.memory_space<semaphore_mem>>)
      %dma_wait3A_145 = tpu.memref_slice %arg3[%mul3A_139] : memref<320000xi32, #tpu.memory_space<hbm>> -> memref<64xi32, #tpu.memory_space<hbm>>
      %dma_wait3A_146 = tpu.memref_slice %arg3[%mul3A_139] : memref<320000xi32, #tpu.memory_space<hbm>> -> memref<64xi32, #tpu.memory_space<hbm>>
      tpu.wait_dma2 semaphore(%arg21 : memref<!tpu.dma_semaphore, #tpu.memory_space<semaphore_mem>>) src(%dma_wait3A_146 : memref<64xi32, #tpu.memory_space<hbm>>) dst(%arg11 : memref<64xi32, #tpu.memory_space<vmem>>)
      %dma_start3A_147 = arith.constant 0 : i32
      %dma_start3A_148 = arith.constant 0 : i32
      %dma_start3A_149 = arith.constant 0 : i32
      %dma_start3A_150 = tpu.memref_slice %arg15[%dma_start3A_147, %dma_start3A_148, %dma_start3A_149] : memref<4x64x128xf32, #tpu.memory_space<vmem>> -> memref<1x64x128xf32, #tpu.memory_space<vmem>>
      %dma_start3A_151 = tpu.memref_squeeze %dma_start3A_150 : memref<1x64x128xf32, #tpu.memory_space<vmem>> -> memref<64x128xf32, #tpu.memory_space<vmem>>
      %dma_start3A_152 = arith.constant 0 : i32
      %dma_start3A_153 = arith.constant 0 : i32
      %dma_start3A_154 = tpu.memref_slice %arg4[%dma_start3A_152, %dma_start3A_153] : memref<10240x128xf32, #tpu.memory_space<hbm>> -> memref<10240x128xf32, #tpu.memory_space<hbm>>
      tpu.enqueue_indirect_dma source(%dma_start3A_154 : memref<10240x128xf32, #tpu.memory_space<hbm>>) target(%dma_start3A_151 : memref<64x128xf32, #tpu.memory_space<vmem>>) offsets(%arg7 : memref<64xi32, #tpu.memory_space<vmem>>) semaphore(%arg25 : memref<!tpu.dma_semaphore, #tpu.memory_space<semaphore_mem>>)
      %dma_wait3A_155 = arith.constant 0 : i32
      %dma_wait3A_156 = arith.constant 0 : i32
      %dma_wait3A_157 = arith.constant 0 : i32
      %dma_wait3A_158 = tpu.memref_slice %arg15[%dma_wait3A_155, %dma_wait3A_156, %dma_wait3A_157] : memref<4x64x128xf32, #tpu.memory_space<vmem>> -> memref<1x64x128xf32, #tpu.memory_space<vmem>>
      %dma_wait3A_159 = tpu.memref_squeeze %dma_wait3A_158 : memref<1x64x128xf32, #tpu.memory_space<vmem>> -> memref<64x128xf32, #tpu.memory_space<vmem>>
      %dma_wait3A_160 = arith.constant 0 : i32
      %dma_wait3A_161 = arith.constant 0 : i32
      %dma_wait3A_162 = tpu.memref_slice %arg4[%dma_wait3A_160, %dma_wait3A_161] : memref<10240x128xf32, #tpu.memory_space<hbm>> -> memref<10240x128xf32, #tpu.memory_space<hbm>>
      tpu.wait_indirect_dma semaphore(%arg25 : memref<!tpu.dma_semaphore, #tpu.memory_space<semaphore_mem>>) src(%dma_wait3A_162 : memref<10240x128xf32, #tpu.memory_space<hbm>>) dst(%dma_wait3A_159 : memref<64x128xf32, #tpu.memory_space<vmem>>)
      %run_scoped3A_163 = arith.constant 0 : i32
      "tpu.region"() ({
        %run_scoped3A_165 = tpu.sem_alloc : memref<!tpu.dma_semaphore, #tpu.memory_space<semaphore_mem>>
        %dma_start3A_166 = arith.constant 0 : i32
        %dma_start3A_167 = arith.constant 0 : i32
        %dma_start3A_168 = tpu.memref_slice %arg15[%run_scoped3A_163, %dma_start3A_166, %dma_start3A_167] : memref<4x64x128xf32, #tpu.memory_space<vmem>> -> memref<1x64x128xf32, #tpu.memory_space<vmem>>
        %dma_start3A_169 = tpu.memref_squeeze %dma_start3A_168 : memref<1x64x128xf32, #tpu.memory_space<vmem>> -> memref<64x128xf32, #tpu.memory_space<vmem>>
        %dma_start3A_170 = arith.constant 0 : i32
        %dma_start3A_171 = arith.constant 0 : i32
        %dma_start3A_172 = tpu.memref_slice %arg16[%dma_start3A_170, %dma_start3A_171] : memref<10240x128xf32, #tpu.memory_space<vmem_shared>> -> memref<10240x128xf32, #tpu.memory_space<vmem_shared>>
        tpu.enqueue_indirect_dma source(%dma_start3A_169 : memref<64x128xf32, #tpu.memory_space<vmem>>) target(%dma_start3A_172 : memref<10240x128xf32, #tpu.memory_space<vmem_shared>>) offsets(%arg11 : memref<64xi32, #tpu.memory_space<vmem>>) semaphore(%run_scoped3A_165 : memref<!tpu.dma_semaphore, #tpu.memory_space<semaphore_mem>>) {add = true}
        %dma_wait3A_173 = arith.constant 0 : i32
        %dma_wait3A_174 = arith.constant 0 : i32
        %dma_wait3A_175 = tpu.memref_slice %arg15[%run_scoped3A_163, %dma_wait3A_173, %dma_wait3A_174] : memref<4x64x128xf32, #tpu.memory_space<vmem>> -> memref<1x64x128xf32, #tpu.memory_space<vmem>>
        %dma_wait3A_176 = tpu.memref_squeeze %dma_wait3A_175 : memref<1x64x128xf32, #tpu.memory_space<vmem>> -> memref<64x128xf32, #tpu.memory_space<vmem>>
        %dma_wait3A_177 = arith.constant 0 : i32
        %dma_wait3A_178 = arith.constant 0 : i32
        %dma_wait3A_179 = tpu.memref_slice %arg16[%dma_wait3A_177, %dma_wait3A_178] : memref<10240x128xf32, #tpu.memory_space<vmem_shared>> -> memref<10240x128xf32, #tpu.memory_space<vmem_shared>>
        tpu.wait_indirect_dma semaphore(%run_scoped3A_165 : memref<!tpu.dma_semaphore, #tpu.memory_space<semaphore_mem>>) src(%dma_wait3A_176 : memref<64x128xf32, #tpu.memory_space<vmem>>) dst(%dma_wait3A_179 : memref<10240x128xf32, #tpu.memory_space<vmem_shared>>)
        tpu.yield
      }) : () -> ()
      "tpu.region"() ({
        %run_scoped3A_165 = tpu.sem_alloc : memref<!tpu.dma_semaphore, #tpu.memory_space<semaphore_mem>>
        %dma_start3A_166 = arith.constant 0 : i32
        %dma_start3A_167 = tpu.memref_slice %arg39[%dma_start3A_166] : memref<10240xf32, #tpu.memory_space<vmem_shared>> -> memref<10240xf32, #tpu.memory_space<vmem_shared>>
        tpu.enqueue_indirect_dma source(%arg37 : memref<64xf32, #tpu.memory_space<vmem>>) target(%dma_start3A_167 : memref<10240xf32, #tpu.memory_space<vmem_shared>>) offsets(%arg11 : memref<64xi32, #tpu.memory_space<vmem>>) semaphore(%run_scoped3A_165 : memref<!tpu.dma_semaphore, #tpu.memory_space<semaphore_mem>>) {add = true}
        %dma_wait3A_168 = arith.constant 0 : i32
        %dma_wait3A_169 = tpu.memref_slice %arg39[%dma_wait3A_168] : memref<10240xf32, #tpu.memory_space<vmem_shared>> -> memref<10240xf32, #tpu.memory_space<vmem_shared>>
        tpu.wait_indirect_dma semaphore(%run_scoped3A_165 : memref<!tpu.dma_semaphore, #tpu.memory_space<semaphore_mem>>) src(%arg37 : memref<64xf32, #tpu.memory_space<vmem>>) dst(%dma_wait3A_169 : memref<10240xf32, #tpu.memory_space<vmem_shared>>)
        tpu.yield
      }) : () -> ()
      %while3A_164 = arith.constant 0 : i32
      scf.yield %while3A_164 : i32
    }
    %while3A_128 = arith.constant 1 : i32
    %while3A_129 = scf.for %while3A_135 = %while3A_125 to %while3A_121 step %while3A_128 iter_args(%while3A_136 = %while3A_127) -> (i32)  : i32 {
      %add3A_137 = arith.addi %add3A_4, %while3A_135 : i32
      %mul3A_138 = arith.constant 64 : i32
      %mul3A_139 = arith.muli %add3A_137, %mul3A_138 : i32
      %dma_start3A = tpu.memref_slice %arg2[%mul3A_139] : memref<320000xi32, #tpu.memory_space<hbm>> -> memref<64xi32, #tpu.memory_space<hbm>>
      %dma_start3A_140 = tpu.memref_slice %arg2[%mul3A_139] : memref<320000xi32, #tpu.memory_space<hbm>> -> memref<64xi32, #tpu.memory_space<hbm>>
      tpu.enqueue_dma source(%dma_start3A_140 : memref<64xi32, #tpu.memory_space<hbm>>) target(%arg7 : memref<64xi32, #tpu.memory_space<vmem>>) target_semaphore(%arg17 : memref<!tpu.dma_semaphore, #tpu.memory_space<semaphore_mem>>)
      %dma_wait3A_141 = tpu.memref_slice %arg2[%mul3A_139] : memref<320000xi32, #tpu.memory_space<hbm>> -> memref<64xi32, #tpu.memory_space<hbm>>
      %dma_wait3A_142 = tpu.memref_slice %arg2[%mul3A_139] : memref<320000xi32, #tpu.memory_space<hbm>> -> memref<64xi32, #tpu.memory_space<hbm>>
      tpu.wait_dma2 semaphore(%arg17 : memref<!tpu.dma_semaphore, #tpu.memory_space<semaphore_mem>>) src(%dma_wait3A_142 : memref<64xi32, #tpu.memory_space<hbm>>) dst(%arg7 : memref<64xi32, #tpu.memory_space<vmem>>)
      %dma_start3A_143 = tpu.memref_slice %arg3[%mul3A_139] : memref<320000xi32, #tpu.memory_space<hbm>> -> memref<64xi32, #tpu.memory_space<hbm>>
      %dma_start3A_144 = tpu.memref_slice %arg3[%mul3A_139] : memref<320000xi32, #tpu.memory_space<hbm>> -> memref<64xi32, #tpu.memory_space<hbm>>
      tpu.enqueue_dma source(%dma_start3A_144 : memref<64xi32, #tpu.memory_space<hbm>>) target(%arg11 : memref<64xi32, #tpu.memory_space<vmem>>) target_semaphore(%arg21 : memref<!tpu.dma_semaphore, #tpu.memory_space<semaphore_mem>>)
      %dma_wait3A_145 = tpu.memref_slice %arg3[%mul3A_139] : memref<320000xi32, #tpu.memory_space<hbm>> -> memref<64xi32, #tpu.memory_space<hbm>>
      %dma_wait3A_146 = tpu.memref_slice %arg3[%mul3A_139] : memref<320000xi32, #tpu.memory_space<hbm>> -> memref<64xi32, #tpu.memory_space<hbm>>
      tpu.wait_dma2 semaphore(%arg21 : memref<!tpu.dma_semaphore, #tpu.memory_space<semaphore_mem>>) src(%dma_wait3A_146 : memref<64xi32, #tpu.memory_space<hbm>>) dst(%arg11 : memref<64xi32, #tpu.memory_space<vmem>>)
      %dma_start3A_147 = arith.constant 0 : i32
      %dma_start3A_148 = arith.constant 0 : i32
      %dma_start3A_149 = arith.constant 0 : i32
      %dma_start3A_150 = tpu.memref_slice %arg15[%dma_start3A_147, %dma_start3A_148, %dma_start3A_149] : memref<4x64x128xf32, #tpu.memory_space<vmem>> -> memref<1x64x128xf32, #tpu.memory_space<vmem>>
      %dma_start3A_151 = tpu.memref_squeeze %dma_start3A_150 : memref<1x64x128xf32, #tpu.memory_space<vmem>> -> memref<64x128xf32, #tpu.memory_space<vmem>>
      %dma_start3A_152 = arith.constant 0 : i32
      %dma_start3A_153 = arith.constant 0 : i32
      %dma_start3A_154 = tpu.memref_slice %arg4[%dma_start3A_152, %dma_start3A_153] : memref<10240x128xf32, #tpu.memory_space<hbm>> -> memref<10240x128xf32, #tpu.memory_space<hbm>>
      tpu.enqueue_indirect_dma source(%dma_start3A_154 : memref<10240x128xf32, #tpu.memory_space<hbm>>) target(%dma_start3A_151 : memref<64x128xf32, #tpu.memory_space<vmem>>) offsets(%arg7 : memref<64xi32, #tpu.memory_space<vmem>>) semaphore(%arg25 : memref<!tpu.dma_semaphore, #tpu.memory_space<semaphore_mem>>)
      %dma_wait3A_155 = arith.constant 0 : i32
      %dma_wait3A_156 = arith.constant 0 : i32
      %dma_wait3A_157 = arith.constant 0 : i32
      %dma_wait3A_158 = tpu.memref_slice %arg15[%dma_wait3A_155, %dma_wait3A_156, %dma_wait3A_157] : memref<4x64x128xf32, #tpu.memory_space<vmem>> -> memref<1x64x128xf32, #tpu.memory_space<vmem>>
      %dma_wait3A_159 = tpu.memref_squeeze %dma_wait3A_158 : memref<1x64x128xf32, #tpu.memory_space<vmem>> -> memref<64x128xf32, #tpu.memory_space<vmem>>
      %dma_wait3A_160 = arith.constant 0 : i32
      %dma_wait3A_161 = arith.constant 0 : i32
      %dma_wait3A_162 = tpu.memref_slice %arg4[%dma_wait3A_160, %dma_wait3A_161] : memref<10240x128xf32, #tpu.memory_space<hbm>> -> memref<10240x128xf32, #tpu.memory_space<hbm>>
      tpu.wait_indirect_dma semaphore(%arg25 : memref<!tpu.dma_semaphore, #tpu.memory_space<semaphore_mem>>) src(%dma_wait3A_162 : memref<10240x128xf32, #tpu.memory_space<hbm>>) dst(%dma_wait3A_159 : memref<64x128xf32, #tpu.memory_space<vmem>>)
      %run_scoped3A_163 = arith.constant 0 : i32
      "tpu.region"() ({
        %run_scoped3A_165 = tpu.sem_alloc : memref<!tpu.dma_semaphore, #tpu.memory_space<semaphore_mem>>
        %dma_start3A_166 = arith.constant 0 : i32
        %dma_start3A_167 = arith.constant 0 : i32
        %dma_start3A_168 = tpu.memref_slice %arg15[%run_scoped3A_163, %dma_start3A_166, %dma_start3A_167] : memref<4x64x128xf32, #tpu.memory_space<vmem>> -> memref<1x64x128xf32, #tpu.memory_space<vmem>>
        %dma_start3A_169 = tpu.memref_squeeze %dma_start3A_168 : memref<1x64x128xf32, #tpu.memory_space<vmem>> -> memref<64x128xf32, #tpu.memory_space<vmem>>
        %dma_start3A_170 = arith.constant 0 : i32
        %dma_start3A_171 = arith.constant 0 : i32
        %dma_start3A_172 = tpu.memref_slice %arg16[%dma_start3A_170, %dma_start3A_171] : memref<10240x128xf32, #tpu.memory_space<vmem_shared>> -> memref<10240x128xf32, #tpu.memory_space<vmem_shared>>
        tpu.enqueue_indirect_dma source(%dma_start3A_169 : memref<64x128xf32, #tpu.memory_space<vmem>>) target(%dma_start3A_172 : memref<10240x128xf32, #tpu.memory_space<vmem_shared>>) offsets(%arg11 : memref<64xi32, #tpu.memory_space<vmem>>) semaphore(%run_scoped3A_165 : memref<!tpu.dma_semaphore, #tpu.memory_space<semaphore_mem>>) {add = true}
        %dma_wait3A_173 = arith.constant 0 : i32
        %dma_wait3A_174 = arith.constant 0 : i32
        %dma_wait3A_175 = tpu.memref_slice %arg15[%run_scoped3A_163, %dma_wait3A_173, %dma_wait3A_174] : memref<4x64x128xf32, #tpu.memory_space<vmem>> -> memref<1x64x128xf32, #tpu.memory_space<vmem>>
        %dma_wait3A_176 = tpu.memref_squeeze %dma_wait3A_175 : memref<1x64x128xf32, #tpu.memory_space<vmem>> -> memref<64x128xf32, #tpu.memory_space<vmem>>
        %dma_wait3A_177 = arith.constant 0 : i32
        %dma_wait3A_178 = arith.constant 0 : i32
        %dma_wait3A_179 = tpu.memref_slice %arg16[%dma_wait3A_177, %dma_wait3A_178] : memref<10240x128xf32, #tpu.memory_space<vmem_shared>> -> memref<10240x128xf32, #tpu.memory_space<vmem_shared>>
        tpu.wait_indirect_dma semaphore(%run_scoped3A_165 : memref<!tpu.dma_semaphore, #tpu.memory_space<semaphore_mem>>) src(%dma_wait3A_176 : memref<64x128xf32, #tpu.memory_space<vmem>>) dst(%dma_wait3A_179 : memref<10240x128xf32, #tpu.memory_space<vmem_shared>>)
        tpu.yield
      }) : () -> ()
      "tpu.region"() ({
        %run_scoped3A_165 = tpu.sem_alloc : memref<!tpu.dma_semaphore, #tpu.memory_space<semaphore_mem>>
        %dma_start3A_166 = arith.constant 0 : i32
        %dma_start3A_167 = tpu.memref_slice %arg39[%dma_start3A_166] : memref<10240xf32, #tpu.memory_space<vmem_shared>> -> memref<10240xf32, #tpu.memory_space<vmem_shared>>
        tpu.enqueue_indirect_dma source(%arg37 : memref<64xf32, #tpu.memory_space<vmem>>) target(%dma_start3A_167 : memref<10240xf32, #tpu.memory_space<vmem_shared>>) offsets(%arg11 : memref<64xi32, #tpu.memory_space<vmem>>) semaphore(%run_scoped3A_165 : memref<!tpu.dma_semaphore, #tpu.memory_space<semaphore_mem>>) {add = true}
        %dma_wait3A_168 = arith.constant 0 : i32
        %dma_wait3A_169 = tpu.memref_slice %arg39[%dma_wait3A_168] : memref<10240xf32, #tpu.memory_space<vmem_shared>> -> memref<10240xf32, #tpu.memory_space<vmem_shared>>
        tpu.wait_indirect_dma semaphore(%run_scoped3A_165 : memref<!tpu.dma_semaphore, #tpu.memory_space<semaphore_mem>>) src(%arg37 : memref<64xf32, #tpu.memory_space<vmem>>) dst(%dma_wait3A_169 : memref<10240xf32, #tpu.memory_space<vmem_shared>>)
        tpu.yield
      }) : () -> ()
      %while3A_164 = arith.constant 0 : i32
      scf.yield %while3A_164 : i32
    }
    %barrier3A_130 = arith.constant 0 : index
    tpu.barrier barrier_id(%barrier3A_130)
    %mul3A_131 = arith.constant 640 : i32
    %mul3A_132 = arith.muli %arg1, %mul3A_131 : i32
    "tpu.region"() ({
      %run_scoped3A_135 = tpu.sem_alloc : memref<!tpu.dma_semaphore, #tpu.memory_space<semaphore_mem>>
      %dma_start3A = arith.constant 0 : i32
      %dma_start3A_136 = tpu.memref_slice %arg5[%arg0, %mul3A_132, %dma_start3A] : memref<2x10240x128xf32, #tpu.memory_space<hbm>> -> memref<1x640x128xf32, #tpu.memory_space<hbm>>
      %dma_start3A_137 = tpu.memref_squeeze %dma_start3A_136 : memref<1x640x128xf32, #tpu.memory_space<hbm>> -> memref<640x128xf32, #tpu.memory_space<hbm>>
      %dma_start3A_138 = arith.constant 0 : i32
      %dma_start3A_139 = tpu.memref_slice %arg16[%mul3A_132, %dma_start3A_138] : memref<10240x128xf32, #tpu.memory_space<vmem_shared>> -> memref<640x128xf32, #tpu.memory_space<vmem_shared>>
      tpu.enqueue_dma source(%dma_start3A_139 : memref<640x128xf32, #tpu.memory_space<vmem_shared>>) target(%dma_start3A_137 : memref<640x128xf32, #tpu.memory_space<hbm>>) target_semaphore(%run_scoped3A_135 : memref<!tpu.dma_semaphore, #tpu.memory_space<semaphore_mem>>)
      %dma_wait3A_140 = arith.constant 0 : i32
      %dma_wait3A_141 = tpu.memref_slice %arg5[%arg0, %mul3A_132, %dma_wait3A_140] : memref<2x10240x128xf32, #tpu.memory_space<hbm>> -> memref<1x640x128xf32, #tpu.memory_space<hbm>>
      %dma_wait3A_142 = tpu.memref_squeeze %dma_wait3A_141 : memref<1x640x128xf32, #tpu.memory_space<hbm>> -> memref<640x128xf32, #tpu.memory_space<hbm>>
      %dma_wait3A_143 = arith.constant 0 : i32
      %dma_wait3A_144 = tpu.memref_slice %arg16[%mul3A_132, %dma_wait3A_143] : memref<10240x128xf32, #tpu.memory_space<vmem_shared>> -> memref<640x128xf32, #tpu.memory_space<vmem_shared>>
      tpu.wait_dma2 semaphore(%run_scoped3A_135 : memref<!tpu.dma_semaphore, #tpu.memory_space<semaphore_mem>>) src(%dma_wait3A_144 : memref<640x128xf32, #tpu.memory_space<vmem_shared>>) dst(%dma_wait3A_142 : memref<640x128xf32, #tpu.memory_space<hbm>>)
      tpu.yield
    }) : () -> ()
    %mul3A_133 = arith.constant 640 : i32
    %mul3A_134 = arith.muli %arg1, %mul3A_133 : i32
    "tpu.region"() ({
      %run_scoped3A_135 = tpu.sem_alloc : memref<!tpu.dma_semaphore, #tpu.memory_space<semaphore_mem>>
      %dma_start3A = tpu.memref_slice %arg6[%arg0, %mul3A_134] : memref<2x10240xf32, #tpu.memory_space<hbm>> -> memref<1x640xf32, #tpu.memory_space<hbm>>
      %dma_start3A_136 = tpu.memref_squeeze %dma_start3A : memref<1x640xf32, #tpu.memory_space<hbm>> -> memref<640xf32, #tpu.memory_space<hbm>>
      %dma_start3A_137 = tpu.memref_slice %arg39[%mul3A_134] : memref<10240xf32, #tpu.memory_space<vmem_shared>> -> memref<640xf32, #tpu.memory_space<vmem_shared>>
      tpu.enqueue_dma source(%dma_start3A_137 : memref<640xf32, #tpu.memory_space<vmem_shared>>) target(%dma_start3A_136 : memref<640xf32, #tpu.memory_space<hbm>>) target_semaphore(%run_scoped3A_135 : memref<!tpu.dma_semaphore, #tpu.memory_space<semaphore_mem>>)
      %dma_wait3A_138 = tpu.memref_slice %arg6[%arg0, %mul3A_134] : memref<2x10240xf32, #tpu.memory_space<hbm>> -> memref<1x640xf32, #tpu.memory_space<hbm>>
      %dma_wait3A_139 = tpu.memref_squeeze %dma_wait3A_138 : memref<1x640xf32, #tpu.memory_space<hbm>> -> memref<640xf32, #tpu.memory_space<hbm>>
      %dma_wait3A_140 = tpu.memref_slice %arg39[%mul3A_134] : memref<10240xf32, #tpu.memory_space<vmem_shared>> -> memref<640xf32, #tpu.memory_space<vmem_shared>>
      tpu.wait_dma2 semaphore(%run_scoped3A_135 : memref<!tpu.dma_semaphore, #tpu.memory_space<semaphore_mem>>) src(%dma_wait3A_140 : memref<640xf32, #tpu.memory_space<vmem_shared>>) dst(%dma_wait3A_139 : memref<640xf32, #tpu.memory_space<hbm>>)
      tpu.yield
    }) : () -> ()
    return
  }
}

#map = affine_map<(d0, d1) -> (0)>
#map1 = affine_map<(d0, d1) -> (0, 0)>
#map2 = affine_map<(d0, d1) -> (0, 0, 0)>
module attributes {stable_mosaic.version = 14 : i64} {
  func.func @body(%arg0: i32, %arg1: i32, %arg2: memref<320000xi32, #tpu.memory_space<hbm>>, %arg3: memref<320000xi32, #tpu.memory_space<hbm>>, %arg4: memref<10240x128xf32, #tpu.memory_space<hbm>>, %arg5: memref<2x10240x128xf32, #tpu.memory_space<hbm>>, %arg6: memref<64xi32, #tpu.memory_space<vmem>>, %arg7: memref<64xi32, #tpu.memory_space<vmem>>, %arg8: memref<64xi32, #tpu.memory_space<vmem>>, %arg9: memref<64xi32, #tpu.memory_space<vmem>>, %arg10: memref<64xi32, #tpu.memory_space<vmem>>, %arg11: memref<64xi32, #tpu.memory_space<vmem>>, %arg12: memref<64xi32, #tpu.memory_space<vmem>>, %arg13: memref<64xi32, #tpu.memory_space<vmem>>, %arg14: memref<4x64x128xf32, #tpu.memory_space<vmem>>, %arg15: memref<10240x128xf32, #tpu.memory_space<vmem_shared>>, %arg16: memref<!tpu.dma_semaphore, #tpu.memory_space<semaphore_mem>>, %arg17: memref<!tpu.dma_semaphore, #tpu.memory_space<semaphore_mem>>, %arg18: memref<!tpu.dma_semaphore, #tpu.memory_space<semaphore_mem>>, %arg19: memref<!tpu.dma_semaphore, #tpu.memory_space<semaphore_mem>>, %arg20: memref<!tpu.dma_semaphore, #tpu.memory_space<semaphore_mem>>, %arg21: memref<!tpu.dma_semaphore, #tpu.memory_space<semaphore_mem>>, %arg22: memref<!tpu.dma_semaphore, #tpu.memory_space<semaphore_mem>>, %arg23: memref<!tpu.dma_semaphore, #tpu.memory_space<semaphore_mem>>, %arg24: memref<!tpu.dma_semaphore, #tpu.memory_space<semaphore_mem>>, %arg25: memref<!tpu.dma_semaphore, #tpu.memory_space<semaphore_mem>>, %arg26: memref<!tpu.dma_semaphore, #tpu.memory_space<semaphore_mem>>, %arg27: memref<!tpu.dma_semaphore, #tpu.memory_space<semaphore_mem>>, %arg28: memref<!tpu.dma_semaphore, #tpu.memory_space<semaphore_mem>>, %arg29: memref<!tpu.dma_semaphore, #tpu.memory_space<semaphore_mem>>, %arg30: memref<!tpu.dma_semaphore, #tpu.memory_space<semaphore_mem>>, %arg31: memref<!tpu.dma_semaphore, #tpu.memory_space<semaphore_mem>>, %arg32: memref<!tpu.dma_semaphore, #tpu.memory_space<semaphore_mem>>, %arg33: memref<!tpu.dma_semaphore, #tpu.memory_space<semaphore_mem>>, %arg34: memref<!tpu.dma_semaphore, #tpu.memory_space<semaphore_mem>>, %arg35: memref<!tpu.dma_semaphore, #tpu.memory_space<semaphore_mem>>) attributes {dimension_semantics = [#tpu.dimension_semantics<core_parallel>, #tpu.dimension_semantics<subcore_parallel>], iteration_bounds = array<i64: 2, 16>, scalar_prefetch = 0 : i64, scratch_operands = 30 : i64, tpu.core_type = #tpu.core_type<sc_vector_subcore>, window_params = [{transform_indices = #map}, {transform_indices = #map}, {transform_indices = #map1}, {transform_indices = #map2}]} {
    %mul3A = arith.constant 2 : i32
    %mul3A_0 = arith.muli %arg1, %mul3A : i32
    %add3A = arith.addi %mul3A_0, %arg0 : i32
    %mul3A_1 = arith.constant 156 : i32
    %mul3A_2 = arith.muli %add3A, %mul3A_1 : i32
    %min3A = arith.constant 8 : i32
    %min3A_3 = arith.minsi %add3A, %min3A : i32
    %add3A_4 = arith.addi %mul3A_2, %min3A_3 : i32
    %lt3A = arith.constant 8 : i32
    %lt3A_5 = arith.cmpi slt, %add3A, %lt3A : i32
    %jit3A = arith.constant 1 : i32
    %jit3A_6 = arith.constant 0 : i32
    %select_n3A = arith.select %lt3A_5, %jit3A, %jit3A_6 : i32
    %add3A_7 = arith.constant 156 : i32
    %add3A_8 = arith.addi %add3A_7, %select_n3A : i32
    %scan3A = arith.constant 0 : i32
    %scan3A_9 = arith.constant 0 : i32
    %scan3A_10 = arith.constant 512 : i32
    %scan3A_11 = arith.addi %scan3A_9, %scan3A_10 : i32
    %scan3A_12 = arith.constant 1 : i32
    %scan3A_13 = scf.for %scan3A_116 = %scan3A_9 to %scan3A_11 step %scan3A_12 iter_args(%scan3A_117 = %scan3A) -> (i32)  : i32 {
      %broadcast_in_dim3A = arith.constant 0.000000e+00 : f32
      %broadcast_in_dim3A_118 = vector.broadcast %broadcast_in_dim3A : f32 to vector<16xf32>
      %jit3A_119 = arith.constant 8 : i32
      %div3A = arith.divsi %scan3A_116, %jit3A_119 : i32
      %sign3A = arith.constant 0 : i32
      %sign3A_120 = arith.cmpi sgt, %scan3A_116, %sign3A : i32
      %sign3A_121 = arith.extui %sign3A_120 : i1 to i32
      %sign3A_122 = arith.constant 0 : i32
      %sign3A_123 = arith.cmpi slt, %scan3A_116, %sign3A_122 : i32
      %sign3A_124 = arith.extui %sign3A_123 : i1 to i32
      %sign3A_125 = arith.subi %sign3A_121, %sign3A_124 : i32
      %sign3A_126 = arith.constant 0 : i32
      %sign3A_127 = arith.cmpi sgt, %jit3A_119, %sign3A_126 : i32
      %sign3A_128 = arith.extui %sign3A_127 : i1 to i32
      %sign3A_129 = arith.constant 0 : i32
      %sign3A_130 = arith.cmpi slt, %jit3A_119, %sign3A_129 : i32
      %sign3A_131 = arith.extui %sign3A_130 : i1 to i32
      %sign3A_132 = arith.subi %sign3A_128, %sign3A_131 : i32
      %ne3A = arith.cmpi ne, %sign3A_125, %sign3A_132 : i32
      %rem3A = arith.remsi %scan3A_116, %jit3A_119 : i32
      %ne3A_133 = arith.constant 0 : i32
      %ne3A_134 = arith.cmpi ne, %rem3A, %ne3A_133 : i32
      %and3A = arith.andi %ne3A, %ne3A_134 : i1
      %sub3A = arith.constant 1 : i32
      %sub3A_135 = arith.subi %div3A, %sub3A : i32
      %select_n3A_136 = arith.select %and3A, %sub3A_135, %div3A : i32
      %jit3A_137 = arith.constant 8 : i32
      %eq3A = arith.constant 0 : i32
      %eq3A_138 = arith.cmpi eq, %jit3A_137, %eq3A : i32
      %jit3A_139 = arith.constant 1 : i32
      %select_n3A_140 = arith.select %eq3A_138, %jit3A_139, %jit3A_137 : i32
      %rem3A_141 = arith.remsi %scan3A_116, %select_n3A_140 : i32
      %ne3A_142 = arith.constant 0 : i32
      %ne3A_143 = arith.cmpi ne, %rem3A_141, %ne3A_142 : i32
      %lt3A_144 = arith.constant 0 : i32
      %lt3A_145 = arith.cmpi slt, %rem3A_141, %lt3A_144 : i32
      %lt3A_146 = arith.constant 0 : i32
      %lt3A_147 = arith.cmpi slt, %select_n3A_140, %lt3A_146 : i32
      %ne3A_148 = arith.xori %lt3A_145, %lt3A_147 : i1
      %and3A_149 = arith.andi %ne3A_148, %ne3A_143 : i1
      %add3A_150 = arith.addi %rem3A_141, %select_n3A_140 : i32
      %select_n3A_151 = arith.select %and3A_149, %add3A_150, %rem3A_141 : i32
      %mul3A_152 = arith.constant 16 : i32
      %mul3A_153 = arith.muli %select_n3A_151, %mul3A_152 : i32
      %swap3A = arith.constant 0 : i32
      %swap3A_154 = arith.index_cast %swap3A : i32 to index
      %swap3A_155 = arith.index_cast %select_n3A_136 : i32 to index
      %swap3A_156 = arith.index_cast %mul3A_153 : i32 to index
      %swap3A_157 = tpu.vector_load %arg14[%swap3A_154, %swap3A_155, %swap3A_156] {strides = array<i32>} : memref<4x64x128xf32, #tpu.memory_space<vmem>>, vector<1x1x16xf32>,
      %swap3A_158 = vector.shape_cast %swap3A_157 : vector<1x1x16xf32> to vector<16xf32>
      %swap3A_159 = vector.shape_cast %broadcast_in_dim3A_118 : vector<16xf32> to vector<1x1x16xf32>
      tpu.vector_store %arg14[%swap3A_154, %swap3A_155, %swap3A_156], %swap3A_159 {strides = array<i32>} : memref<4x64x128xf32, #tpu.memory_space<vmem>>, vector<1x1x16xf32>,
      %scan3A_160 = arith.constant 0 : i32
      scf.yield %scan3A_160 : i32
    }
    %scan3A_14 = arith.constant 512 : i32
    %mul3A_15 = arith.constant 640 : i32
    %mul3A_16 = arith.muli %arg1, %mul3A_15 : i32
    %add3A_17 = arith.constant 0 : i32
    %add3A_18 = arith.addi %mul3A_16, %add3A_17 : i32
    %run_scoped3A = arith.constant 0 : i32
    "tpu.region"() ({
      %run_scoped3A_116 = tpu.sem_alloc : memref<!tpu.dma_semaphore, #tpu.memory_space<semaphore_mem>>
      %dma_start3A = arith.constant 0 : i32
      %dma_start3A_117 = arith.constant 0 : i32
      %dma_start3A_118 = tpu.memref_slice %arg14[%run_scoped3A, %dma_start3A, %dma_start3A_117] : memref<4x64x128xf32, #tpu.memory_space<vmem>> -> memref<1x64x128xf32, #tpu.memory_space<vmem>>
      %dma_start3A_119 = tpu.memref_squeeze %dma_start3A_118 : memref<1x64x128xf32, #tpu.memory_space<vmem>> -> memref<64x128xf32, #tpu.memory_space<vmem>>
      %dma_start3A_120 = arith.constant 0 : i32
      %dma_start3A_121 = tpu.memref_slice %arg15[%add3A_18, %dma_start3A_120] : memref<10240x128xf32, #tpu.memory_space<vmem_shared>> -> memref<64x128xf32, #tpu.memory_space<vmem_shared>>
      %dma_start3A_122 = arith.constant 0 : i32
      %dma_start3A_123 = tpu.memref_slice %arg15[%add3A_18, %dma_start3A_122] : memref<10240x128xf32, #tpu.memory_space<vmem_shared>> -> memref<64x128xf32, #tpu.memory_space<vmem_shared>>
      %dma_start3A_124 = arith.constant 0 : i32
      %dma_start3A_125 = arith.constant 0 : i32
      %dma_start3A_126 = tpu.memref_slice %arg14[%run_scoped3A, %dma_start3A_124, %dma_start3A_125] : memref<4x64x128xf32, #tpu.memory_space<vmem>> -> memref<1x64x128xf32, #tpu.memory_space<vmem>>
      %dma_start3A_127 = tpu.memref_squeeze %dma_start3A_126 : memref<1x64x128xf32, #tpu.memory_space<vmem>> -> memref<64x128xf32, #tpu.memory_space<vmem>>
      tpu.enqueue_dma source(%dma_start3A_127 : memref<64x128xf32, #tpu.memory_space<vmem>>) target(%dma_start3A_123 : memref<64x128xf32, #tpu.memory_space<vmem_shared>>) target_semaphore(%run_scoped3A_116 : memref<!tpu.dma_semaphore, #tpu.memory_space<semaphore_mem>>)
      %dma_wait3A_128 = arith.constant 0 : i32
      %dma_wait3A_129 = arith.constant 0 : i32
      %dma_wait3A_130 = tpu.memref_slice %arg14[%run_scoped3A, %dma_wait3A_128, %dma_wait3A_129] : memref<4x64x128xf32, #tpu.memory_space<vmem>> -> memref<1x64x128xf32, #tpu.memory_space<vmem>>
      %dma_wait3A_131 = tpu.memref_squeeze %dma_wait3A_130 : memref<1x64x128xf32, #tpu.memory_space<vmem>> -> memref<64x128xf32, #tpu.memory_space<vmem>>
      %dma_wait3A_132 = arith.constant 0 : i32
      %dma_wait3A_133 = tpu.memref_slice %arg15[%add3A_18, %dma_wait3A_132] : memref<10240x128xf32, #tpu.memory_space<vmem_shared>> -> memref<64x128xf32, #tpu.memory_space<vmem_shared>>
      %dma_wait3A_134 = arith.constant 0 : i32
      %dma_wait3A_135 = tpu.memref_slice %arg15[%add3A_18, %dma_wait3A_134] : memref<10240x128xf32, #tpu.memory_space<vmem_shared>> -> memref<64x128xf32, #tpu.memory_space<vmem_shared>>
      %dma_wait3A_136 = arith.constant 0 : i32
      %dma_wait3A_137 = arith.constant 0 : i32
      %dma_wait3A_138 = tpu.memref_slice %arg14[%run_scoped3A, %dma_wait3A_136, %dma_wait3A_137] : memref<4x64x128xf32, #tpu.memory_space<vmem>> -> memref<1x64x128xf32, #tpu.memory_space<vmem>>
      %dma_wait3A_139 = tpu.memref_squeeze %dma_wait3A_138 : memref<1x64x128xf32, #tpu.memory_space<vmem>> -> memref<64x128xf32, #tpu.memory_space<vmem>>
      tpu.wait_dma2 semaphore(%run_scoped3A_116 : memref<!tpu.dma_semaphore, #tpu.memory_space<semaphore_mem>>) src(%dma_wait3A_139 : memref<64x128xf32, #tpu.memory_space<vmem>>) dst(%dma_wait3A_135 : memref<64x128xf32, #tpu.memory_space<vmem_shared>>)
      tpu.yield
    }) : () -> ()
    %mul3A_19 = arith.constant 640 : i32
    %mul3A_20 = arith.muli %arg1, %mul3A_19 : i32
    %add3A_21 = arith.constant 64 : i32
    %add3A_22 = arith.addi %mul3A_20, %add3A_21 : i32
    %run_scoped3A_23 = arith.constant 0 : i32
    "tpu.region"() ({
      %run_scoped3A_116 = tpu.sem_alloc : memref<!tpu.dma_semaphore, #tpu.memory_space<semaphore_mem>>
      %dma_start3A = arith.constant 0 : i32
      %dma_start3A_117 = arith.constant 0 : i32
      %dma_start3A_118 = tpu.memref_slice %arg14[%run_scoped3A_23, %dma_start3A, %dma_start3A_117] : memref<4x64x128xf32, #tpu.memory_space<vmem>> -> memref<1x64x128xf32, #tpu.memory_space<vmem>>
      %dma_start3A_119 = tpu.memref_squeeze %dma_start3A_118 : memref<1x64x128xf32, #tpu.memory_space<vmem>> -> memref<64x128xf32, #tpu.memory_space<vmem>>
      %dma_start3A_120 = arith.constant 0 : i32
      %dma_start3A_121 = tpu.memref_slice %arg15[%add3A_22, %dma_start3A_120] : memref<10240x128xf32, #tpu.memory_space<vmem_shared>> -> memref<64x128xf32, #tpu.memory_space<vmem_shared>>
      %dma_start3A_122 = arith.constant 0 : i32
      %dma_start3A_123 = tpu.memref_slice %arg15[%add3A_22, %dma_start3A_122] : memref<10240x128xf32, #tpu.memory_space<vmem_shared>> -> memref<64x128xf32, #tpu.memory_space<vmem_shared>>
      %dma_start3A_124 = arith.constant 0 : i32
      %dma_start3A_125 = arith.constant 0 : i32
      %dma_start3A_126 = tpu.memref_slice %arg14[%run_scoped3A_23, %dma_start3A_124, %dma_start3A_125] : memref<4x64x128xf32, #tpu.memory_space<vmem>> -> memref<1x64x128xf32, #tpu.memory_space<vmem>>
      %dma_start3A_127 = tpu.memref_squeeze %dma_start3A_126 : memref<1x64x128xf32, #tpu.memory_space<vmem>> -> memref<64x128xf32, #tpu.memory_space<vmem>>
      tpu.enqueue_dma source(%dma_start3A_127 : memref<64x128xf32, #tpu.memory_space<vmem>>) target(%dma_start3A_123 : memref<64x128xf32, #tpu.memory_space<vmem_shared>>) target_semaphore(%run_scoped3A_116 : memref<!tpu.dma_semaphore, #tpu.memory_space<semaphore_mem>>)
      %dma_wait3A_128 = arith.constant 0 : i32
      %dma_wait3A_129 = arith.constant 0 : i32
      %dma_wait3A_130 = tpu.memref_slice %arg14[%run_scoped3A_23, %dma_wait3A_128, %dma_wait3A_129] : memref<4x64x128xf32, #tpu.memory_space<vmem>> -> memref<1x64x128xf32, #tpu.memory_space<vmem>>
      %dma_wait3A_131 = tpu.memref_squeeze %dma_wait3A_130 : memref<1x64x128xf32, #tpu.memory_space<vmem>> -> memref<64x128xf32, #tpu.memory_space<vmem>>
      %dma_wait3A_132 = arith.constant 0 : i32
      %dma_wait3A_133 = tpu.memref_slice %arg15[%add3A_22, %dma_wait3A_132] : memref<10240x128xf32, #tpu.memory_space<vmem_shared>> -> memref<64x128xf32, #tpu.memory_space<vmem_shared>>
      %dma_wait3A_134 = arith.constant 0 : i32
      %dma_wait3A_135 = tpu.memref_slice %arg15[%add3A_22, %dma_wait3A_134] : memref<10240x128xf32, #tpu.memory_space<vmem_shared>> -> memref<64x128xf32, #tpu.memory_space<vmem_shared>>
      %dma_wait3A_136 = arith.constant 0 : i32
      %dma_wait3A_137 = arith.constant 0 : i32
      %dma_wait3A_138 = tpu.memref_slice %arg14[%run_scoped3A_23, %dma_wait3A_136, %dma_wait3A_137] : memref<4x64x128xf32, #tpu.memory_space<vmem>> -> memref<1x64x128xf32, #tpu.memory_space<vmem>>
      %dma_wait3A_139 = tpu.memref_squeeze %dma_wait3A_138 : memref<1x64x128xf32, #tpu.memory_space<vmem>> -> memref<64x128xf32, #tpu.memory_space<vmem>>
      tpu.wait_dma2 semaphore(%run_scoped3A_116 : memref<!tpu.dma_semaphore, #tpu.memory_space<semaphore_mem>>) src(%dma_wait3A_139 : memref<64x128xf32, #tpu.memory_space<vmem>>) dst(%dma_wait3A_135 : memref<64x128xf32, #tpu.memory_space<vmem_shared>>)
      tpu.yield
    }) : () -> ()
    %mul3A_24 = arith.constant 640 : i32
    %mul3A_25 = arith.muli %arg1, %mul3A_24 : i32
    %add3A_26 = arith.constant 128 : i32
    %add3A_27 = arith.addi %mul3A_25, %add3A_26 : i32
    %run_scoped3A_28 = arith.constant 0 : i32
    "tpu.region"() ({
      %run_scoped3A_116 = tpu.sem_alloc : memref<!tpu.dma_semaphore, #tpu.memory_space<semaphore_mem>>
      %dma_start3A = arith.constant 0 : i32
      %dma_start3A_117 = arith.constant 0 : i32
      %dma_start3A_118 = tpu.memref_slice %arg14[%run_scoped3A_28, %dma_start3A, %dma_start3A_117] : memref<4x64x128xf32, #tpu.memory_space<vmem>> -> memref<1x64x128xf32, #tpu.memory_space<vmem>>
      %dma_start3A_119 = tpu.memref_squeeze %dma_start3A_118 : memref<1x64x128xf32, #tpu.memory_space<vmem>> -> memref<64x128xf32, #tpu.memory_space<vmem>>
      %dma_start3A_120 = arith.constant 0 : i32
      %dma_start3A_121 = tpu.memref_slice %arg15[%add3A_27, %dma_start3A_120] : memref<10240x128xf32, #tpu.memory_space<vmem_shared>> -> memref<64x128xf32, #tpu.memory_space<vmem_shared>>
      %dma_start3A_122 = arith.constant 0 : i32
      %dma_start3A_123 = tpu.memref_slice %arg15[%add3A_27, %dma_start3A_122] : memref<10240x128xf32, #tpu.memory_space<vmem_shared>> -> memref<64x128xf32, #tpu.memory_space<vmem_shared>>
      %dma_start3A_124 = arith.constant 0 : i32
      %dma_start3A_125 = arith.constant 0 : i32
      %dma_start3A_126 = tpu.memref_slice %arg14[%run_scoped3A_28, %dma_start3A_124, %dma_start3A_125] : memref<4x64x128xf32, #tpu.memory_space<vmem>> -> memref<1x64x128xf32, #tpu.memory_space<vmem>>
      %dma_start3A_127 = tpu.memref_squeeze %dma_start3A_126 : memref<1x64x128xf32, #tpu.memory_space<vmem>> -> memref<64x128xf32, #tpu.memory_space<vmem>>
      tpu.enqueue_dma source(%dma_start3A_127 : memref<64x128xf32, #tpu.memory_space<vmem>>) target(%dma_start3A_123 : memref<64x128xf32, #tpu.memory_space<vmem_shared>>) target_semaphore(%run_scoped3A_116 : memref<!tpu.dma_semaphore, #tpu.memory_space<semaphore_mem>>)
      %dma_wait3A_128 = arith.constant 0 : i32
      %dma_wait3A_129 = arith.constant 0 : i32
      %dma_wait3A_130 = tpu.memref_slice %arg14[%run_scoped3A_28, %dma_wait3A_128, %dma_wait3A_129] : memref<4x64x128xf32, #tpu.memory_space<vmem>> -> memref<1x64x128xf32, #tpu.memory_space<vmem>>
      %dma_wait3A_131 = tpu.memref_squeeze %dma_wait3A_130 : memref<1x64x128xf32, #tpu.memory_space<vmem>> -> memref<64x128xf32, #tpu.memory_space<vmem>>
      %dma_wait3A_132 = arith.constant 0 : i32
      %dma_wait3A_133 = tpu.memref_slice %arg15[%add3A_27, %dma_wait3A_132] : memref<10240x128xf32, #tpu.memory_space<vmem_shared>> -> memref<64x128xf32, #tpu.memory_space<vmem_shared>>
      %dma_wait3A_134 = arith.constant 0 : i32
      %dma_wait3A_135 = tpu.memref_slice %arg15[%add3A_27, %dma_wait3A_134] : memref<10240x128xf32, #tpu.memory_space<vmem_shared>> -> memref<64x128xf32, #tpu.memory_space<vmem_shared>>
      %dma_wait3A_136 = arith.constant 0 : i32
      %dma_wait3A_137 = arith.constant 0 : i32
      %dma_wait3A_138 = tpu.memref_slice %arg14[%run_scoped3A_28, %dma_wait3A_136, %dma_wait3A_137] : memref<4x64x128xf32, #tpu.memory_space<vmem>> -> memref<1x64x128xf32, #tpu.memory_space<vmem>>
      %dma_wait3A_139 = tpu.memref_squeeze %dma_wait3A_138 : memref<1x64x128xf32, #tpu.memory_space<vmem>> -> memref<64x128xf32, #tpu.memory_space<vmem>>
      tpu.wait_dma2 semaphore(%run_scoped3A_116 : memref<!tpu.dma_semaphore, #tpu.memory_space<semaphore_mem>>) src(%dma_wait3A_139 : memref<64x128xf32, #tpu.memory_space<vmem>>) dst(%dma_wait3A_135 : memref<64x128xf32, #tpu.memory_space<vmem_shared>>)
      tpu.yield
    }) : () -> ()
    %mul3A_29 = arith.constant 640 : i32
    %mul3A_30 = arith.muli %arg1, %mul3A_29 : i32
    %add3A_31 = arith.constant 192 : i32
    %add3A_32 = arith.addi %mul3A_30, %add3A_31 : i32
    %run_scoped3A_33 = arith.constant 0 : i32
    "tpu.region"() ({
      %run_scoped3A_116 = tpu.sem_alloc : memref<!tpu.dma_semaphore, #tpu.memory_space<semaphore_mem>>
      %dma_start3A = arith.constant 0 : i32
      %dma_start3A_117 = arith.constant 0 : i32
      %dma_start3A_118 = tpu.memref_slice %arg14[%run_scoped3A_33, %dma_start3A, %dma_start3A_117] : memref<4x64x128xf32, #tpu.memory_space<vmem>> -> memref<1x64x128xf32, #tpu.memory_space<vmem>>
      %dma_start3A_119 = tpu.memref_squeeze %dma_start3A_118 : memref<1x64x128xf32, #tpu.memory_space<vmem>> -> memref<64x128xf32, #tpu.memory_space<vmem>>
      %dma_start3A_120 = arith.constant 0 : i32
      %dma_start3A_121 = tpu.memref_slice %arg15[%add3A_32, %dma_start3A_120] : memref<10240x128xf32, #tpu.memory_space<vmem_shared>> -> memref<64x128xf32, #tpu.memory_space<vmem_shared>>
      %dma_start3A_122 = arith.constant 0 : i32
      %dma_start3A_123 = tpu.memref_slice %arg15[%add3A_32, %dma_start3A_122] : memref<10240x128xf32, #tpu.memory_space<vmem_shared>> -> memref<64x128xf32, #tpu.memory_space<vmem_shared>>
      %dma_start3A_124 = arith.constant 0 : i32
      %dma_start3A_125 = arith.constant 0 : i32
      %dma_start3A_126 = tpu.memref_slice %arg14[%run_scoped3A_33, %dma_start3A_124, %dma_start3A_125] : memref<4x64x128xf32, #tpu.memory_space<vmem>> -> memref<1x64x128xf32, #tpu.memory_space<vmem>>
      %dma_start3A_127 = tpu.memref_squeeze %dma_start3A_126 : memref<1x64x128xf32, #tpu.memory_space<vmem>> -> memref<64x128xf32, #tpu.memory_space<vmem>>
      tpu.enqueue_dma source(%dma_start3A_127 : memref<64x128xf32, #tpu.memory_space<vmem>>) target(%dma_start3A_123 : memref<64x128xf32, #tpu.memory_space<vmem_shared>>) target_semaphore(%run_scoped3A_116 : memref<!tpu.dma_semaphore, #tpu.memory_space<semaphore_mem>>)
      %dma_wait3A_128 = arith.constant 0 : i32
      %dma_wait3A_129 = arith.constant 0 : i32
      %dma_wait3A_130 = tpu.memref_slice %arg14[%run_scoped3A_33, %dma_wait3A_128, %dma_wait3A_129] : memref<4x64x128xf32, #tpu.memory_space<vmem>> -> memref<1x64x128xf32, #tpu.memory_space<vmem>>
      %dma_wait3A_131 = tpu.memref_squeeze %dma_wait3A_130 : memref<1x64x128xf32, #tpu.memory_space<vmem>> -> memref<64x128xf32, #tpu.memory_space<vmem>>
      %dma_wait3A_132 = arith.constant 0 : i32
      %dma_wait3A_133 = tpu.memref_slice %arg15[%add3A_32, %dma_wait3A_132] : memref<10240x128xf32, #tpu.memory_space<vmem_shared>> -> memref<64x128xf32, #tpu.memory_space<vmem_shared>>
      %dma_wait3A_134 = arith.constant 0 : i32
      %dma_wait3A_135 = tpu.memref_slice %arg15[%add3A_32, %dma_wait3A_134] : memref<10240x128xf32, #tpu.memory_space<vmem_shared>> -> memref<64x128xf32, #tpu.memory_space<vmem_shared>>
      %dma_wait3A_136 = arith.constant 0 : i32
      %dma_wait3A_137 = arith.constant 0 : i32
      %dma_wait3A_138 = tpu.memref_slice %arg14[%run_scoped3A_33, %dma_wait3A_136, %dma_wait3A_137] : memref<4x64x128xf32, #tpu.memory_space<vmem>> -> memref<1x64x128xf32, #tpu.memory_space<vmem>>
      %dma_wait3A_139 = tpu.memref_squeeze %dma_wait3A_138 : memref<1x64x128xf32, #tpu.memory_space<vmem>> -> memref<64x128xf32, #tpu.memory_space<vmem>>
      tpu.wait_dma2 semaphore(%run_scoped3A_116 : memref<!tpu.dma_semaphore, #tpu.memory_space<semaphore_mem>>) src(%dma_wait3A_139 : memref<64x128xf32, #tpu.memory_space<vmem>>) dst(%dma_wait3A_135 : memref<64x128xf32, #tpu.memory_space<vmem_shared>>)
      tpu.yield
    }) : () -> ()
    %mul3A_34 = arith.constant 640 : i32
    %mul3A_35 = arith.muli %arg1, %mul3A_34 : i32
    %add3A_36 = arith.constant 256 : i32
    %add3A_37 = arith.addi %mul3A_35, %add3A_36 : i32
    %run_scoped3A_38 = arith.constant 0 : i32
    "tpu.region"() ({
      %run_scoped3A_116 = tpu.sem_alloc : memref<!tpu.dma_semaphore, #tpu.memory_space<semaphore_mem>>
      %dma_start3A = arith.constant 0 : i32
      %dma_start3A_117 = arith.constant 0 : i32
      %dma_start3A_118 = tpu.memref_slice %arg14[%run_scoped3A_38, %dma_start3A, %dma_start3A_117] : memref<4x64x128xf32, #tpu.memory_space<vmem>> -> memref<1x64x128xf32, #tpu.memory_space<vmem>>
      %dma_start3A_119 = tpu.memref_squeeze %dma_start3A_118 : memref<1x64x128xf32, #tpu.memory_space<vmem>> -> memref<64x128xf32, #tpu.memory_space<vmem>>
      %dma_start3A_120 = arith.constant 0 : i32
      %dma_start3A_121 = tpu.memref_slice %arg15[%add3A_37, %dma_start3A_120] : memref<10240x128xf32, #tpu.memory_space<vmem_shared>> -> memref<64x128xf32, #tpu.memory_space<vmem_shared>>
      %dma_start3A_122 = arith.constant 0 : i32
      %dma_start3A_123 = tpu.memref_slice %arg15[%add3A_37, %dma_start3A_122] : memref<10240x128xf32, #tpu.memory_space<vmem_shared>> -> memref<64x128xf32, #tpu.memory_space<vmem_shared>>
      %dma_start3A_124 = arith.constant 0 : i32
      %dma_start3A_125 = arith.constant 0 : i32
      %dma_start3A_126 = tpu.memref_slice %arg14[%run_scoped3A_38, %dma_start3A_124, %dma_start3A_125] : memref<4x64x128xf32, #tpu.memory_space<vmem>> -> memref<1x64x128xf32, #tpu.memory_space<vmem>>
      %dma_start3A_127 = tpu.memref_squeeze %dma_start3A_126 : memref<1x64x128xf32, #tpu.memory_space<vmem>> -> memref<64x128xf32, #tpu.memory_space<vmem>>
      tpu.enqueue_dma source(%dma_start3A_127 : memref<64x128xf32, #tpu.memory_space<vmem>>) target(%dma_start3A_123 : memref<64x128xf32, #tpu.memory_space<vmem_shared>>) target_semaphore(%run_scoped3A_116 : memref<!tpu.dma_semaphore, #tpu.memory_space<semaphore_mem>>)
      %dma_wait3A_128 = arith.constant 0 : i32
      %dma_wait3A_129 = arith.constant 0 : i32
      %dma_wait3A_130 = tpu.memref_slice %arg14[%run_scoped3A_38, %dma_wait3A_128, %dma_wait3A_129] : memref<4x64x128xf32, #tpu.memory_space<vmem>> -> memref<1x64x128xf32, #tpu.memory_space<vmem>>
      %dma_wait3A_131 = tpu.memref_squeeze %dma_wait3A_130 : memref<1x64x128xf32, #tpu.memory_space<vmem>> -> memref<64x128xf32, #tpu.memory_space<vmem>>
      %dma_wait3A_132 = arith.constant 0 : i32
      %dma_wait3A_133 = tpu.memref_slice %arg15[%add3A_37, %dma_wait3A_132] : memref<10240x128xf32, #tpu.memory_space<vmem_shared>> -> memref<64x128xf32, #tpu.memory_space<vmem_shared>>
      %dma_wait3A_134 = arith.constant 0 : i32
      %dma_wait3A_135 = tpu.memref_slice %arg15[%add3A_37, %dma_wait3A_134] : memref<10240x128xf32, #tpu.memory_space<vmem_shared>> -> memref<64x128xf32, #tpu.memory_space<vmem_shared>>
      %dma_wait3A_136 = arith.constant 0 : i32
      %dma_wait3A_137 = arith.constant 0 : i32
      %dma_wait3A_138 = tpu.memref_slice %arg14[%run_scoped3A_38, %dma_wait3A_136, %dma_wait3A_137] : memref<4x64x128xf32, #tpu.memory_space<vmem>> -> memref<1x64x128xf32, #tpu.memory_space<vmem>>
      %dma_wait3A_139 = tpu.memref_squeeze %dma_wait3A_138 : memref<1x64x128xf32, #tpu.memory_space<vmem>> -> memref<64x128xf32, #tpu.memory_space<vmem>>
      tpu.wait_dma2 semaphore(%run_scoped3A_116 : memref<!tpu.dma_semaphore, #tpu.memory_space<semaphore_mem>>) src(%dma_wait3A_139 : memref<64x128xf32, #tpu.memory_space<vmem>>) dst(%dma_wait3A_135 : memref<64x128xf32, #tpu.memory_space<vmem_shared>>)
      tpu.yield
    }) : () -> ()
    %mul3A_39 = arith.constant 640 : i32
    %mul3A_40 = arith.muli %arg1, %mul3A_39 : i32
    %add3A_41 = arith.constant 320 : i32
    %add3A_42 = arith.addi %mul3A_40, %add3A_41 : i32
    %run_scoped3A_43 = arith.constant 0 : i32
    "tpu.region"() ({
      %run_scoped3A_116 = tpu.sem_alloc : memref<!tpu.dma_semaphore, #tpu.memory_space<semaphore_mem>>
      %dma_start3A = arith.constant 0 : i32
      %dma_start3A_117 = arith.constant 0 : i32
      %dma_start3A_118 = tpu.memref_slice %arg14[%run_scoped3A_43, %dma_start3A, %dma_start3A_117] : memref<4x64x128xf32, #tpu.memory_space<vmem>> -> memref<1x64x128xf32, #tpu.memory_space<vmem>>
      %dma_start3A_119 = tpu.memref_squeeze %dma_start3A_118 : memref<1x64x128xf32, #tpu.memory_space<vmem>> -> memref<64x128xf32, #tpu.memory_space<vmem>>
      %dma_start3A_120 = arith.constant 0 : i32
      %dma_start3A_121 = tpu.memref_slice %arg15[%add3A_42, %dma_start3A_120] : memref<10240x128xf32, #tpu.memory_space<vmem_shared>> -> memref<64x128xf32, #tpu.memory_space<vmem_shared>>
      %dma_start3A_122 = arith.constant 0 : i32
      %dma_start3A_123 = tpu.memref_slice %arg15[%add3A_42, %dma_start3A_122] : memref<10240x128xf32, #tpu.memory_space<vmem_shared>> -> memref<64x128xf32, #tpu.memory_space<vmem_shared>>
      %dma_start3A_124 = arith.constant 0 : i32
      %dma_start3A_125 = arith.constant 0 : i32
      %dma_start3A_126 = tpu.memref_slice %arg14[%run_scoped3A_43, %dma_start3A_124, %dma_start3A_125] : memref<4x64x128xf32, #tpu.memory_space<vmem>> -> memref<1x64x128xf32, #tpu.memory_space<vmem>>
      %dma_start3A_127 = tpu.memref_squeeze %dma_start3A_126 : memref<1x64x128xf32, #tpu.memory_space<vmem>> -> memref<64x128xf32, #tpu.memory_space<vmem>>
      tpu.enqueue_dma source(%dma_start3A_127 : memref<64x128xf32, #tpu.memory_space<vmem>>) target(%dma_start3A_123 : memref<64x128xf32, #tpu.memory_space<vmem_shared>>) target_semaphore(%run_scoped3A_116 : memref<!tpu.dma_semaphore, #tpu.memory_space<semaphore_mem>>)
      %dma_wait3A_128 = arith.constant 0 : i32
      %dma_wait3A_129 = arith.constant 0 : i32
      %dma_wait3A_130 = tpu.memref_slice %arg14[%run_scoped3A_43, %dma_wait3A_128, %dma_wait3A_129] : memref<4x64x128xf32, #tpu.memory_space<vmem>> -> memref<1x64x128xf32, #tpu.memory_space<vmem>>
      %dma_wait3A_131 = tpu.memref_squeeze %dma_wait3A_130 : memref<1x64x128xf32, #tpu.memory_space<vmem>> -> memref<64x128xf32, #tpu.memory_space<vmem>>
      %dma_wait3A_132 = arith.constant 0 : i32
      %dma_wait3A_133 = tpu.memref_slice %arg15[%add3A_42, %dma_wait3A_132] : memref<10240x128xf32, #tpu.memory_space<vmem_shared>> -> memref<64x128xf32, #tpu.memory_space<vmem_shared>>
      %dma_wait3A_134 = arith.constant 0 : i32
      %dma_wait3A_135 = tpu.memref_slice %arg15[%add3A_42, %dma_wait3A_134] : memref<10240x128xf32, #tpu.memory_space<vmem_shared>> -> memref<64x128xf32, #tpu.memory_space<vmem_shared>>
      %dma_wait3A_136 = arith.constant 0 : i32
      %dma_wait3A_137 = arith.constant 0 : i32
      %dma_wait3A_138 = tpu.memref_slice %arg14[%run_scoped3A_43, %dma_wait3A_136, %dma_wait3A_137] : memref<4x64x128xf32, #tpu.memory_space<vmem>> -> memref<1x64x128xf32, #tpu.memory_space<vmem>>
      %dma_wait3A_139 = tpu.memref_squeeze %dma_wait3A_138 : memref<1x64x128xf32, #tpu.memory_space<vmem>> -> memref<64x128xf32, #tpu.memory_space<vmem>>
      tpu.wait_dma2 semaphore(%run_scoped3A_116 : memref<!tpu.dma_semaphore, #tpu.memory_space<semaphore_mem>>) src(%dma_wait3A_139 : memref<64x128xf32, #tpu.memory_space<vmem>>) dst(%dma_wait3A_135 : memref<64x128xf32, #tpu.memory_space<vmem_shared>>)
      tpu.yield
    }) : () -> ()
    %mul3A_44 = arith.constant 640 : i32
    %mul3A_45 = arith.muli %arg1, %mul3A_44 : i32
    %add3A_46 = arith.constant 384 : i32
    %add3A_47 = arith.addi %mul3A_45, %add3A_46 : i32
    %run_scoped3A_48 = arith.constant 0 : i32
    "tpu.region"() ({
      %run_scoped3A_116 = tpu.sem_alloc : memref<!tpu.dma_semaphore, #tpu.memory_space<semaphore_mem>>
      %dma_start3A = arith.constant 0 : i32
      %dma_start3A_117 = arith.constant 0 : i32
      %dma_start3A_118 = tpu.memref_slice %arg14[%run_scoped3A_48, %dma_start3A, %dma_start3A_117] : memref<4x64x128xf32, #tpu.memory_space<vmem>> -> memref<1x64x128xf32, #tpu.memory_space<vmem>>
      %dma_start3A_119 = tpu.memref_squeeze %dma_start3A_118 : memref<1x64x128xf32, #tpu.memory_space<vmem>> -> memref<64x128xf32, #tpu.memory_space<vmem>>
      %dma_start3A_120 = arith.constant 0 : i32
      %dma_start3A_121 = tpu.memref_slice %arg15[%add3A_47, %dma_start3A_120] : memref<10240x128xf32, #tpu.memory_space<vmem_shared>> -> memref<64x128xf32, #tpu.memory_space<vmem_shared>>
      %dma_start3A_122 = arith.constant 0 : i32
      %dma_start3A_123 = tpu.memref_slice %arg15[%add3A_47, %dma_start3A_122] : memref<10240x128xf32, #tpu.memory_space<vmem_shared>> -> memref<64x128xf32, #tpu.memory_space<vmem_shared>>
      %dma_start3A_124 = arith.constant 0 : i32
      %dma_start3A_125 = arith.constant 0 : i32
      %dma_start3A_126 = tpu.memref_slice %arg14[%run_scoped3A_48, %dma_start3A_124, %dma_start3A_125] : memref<4x64x128xf32, #tpu.memory_space<vmem>> -> memref<1x64x128xf32, #tpu.memory_space<vmem>>
      %dma_start3A_127 = tpu.memref_squeeze %dma_start3A_126 : memref<1x64x128xf32, #tpu.memory_space<vmem>> -> memref<64x128xf32, #tpu.memory_space<vmem>>
      tpu.enqueue_dma source(%dma_start3A_127 : memref<64x128xf32, #tpu.memory_space<vmem>>) target(%dma_start3A_123 : memref<64x128xf32, #tpu.memory_space<vmem_shared>>) target_semaphore(%run_scoped3A_116 : memref<!tpu.dma_semaphore, #tpu.memory_space<semaphore_mem>>)
      %dma_wait3A_128 = arith.constant 0 : i32
      %dma_wait3A_129 = arith.constant 0 : i32
      %dma_wait3A_130 = tpu.memref_slice %arg14[%run_scoped3A_48, %dma_wait3A_128, %dma_wait3A_129] : memref<4x64x128xf32, #tpu.memory_space<vmem>> -> memref<1x64x128xf32, #tpu.memory_space<vmem>>
      %dma_wait3A_131 = tpu.memref_squeeze %dma_wait3A_130 : memref<1x64x128xf32, #tpu.memory_space<vmem>> -> memref<64x128xf32, #tpu.memory_space<vmem>>
      %dma_wait3A_132 = arith.constant 0 : i32
      %dma_wait3A_133 = tpu.memref_slice %arg15[%add3A_47, %dma_wait3A_132] : memref<10240x128xf32, #tpu.memory_space<vmem_shared>> -> memref<64x128xf32, #tpu.memory_space<vmem_shared>>
      %dma_wait3A_134 = arith.constant 0 : i32
      %dma_wait3A_135 = tpu.memref_slice %arg15[%add3A_47, %dma_wait3A_134] : memref<10240x128xf32, #tpu.memory_space<vmem_shared>> -> memref<64x128xf32, #tpu.memory_space<vmem_shared>>
      %dma_wait3A_136 = arith.constant 0 : i32
      %dma_wait3A_137 = arith.constant 0 : i32
      %dma_wait3A_138 = tpu.memref_slice %arg14[%run_scoped3A_48, %dma_wait3A_136, %dma_wait3A_137] : memref<4x64x128xf32, #tpu.memory_space<vmem>> -> memref<1x64x128xf32, #tpu.memory_space<vmem>>
      %dma_wait3A_139 = tpu.memref_squeeze %dma_wait3A_138 : memref<1x64x128xf32, #tpu.memory_space<vmem>> -> memref<64x128xf32, #tpu.memory_space<vmem>>
      tpu.wait_dma2 semaphore(%run_scoped3A_116 : memref<!tpu.dma_semaphore, #tpu.memory_space<semaphore_mem>>) src(%dma_wait3A_139 : memref<64x128xf32, #tpu.memory_space<vmem>>) dst(%dma_wait3A_135 : memref<64x128xf32, #tpu.memory_space<vmem_shared>>)
      tpu.yield
    }) : () -> ()
    %mul3A_49 = arith.constant 640 : i32
    %mul3A_50 = arith.muli %arg1, %mul3A_49 : i32
    %add3A_51 = arith.constant 448 : i32
    %add3A_52 = arith.addi %mul3A_50, %add3A_51 : i32
    %run_scoped3A_53 = arith.constant 0 : i32
    "tpu.region"() ({
      %run_scoped3A_116 = tpu.sem_alloc : memref<!tpu.dma_semaphore, #tpu.memory_space<semaphore_mem>>
      %dma_start3A = arith.constant 0 : i32
      %dma_start3A_117 = arith.constant 0 : i32
      %dma_start3A_118 = tpu.memref_slice %arg14[%run_scoped3A_53, %dma_start3A, %dma_start3A_117] : memref<4x64x128xf32, #tpu.memory_space<vmem>> -> memref<1x64x128xf32, #tpu.memory_space<vmem>>
      %dma_start3A_119 = tpu.memref_squeeze %dma_start3A_118 : memref<1x64x128xf32, #tpu.memory_space<vmem>> -> memref<64x128xf32, #tpu.memory_space<vmem>>
      %dma_start3A_120 = arith.constant 0 : i32
      %dma_start3A_121 = tpu.memref_slice %arg15[%add3A_52, %dma_start3A_120] : memref<10240x128xf32, #tpu.memory_space<vmem_shared>> -> memref<64x128xf32, #tpu.memory_space<vmem_shared>>
      %dma_start3A_122 = arith.constant 0 : i32
      %dma_start3A_123 = tpu.memref_slice %arg15[%add3A_52, %dma_start3A_122] : memref<10240x128xf32, #tpu.memory_space<vmem_shared>> -> memref<64x128xf32, #tpu.memory_space<vmem_shared>>
      %dma_start3A_124 = arith.constant 0 : i32
      %dma_start3A_125 = arith.constant 0 : i32
      %dma_start3A_126 = tpu.memref_slice %arg14[%run_scoped3A_53, %dma_start3A_124, %dma_start3A_125] : memref<4x64x128xf32, #tpu.memory_space<vmem>> -> memref<1x64x128xf32, #tpu.memory_space<vmem>>
      %dma_start3A_127 = tpu.memref_squeeze %dma_start3A_126 : memref<1x64x128xf32, #tpu.memory_space<vmem>> -> memref<64x128xf32, #tpu.memory_space<vmem>>
      tpu.enqueue_dma source(%dma_start3A_127 : memref<64x128xf32, #tpu.memory_space<vmem>>) target(%dma_start3A_123 : memref<64x128xf32, #tpu.memory_space<vmem_shared>>) target_semaphore(%run_scoped3A_116 : memref<!tpu.dma_semaphore, #tpu.memory_space<semaphore_mem>>)
      %dma_wait3A_128 = arith.constant 0 : i32
      %dma_wait3A_129 = arith.constant 0 : i32
      %dma_wait3A_130 = tpu.memref_slice %arg14[%run_scoped3A_53, %dma_wait3A_128, %dma_wait3A_129] : memref<4x64x128xf32, #tpu.memory_space<vmem>> -> memref<1x64x128xf32, #tpu.memory_space<vmem>>
      %dma_wait3A_131 = tpu.memref_squeeze %dma_wait3A_130 : memref<1x64x128xf32, #tpu.memory_space<vmem>> -> memref<64x128xf32, #tpu.memory_space<vmem>>
      %dma_wait3A_132 = arith.constant 0 : i32
      %dma_wait3A_133 = tpu.memref_slice %arg15[%add3A_52, %dma_wait3A_132] : memref<10240x128xf32, #tpu.memory_space<vmem_shared>> -> memref<64x128xf32, #tpu.memory_space<vmem_shared>>
      %dma_wait3A_134 = arith.constant 0 : i32
      %dma_wait3A_135 = tpu.memref_slice %arg15[%add3A_52, %dma_wait3A_134] : memref<10240x128xf32, #tpu.memory_space<vmem_shared>> -> memref<64x128xf32, #tpu.memory_space<vmem_shared>>
      %dma_wait3A_136 = arith.constant 0 : i32
      %dma_wait3A_137 = arith.constant 0 : i32
      %dma_wait3A_138 = tpu.memref_slice %arg14[%run_scoped3A_53, %dma_wait3A_136, %dma_wait3A_137] : memref<4x64x128xf32, #tpu.memory_space<vmem>> -> memref<1x64x128xf32, #tpu.memory_space<vmem>>
      %dma_wait3A_139 = tpu.memref_squeeze %dma_wait3A_138 : memref<1x64x128xf32, #tpu.memory_space<vmem>> -> memref<64x128xf32, #tpu.memory_space<vmem>>
      tpu.wait_dma2 semaphore(%run_scoped3A_116 : memref<!tpu.dma_semaphore, #tpu.memory_space<semaphore_mem>>) src(%dma_wait3A_139 : memref<64x128xf32, #tpu.memory_space<vmem>>) dst(%dma_wait3A_135 : memref<64x128xf32, #tpu.memory_space<vmem_shared>>)
      tpu.yield
    }) : () -> ()
    %mul3A_54 = arith.constant 640 : i32
    %mul3A_55 = arith.muli %arg1, %mul3A_54 : i32
    %add3A_56 = arith.constant 512 : i32
    %add3A_57 = arith.addi %mul3A_55, %add3A_56 : i32
    %run_scoped3A_58 = arith.constant 0 : i32
    "tpu.region"() ({
      %run_scoped3A_116 = tpu.sem_alloc : memref<!tpu.dma_semaphore, #tpu.memory_space<semaphore_mem>>
      %dma_start3A = arith.constant 0 : i32
      %dma_start3A_117 = arith.constant 0 : i32
      %dma_start3A_118 = tpu.memref_slice %arg14[%run_scoped3A_58, %dma_start3A, %dma_start3A_117] : memref<4x64x128xf32, #tpu.memory_space<vmem>> -> memref<1x64x128xf32, #tpu.memory_space<vmem>>
      %dma_start3A_119 = tpu.memref_squeeze %dma_start3A_118 : memref<1x64x128xf32, #tpu.memory_space<vmem>> -> memref<64x128xf32, #tpu.memory_space<vmem>>
      %dma_start3A_120 = arith.constant 0 : i32
      %dma_start3A_121 = tpu.memref_slice %arg15[%add3A_57, %dma_start3A_120] : memref<10240x128xf32, #tpu.memory_space<vmem_shared>> -> memref<64x128xf32, #tpu.memory_space<vmem_shared>>
      %dma_start3A_122 = arith.constant 0 : i32
      %dma_start3A_123 = tpu.memref_slice %arg15[%add3A_57, %dma_start3A_122] : memref<10240x128xf32, #tpu.memory_space<vmem_shared>> -> memref<64x128xf32, #tpu.memory_space<vmem_shared>>
      %dma_start3A_124 = arith.constant 0 : i32
      %dma_start3A_125 = arith.constant 0 : i32
      %dma_start3A_126 = tpu.memref_slice %arg14[%run_scoped3A_58, %dma_start3A_124, %dma_start3A_125] : memref<4x64x128xf32, #tpu.memory_space<vmem>> -> memref<1x64x128xf32, #tpu.memory_space<vmem>>
      %dma_start3A_127 = tpu.memref_squeeze %dma_start3A_126 : memref<1x64x128xf32, #tpu.memory_space<vmem>> -> memref<64x128xf32, #tpu.memory_space<vmem>>
      tpu.enqueue_dma source(%dma_start3A_127 : memref<64x128xf32, #tpu.memory_space<vmem>>) target(%dma_start3A_123 : memref<64x128xf32, #tpu.memory_space<vmem_shared>>) target_semaphore(%run_scoped3A_116 : memref<!tpu.dma_semaphore, #tpu.memory_space<semaphore_mem>>)
      %dma_wait3A_128 = arith.constant 0 : i32
      %dma_wait3A_129 = arith.constant 0 : i32
      %dma_wait3A_130 = tpu.memref_slice %arg14[%run_scoped3A_58, %dma_wait3A_128, %dma_wait3A_129] : memref<4x64x128xf32, #tpu.memory_space<vmem>> -> memref<1x64x128xf32, #tpu.memory_space<vmem>>
      %dma_wait3A_131 = tpu.memref_squeeze %dma_wait3A_130 : memref<1x64x128xf32, #tpu.memory_space<vmem>> -> memref<64x128xf32, #tpu.memory_space<vmem>>
      %dma_wait3A_132 = arith.constant 0 : i32
      %dma_wait3A_133 = tpu.memref_slice %arg15[%add3A_57, %dma_wait3A_132] : memref<10240x128xf32, #tpu.memory_space<vmem_shared>> -> memref<64x128xf32, #tpu.memory_space<vmem_shared>>
      %dma_wait3A_134 = arith.constant 0 : i32
      %dma_wait3A_135 = tpu.memref_slice %arg15[%add3A_57, %dma_wait3A_134] : memref<10240x128xf32, #tpu.memory_space<vmem_shared>> -> memref<64x128xf32, #tpu.memory_space<vmem_shared>>
      %dma_wait3A_136 = arith.constant 0 : i32
      %dma_wait3A_137 = arith.constant 0 : i32
      %dma_wait3A_138 = tpu.memref_slice %arg14[%run_scoped3A_58, %dma_wait3A_136, %dma_wait3A_137] : memref<4x64x128xf32, #tpu.memory_space<vmem>> -> memref<1x64x128xf32, #tpu.memory_space<vmem>>
      %dma_wait3A_139 = tpu.memref_squeeze %dma_wait3A_138 : memref<1x64x128xf32, #tpu.memory_space<vmem>> -> memref<64x128xf32, #tpu.memory_space<vmem>>
      tpu.wait_dma2 semaphore(%run_scoped3A_116 : memref<!tpu.dma_semaphore, #tpu.memory_space<semaphore_mem>>) src(%dma_wait3A_139 : memref<64x128xf32, #tpu.memory_space<vmem>>) dst(%dma_wait3A_135 : memref<64x128xf32, #tpu.memory_space<vmem_shared>>)
      tpu.yield
    }) : () -> ()
    %mul3A_59 = arith.constant 640 : i32
    %mul3A_60 = arith.muli %arg1, %mul3A_59 : i32
    %add3A_61 = arith.constant 576 : i32
    %add3A_62 = arith.addi %mul3A_60, %add3A_61 : i32
    %run_scoped3A_63 = arith.constant 0 : i32
    "tpu.region"() ({
      %run_scoped3A_116 = tpu.sem_alloc : memref<!tpu.dma_semaphore, #tpu.memory_space<semaphore_mem>>
      %dma_start3A = arith.constant 0 : i32
      %dma_start3A_117 = arith.constant 0 : i32
      %dma_start3A_118 = tpu.memref_slice %arg14[%run_scoped3A_63, %dma_start3A, %dma_start3A_117] : memref<4x64x128xf32, #tpu.memory_space<vmem>> -> memref<1x64x128xf32, #tpu.memory_space<vmem>>
      %dma_start3A_119 = tpu.memref_squeeze %dma_start3A_118 : memref<1x64x128xf32, #tpu.memory_space<vmem>> -> memref<64x128xf32, #tpu.memory_space<vmem>>
      %dma_start3A_120 = arith.constant 0 : i32
      %dma_start3A_121 = tpu.memref_slice %arg15[%add3A_62, %dma_start3A_120] : memref<10240x128xf32, #tpu.memory_space<vmem_shared>> -> memref<64x128xf32, #tpu.memory_space<vmem_shared>>
      %dma_start3A_122 = arith.constant 0 : i32
      %dma_start3A_123 = tpu.memref_slice %arg15[%add3A_62, %dma_start3A_122] : memref<10240x128xf32, #tpu.memory_space<vmem_shared>> -> memref<64x128xf32, #tpu.memory_space<vmem_shared>>
      %dma_start3A_124 = arith.constant 0 : i32
      %dma_start3A_125 = arith.constant 0 : i32
      %dma_start3A_126 = tpu.memref_slice %arg14[%run_scoped3A_63, %dma_start3A_124, %dma_start3A_125] : memref<4x64x128xf32, #tpu.memory_space<vmem>> -> memref<1x64x128xf32, #tpu.memory_space<vmem>>
      %dma_start3A_127 = tpu.memref_squeeze %dma_start3A_126 : memref<1x64x128xf32, #tpu.memory_space<vmem>> -> memref<64x128xf32, #tpu.memory_space<vmem>>
      tpu.enqueue_dma source(%dma_start3A_127 : memref<64x128xf32, #tpu.memory_space<vmem>>) target(%dma_start3A_123 : memref<64x128xf32, #tpu.memory_space<vmem_shared>>) target_semaphore(%run_scoped3A_116 : memref<!tpu.dma_semaphore, #tpu.memory_space<semaphore_mem>>)
      %dma_wait3A_128 = arith.constant 0 : i32
      %dma_wait3A_129 = arith.constant 0 : i32
      %dma_wait3A_130 = tpu.memref_slice %arg14[%run_scoped3A_63, %dma_wait3A_128, %dma_wait3A_129] : memref<4x64x128xf32, #tpu.memory_space<vmem>> -> memref<1x64x128xf32, #tpu.memory_space<vmem>>
      %dma_wait3A_131 = tpu.memref_squeeze %dma_wait3A_130 : memref<1x64x128xf32, #tpu.memory_space<vmem>> -> memref<64x128xf32, #tpu.memory_space<vmem>>
      %dma_wait3A_132 = arith.constant 0 : i32
      %dma_wait3A_133 = tpu.memref_slice %arg15[%add3A_62, %dma_wait3A_132] : memref<10240x128xf32, #tpu.memory_space<vmem_shared>> -> memref<64x128xf32, #tpu.memory_space<vmem_shared>>
      %dma_wait3A_134 = arith.constant 0 : i32
      %dma_wait3A_135 = tpu.memref_slice %arg15[%add3A_62, %dma_wait3A_134] : memref<10240x128xf32, #tpu.memory_space<vmem_shared>> -> memref<64x128xf32, #tpu.memory_space<vmem_shared>>
      %dma_wait3A_136 = arith.constant 0 : i32
      %dma_wait3A_137 = arith.constant 0 : i32
      %dma_wait3A_138 = tpu.memref_slice %arg14[%run_scoped3A_63, %dma_wait3A_136, %dma_wait3A_137] : memref<4x64x128xf32, #tpu.memory_space<vmem>> -> memref<1x64x128xf32, #tpu.memory_space<vmem>>
      %dma_wait3A_139 = tpu.memref_squeeze %dma_wait3A_138 : memref<1x64x128xf32, #tpu.memory_space<vmem>> -> memref<64x128xf32, #tpu.memory_space<vmem>>
      tpu.wait_dma2 semaphore(%run_scoped3A_116 : memref<!tpu.dma_semaphore, #tpu.memory_space<semaphore_mem>>) src(%dma_wait3A_139 : memref<64x128xf32, #tpu.memory_space<vmem>>) dst(%dma_wait3A_135 : memref<64x128xf32, #tpu.memory_space<vmem_shared>>)
      tpu.yield
    }) : () -> ()
    %barrier3A = arith.constant 0 : index
    tpu.barrier barrier_id(%barrier3A)
    %scan3A_64 = arith.constant 0 : i32
    %scan3A_65 = arith.constant 0 : i32
    %scan3A_66 = arith.constant 39 : i32
    %scan3A_67 = arith.addi %scan3A_65, %scan3A_66 : i32
    %scan3A_68 = arith.constant 1 : i32
    %scan3A_69 = scf.for %scan3A_116 = %scan3A_65 to %scan3A_67 step %scan3A_68 iter_args(%scan3A_117 = %scan3A_64) -> (i32)  : i32 {
      %gt3A = arith.constant 0 : i32
      %gt3A_118 = arith.cmpi sgt, %scan3A_116, %gt3A : i32
      %convert_element_type3A = arith.extui %gt3A_118 : i1 to i32
      %cond3A = arith.constant 0 : i32
      %cond3A_119 = arith.cmpi ne, %convert_element_type3A, %cond3A : i32
      scf.if %cond3A_119 {
        %dma_wait3A_291 = arith.constant 0 : i32
        %dma_wait3A_292 = arith.constant 0 : i32
        %dma_wait3A_293 = arith.constant 0 : i32
        %dma_wait3A_294 = tpu.memref_slice %arg14[%dma_wait3A_291, %dma_wait3A_292, %dma_wait3A_293] : memref<4x64x128xf32, #tpu.memory_space<vmem>> -> memref<1x64x128xf32, #tpu.memory_space<vmem>>
        %dma_wait3A_295 = tpu.memref_squeeze %dma_wait3A_294 : memref<1x64x128xf32, #tpu.memory_space<vmem>> -> memref<64x128xf32, #tpu.memory_space<vmem>>
        %dma_wait3A_296 = arith.constant 0 : i32
        %dma_wait3A_297 = arith.constant 0 : i32
        %dma_wait3A_298 = tpu.memref_slice %arg15[%dma_wait3A_296, %dma_wait3A_297] : memref<10240x128xf32, #tpu.memory_space<vmem_shared>> -> memref<10240x128xf32, #tpu.memory_space<vmem_shared>>
        tpu.wait_indirect_dma semaphore(%arg28 : memref<!tpu.dma_semaphore, #tpu.memory_space<semaphore_mem>>) src(%dma_wait3A_295 : memref<64x128xf32, #tpu.memory_space<vmem>>) dst(%dma_wait3A_298 : memref<10240x128xf32, #tpu.memory_space<vmem_shared>>)
      } else {
      }
      %mul3A_120 = arith.constant 4 : i32
      %mul3A_121 = arith.muli %scan3A_116, %mul3A_120 : i32
      %add3A_122 = arith.addi %add3A_4, %mul3A_121 : i32
      %add3A_123 = arith.constant 0 : i32
      %add3A_124 = arith.addi %add3A_122, %add3A_123 : i32
      %mul3A_125 = arith.constant 64 : i32
      %mul3A_126 = arith.muli %add3A_124, %mul3A_125 : i32
      %dma_start3A = tpu.memref_slice %arg2[%mul3A_126] : memref<320000xi32, #tpu.memory_space<hbm>> -> memref<64xi32, #tpu.memory_space<hbm>>
      %dma_start3A_127 = tpu.memref_slice %arg2[%mul3A_126] : memref<320000xi32, #tpu.memory_space<hbm>> -> memref<64xi32, #tpu.memory_space<hbm>>
      tpu.enqueue_dma source(%dma_start3A_127 : memref<64xi32, #tpu.memory_space<hbm>>) target(%arg6 : memref<64xi32, #tpu.memory_space<vmem>>) target_semaphore(%arg16 : memref<!tpu.dma_semaphore, #tpu.memory_space<semaphore_mem>>)
      %dma_start3A_128 = tpu.memref_slice %arg3[%mul3A_126] : memref<320000xi32, #tpu.memory_space<hbm>> -> memref<64xi32, #tpu.memory_space<hbm>>
      %dma_start3A_129 = tpu.memref_slice %arg3[%mul3A_126] : memref<320000xi32, #tpu.memory_space<hbm>> -> memref<64xi32, #tpu.memory_space<hbm>>
      tpu.enqueue_dma source(%dma_start3A_129 : memref<64xi32, #tpu.memory_space<hbm>>) target(%arg10 : memref<64xi32, #tpu.memory_space<vmem>>) target_semaphore(%arg20 : memref<!tpu.dma_semaphore, #tpu.memory_space<semaphore_mem>>)
      %gt3A_130 = arith.constant 0 : i32
      %gt3A_131 = arith.cmpi sgt, %scan3A_116, %gt3A_130 : i32
      %convert_element_type3A_132 = arith.extui %gt3A_131 : i1 to i32
      %cond3A_133 = arith.constant 0 : i32
      %cond3A_134 = arith.cmpi ne, %convert_element_type3A_132, %cond3A_133 : i32
      scf.if %cond3A_134 {
        %dma_wait3A_291 = arith.constant 1 : i32
        %dma_wait3A_292 = arith.constant 0 : i32
        %dma_wait3A_293 = arith.constant 0 : i32
        %dma_wait3A_294 = tpu.memref_slice %arg14[%dma_wait3A_291, %dma_wait3A_292, %dma_wait3A_293] : memref<4x64x128xf32, #tpu.memory_space<vmem>> -> memref<1x64x128xf32, #tpu.memory_space<vmem>>
        %dma_wait3A_295 = tpu.memref_squeeze %dma_wait3A_294 : memref<1x64x128xf32, #tpu.memory_space<vmem>> -> memref<64x128xf32, #tpu.memory_space<vmem>>
        %dma_wait3A_296 = arith.constant 0 : i32
        %dma_wait3A_297 = arith.constant 0 : i32
        %dma_wait3A_298 = tpu.memref_slice %arg15[%dma_wait3A_296, %dma_wait3A_297] : memref<10240x128xf32, #tpu.memory_space<vmem_shared>> -> memref<10240x128xf32, #tpu.memory_space<vmem_shared>>
        tpu.wait_indirect_dma semaphore(%arg29 : memref<!tpu.dma_semaphore, #tpu.memory_space<semaphore_mem>>) src(%dma_wait3A_295 : memref<64x128xf32, #tpu.memory_space<vmem>>) dst(%dma_wait3A_298 : memref<10240x128xf32, #tpu.memory_space<vmem_shared>>)
      } else {
      }
      %mul3A_135 = arith.constant 4 : i32
      %mul3A_136 = arith.muli %scan3A_116, %mul3A_135 : i32
      %add3A_137 = arith.addi %add3A_4, %mul3A_136 : i32
      %add3A_138 = arith.constant 1 : i32
      %add3A_139 = arith.addi %add3A_137, %add3A_138 : i32
      %mul3A_140 = arith.constant 64 : i32
      %mul3A_141 = arith.muli %add3A_139, %mul3A_140 : i32
      %dma_start3A_142 = tpu.memref_slice %arg2[%mul3A_141] : memref<320000xi32, #tpu.memory_space<hbm>> -> memref<64xi32, #tpu.memory_space<hbm>>
      %dma_start3A_143 = tpu.memref_slice %arg2[%mul3A_141] : memref<320000xi32, #tpu.memory_space<hbm>> -> memref<64xi32, #tpu.memory_space<hbm>>
      tpu.enqueue_dma source(%dma_start3A_143 : memref<64xi32, #tpu.memory_space<hbm>>) target(%arg7 : memref<64xi32, #tpu.memory_space<vmem>>) target_semaphore(%arg17 : memref<!tpu.dma_semaphore, #tpu.memory_space<semaphore_mem>>)
      %dma_start3A_144 = tpu.memref_slice %arg3[%mul3A_141] : memref<320000xi32, #tpu.memory_space<hbm>> -> memref<64xi32, #tpu.memory_space<hbm>>
      %dma_start3A_145 = tpu.memref_slice %arg3[%mul3A_141] : memref<320000xi32, #tpu.memory_space<hbm>> -> memref<64xi32, #tpu.memory_space<hbm>>
      tpu.enqueue_dma source(%dma_start3A_145 : memref<64xi32, #tpu.memory_space<hbm>>) target(%arg11 : memref<64xi32, #tpu.memory_space<vmem>>) target_semaphore(%arg21 : memref<!tpu.dma_semaphore, #tpu.memory_space<semaphore_mem>>)
      %gt3A_146 = arith.constant 0 : i32
      %gt3A_147 = arith.cmpi sgt, %scan3A_116, %gt3A_146 : i32
      %convert_element_type3A_148 = arith.extui %gt3A_147 : i1 to i32
      %cond3A_149 = arith.constant 0 : i32
      %cond3A_150 = arith.cmpi ne, %convert_element_type3A_148, %cond3A_149 : i32
      scf.if %cond3A_150 {
        %dma_wait3A_291 = arith.constant 2 : i32
        %dma_wait3A_292 = arith.constant 0 : i32
        %dma_wait3A_293 = arith.constant 0 : i32
        %dma_wait3A_294 = tpu.memref_slice %arg14[%dma_wait3A_291, %dma_wait3A_292, %dma_wait3A_293] : memref<4x64x128xf32, #tpu.memory_space<vmem>> -> memref<1x64x128xf32, #tpu.memory_space<vmem>>
        %dma_wait3A_295 = tpu.memref_squeeze %dma_wait3A_294 : memref<1x64x128xf32, #tpu.memory_space<vmem>> -> memref<64x128xf32, #tpu.memory_space<vmem>>
        %dma_wait3A_296 = arith.constant 0 : i32
        %dma_wait3A_297 = arith.constant 0 : i32
        %dma_wait3A_298 = tpu.memref_slice %arg15[%dma_wait3A_296, %dma_wait3A_297] : memref<10240x128xf32, #tpu.memory_space<vmem_shared>> -> memref<10240x128xf32, #tpu.memory_space<vmem_shared>>
        tpu.wait_indirect_dma semaphore(%arg30 : memref<!tpu.dma_semaphore, #tpu.memory_space<semaphore_mem>>) src(%dma_wait3A_295 : memref<64x128xf32, #tpu.memory_space<vmem>>) dst(%dma_wait3A_298 : memref<10240x128xf32, #tpu.memory_space<vmem_shared>>)
      } else {
      }
      %mul3A_151 = arith.constant 4 : i32
      %mul3A_152 = arith.muli %scan3A_116, %mul3A_151 : i32
      %add3A_153 = arith.addi %add3A_4, %mul3A_152 : i32
      %add3A_154 = arith.constant 2 : i32
      %add3A_155 = arith.addi %add3A_153, %add3A_154 : i32
      %mul3A_156 = arith.constant 64 : i32
      %mul3A_157 = arith.muli %add3A_155, %mul3A_156 : i32
      %dma_start3A_158 = tpu.memref_slice %arg2[%mul3A_157] : memref<320000xi32, #tpu.memory_space<hbm>> -> memref<64xi32, #tpu.memory_space<hbm>>
      %dma_start3A_159 = tpu.memref_slice %arg2[%mul3A_157] : memref<320000xi32, #tpu.memory_space<hbm>> -> memref<64xi32, #tpu.memory_space<hbm>>
      tpu.enqueue_dma source(%dma_start3A_159 : memref<64xi32, #tpu.memory_space<hbm>>) target(%arg8 : memref<64xi32, #tpu.memory_space<vmem>>) target_semaphore(%arg18 : memref<!tpu.dma_semaphore, #tpu.memory_space<semaphore_mem>>)
      %dma_start3A_160 = tpu.memref_slice %arg3[%mul3A_157] : memref<320000xi32, #tpu.memory_space<hbm>> -> memref<64xi32, #tpu.memory_space<hbm>>
      %dma_start3A_161 = tpu.memref_slice %arg3[%mul3A_157] : memref<320000xi32, #tpu.memory_space<hbm>> -> memref<64xi32, #tpu.memory_space<hbm>>
      tpu.enqueue_dma source(%dma_start3A_161 : memref<64xi32, #tpu.memory_space<hbm>>) target(%arg12 : memref<64xi32, #tpu.memory_space<vmem>>) target_semaphore(%arg22 : memref<!tpu.dma_semaphore, #tpu.memory_space<semaphore_mem>>)
      %gt3A_162 = arith.constant 0 : i32
      %gt3A_163 = arith.cmpi sgt, %scan3A_116, %gt3A_162 : i32
      %convert_element_type3A_164 = arith.extui %gt3A_163 : i1 to i32
      %cond3A_165 = arith.constant 0 : i32
      %cond3A_166 = arith.cmpi ne, %convert_element_type3A_164, %cond3A_165 : i32
      scf.if %cond3A_166 {
        %dma_wait3A_291 = arith.constant 3 : i32
        %dma_wait3A_292 = arith.constant 0 : i32
        %dma_wait3A_293 = arith.constant 0 : i32
        %dma_wait3A_294 = tpu.memref_slice %arg14[%dma_wait3A_291, %dma_wait3A_292, %dma_wait3A_293] : memref<4x64x128xf32, #tpu.memory_space<vmem>> -> memref<1x64x128xf32, #tpu.memory_space<vmem>>
        %dma_wait3A_295 = tpu.memref_squeeze %dma_wait3A_294 : memref<1x64x128xf32, #tpu.memory_space<vmem>> -> memref<64x128xf32, #tpu.memory_space<vmem>>
        %dma_wait3A_296 = arith.constant 0 : i32
        %dma_wait3A_297 = arith.constant 0 : i32
        %dma_wait3A_298 = tpu.memref_slice %arg15[%dma_wait3A_296, %dma_wait3A_297] : memref<10240x128xf32, #tpu.memory_space<vmem_shared>> -> memref<10240x128xf32, #tpu.memory_space<vmem_shared>>
        tpu.wait_indirect_dma semaphore(%arg31 : memref<!tpu.dma_semaphore, #tpu.memory_space<semaphore_mem>>) src(%dma_wait3A_295 : memref<64x128xf32, #tpu.memory_space<vmem>>) dst(%dma_wait3A_298 : memref<10240x128xf32, #tpu.memory_space<vmem_shared>>)
      } else {
      }
      %mul3A_167 = arith.constant 4 : i32
      %mul3A_168 = arith.muli %scan3A_116, %mul3A_167 : i32
      %add3A_169 = arith.addi %add3A_4, %mul3A_168 : i32
      %add3A_170 = arith.constant 3 : i32
      %add3A_171 = arith.addi %add3A_169, %add3A_170 : i32
      %mul3A_172 = arith.constant 64 : i32
      %mul3A_173 = arith.muli %add3A_171, %mul3A_172 : i32
      %dma_start3A_174 = tpu.memref_slice %arg2[%mul3A_173] : memref<320000xi32, #tpu.memory_space<hbm>> -> memref<64xi32, #tpu.memory_space<hbm>>
      %dma_start3A_175 = tpu.memref_slice %arg2[%mul3A_173] : memref<320000xi32, #tpu.memory_space<hbm>> -> memref<64xi32, #tpu.memory_space<hbm>>
      tpu.enqueue_dma source(%dma_start3A_175 : memref<64xi32, #tpu.memory_space<hbm>>) target(%arg9 : memref<64xi32, #tpu.memory_space<vmem>>) target_semaphore(%arg19 : memref<!tpu.dma_semaphore, #tpu.memory_space<semaphore_mem>>)
      %dma_start3A_176 = tpu.memref_slice %arg3[%mul3A_173] : memref<320000xi32, #tpu.memory_space<hbm>> -> memref<64xi32, #tpu.memory_space<hbm>>
      %dma_start3A_177 = tpu.memref_slice %arg3[%mul3A_173] : memref<320000xi32, #tpu.memory_space<hbm>> -> memref<64xi32, #tpu.memory_space<hbm>>
      tpu.enqueue_dma source(%dma_start3A_177 : memref<64xi32, #tpu.memory_space<hbm>>) target(%arg13 : memref<64xi32, #tpu.memory_space<vmem>>) target_semaphore(%arg23 : memref<!tpu.dma_semaphore, #tpu.memory_space<semaphore_mem>>)
      %dma_wait3A_178 = tpu.memref_slice %arg2[%mul3A_126] : memref<320000xi32, #tpu.memory_space<hbm>> -> memref<64xi32, #tpu.memory_space<hbm>>
      %dma_wait3A_179 = tpu.memref_slice %arg2[%mul3A_126] : memref<320000xi32, #tpu.memory_space<hbm>> -> memref<64xi32, #tpu.memory_space<hbm>>
      tpu.wait_dma2 semaphore(%arg16 : memref<!tpu.dma_semaphore, #tpu.memory_space<semaphore_mem>>) src(%dma_wait3A_179 : memref<64xi32, #tpu.memory_space<hbm>>) dst(%arg6 : memref<64xi32, #tpu.memory_space<vmem>>)
      %dma_start3A_180 = arith.constant 0 : i32
      %dma_start3A_181 = arith.constant 0 : i32
      %dma_start3A_182 = arith.constant 0 : i32
      %dma_start3A_183 = tpu.memref_slice %arg14[%dma_start3A_180, %dma_start3A_181, %dma_start3A_182] : memref<4x64x128xf32, #tpu.memory_space<vmem>> -> memref<1x64x128xf32, #tpu.memory_space<vmem>>
      %dma_start3A_184 = tpu.memref_squeeze %dma_start3A_183 : memref<1x64x128xf32, #tpu.memory_space<vmem>> -> memref<64x128xf32, #tpu.memory_space<vmem>>
      %dma_start3A_185 = arith.constant 0 : i32
      %dma_start3A_186 = arith.constant 0 : i32
      %dma_start3A_187 = tpu.memref_slice %arg4[%dma_start3A_185, %dma_start3A_186] : memref<10240x128xf32, #tpu.memory_space<hbm>> -> memref<10240x128xf32, #tpu.memory_space<hbm>>
      tpu.enqueue_indirect_dma source(%dma_start3A_187 : memref<10240x128xf32, #tpu.memory_space<hbm>>) target(%dma_start3A_184 : memref<64x128xf32, #tpu.memory_space<vmem>>) offsets(%arg6 : memref<64xi32, #tpu.memory_space<vmem>>) semaphore(%arg24 : memref<!tpu.dma_semaphore, #tpu.memory_space<semaphore_mem>>)
      %dma_wait3A_188 = tpu.memref_slice %arg2[%mul3A_141] : memref<320000xi32, #tpu.memory_space<hbm>> -> memref<64xi32, #tpu.memory_space<hbm>>
      %dma_wait3A_189 = tpu.memref_slice %arg2[%mul3A_141] : memref<320000xi32, #tpu.memory_space<hbm>> -> memref<64xi32, #tpu.memory_space<hbm>>
      tpu.wait_dma2 semaphore(%arg17 : memref<!tpu.dma_semaphore, #tpu.memory_space<semaphore_mem>>) src(%dma_wait3A_189 : memref<64xi32, #tpu.memory_space<hbm>>) dst(%arg7 : memref<64xi32, #tpu.memory_space<vmem>>)
      %dma_start3A_190 = arith.constant 1 : i32
      %dma_start3A_191 = arith.constant 0 : i32
      %dma_start3A_192 = arith.constant 0 : i32
      %dma_start3A_193 = tpu.memref_slice %arg14[%dma_start3A_190, %dma_start3A_191, %dma_start3A_192] : memref<4x64x128xf32, #tpu.memory_space<vmem>> -> memref<1x64x128xf32, #tpu.memory_space<vmem>>
      %dma_start3A_194 = tpu.memref_squeeze %dma_start3A_193 : memref<1x64x128xf32, #tpu.memory_space<vmem>> -> memref<64x128xf32, #tpu.memory_space<vmem>>
      %dma_start3A_195 = arith.constant 0 : i32
      %dma_start3A_196 = arith.constant 0 : i32
      %dma_start3A_197 = tpu.memref_slice %arg4[%dma_start3A_195, %dma_start3A_196] : memref<10240x128xf32, #tpu.memory_space<hbm>> -> memref<10240x128xf32, #tpu.memory_space<hbm>>
      tpu.enqueue_indirect_dma source(%dma_start3A_197 : memref<10240x128xf32, #tpu.memory_space<hbm>>) target(%dma_start3A_194 : memref<64x128xf32, #tpu.memory_space<vmem>>) offsets(%arg7 : memref<64xi32, #tpu.memory_space<vmem>>) semaphore(%arg25 : memref<!tpu.dma_semaphore, #tpu.memory_space<semaphore_mem>>)
      %dma_wait3A_198 = tpu.memref_slice %arg2[%mul3A_157] : memref<320000xi32, #tpu.memory_space<hbm>> -> memref<64xi32, #tpu.memory_space<hbm>>
      %dma_wait3A_199 = tpu.memref_slice %arg2[%mul3A_157] : memref<320000xi32, #tpu.memory_space<hbm>> -> memref<64xi32, #tpu.memory_space<hbm>>
      tpu.wait_dma2 semaphore(%arg18 : memref<!tpu.dma_semaphore, #tpu.memory_space<semaphore_mem>>) src(%dma_wait3A_199 : memref<64xi32, #tpu.memory_space<hbm>>) dst(%arg8 : memref<64xi32, #tpu.memory_space<vmem>>)
      %dma_start3A_200 = arith.constant 2 : i32
      %dma_start3A_201 = arith.constant 0 : i32
      %dma_start3A_202 = arith.constant 0 : i32
      %dma_start3A_203 = tpu.memref_slice %arg14[%dma_start3A_200, %dma_start3A_201, %dma_start3A_202] : memref<4x64x128xf32, #tpu.memory_space<vmem>> -> memref<1x64x128xf32, #tpu.memory_space<vmem>>
      %dma_start3A_204 = tpu.memref_squeeze %dma_start3A_203 : memref<1x64x128xf32, #tpu.memory_space<vmem>> -> memref<64x128xf32, #tpu.memory_space<vmem>>
      %dma_start3A_205 = arith.constant 0 : i32
      %dma_start3A_206 = arith.constant 0 : i32
      %dma_start3A_207 = tpu.memref_slice %arg4[%dma_start3A_205, %dma_start3A_206] : memref<10240x128xf32, #tpu.memory_space<hbm>> -> memref<10240x128xf32, #tpu.memory_space<hbm>>
      tpu.enqueue_indirect_dma source(%dma_start3A_207 : memref<10240x128xf32, #tpu.memory_space<hbm>>) target(%dma_start3A_204 : memref<64x128xf32, #tpu.memory_space<vmem>>) offsets(%arg8 : memref<64xi32, #tpu.memory_space<vmem>>) semaphore(%arg26 : memref<!tpu.dma_semaphore, #tpu.memory_space<semaphore_mem>>)
      %dma_wait3A_208 = tpu.memref_slice %arg2[%mul3A_173] : memref<320000xi32, #tpu.memory_space<hbm>> -> memref<64xi32, #tpu.memory_space<hbm>>
      %dma_wait3A_209 = tpu.memref_slice %arg2[%mul3A_173] : memref<320000xi32, #tpu.memory_space<hbm>> -> memref<64xi32, #tpu.memory_space<hbm>>
      tpu.wait_dma2 semaphore(%arg19 : memref<!tpu.dma_semaphore, #tpu.memory_space<semaphore_mem>>) src(%dma_wait3A_209 : memref<64xi32, #tpu.memory_space<hbm>>) dst(%arg9 : memref<64xi32, #tpu.memory_space<vmem>>)
      %dma_start3A_210 = arith.constant 3 : i32
      %dma_start3A_211 = arith.constant 0 : i32
      %dma_start3A_212 = arith.constant 0 : i32
      %dma_start3A_213 = tpu.memref_slice %arg14[%dma_start3A_210, %dma_start3A_211, %dma_start3A_212] : memref<4x64x128xf32, #tpu.memory_space<vmem>> -> memref<1x64x128xf32, #tpu.memory_space<vmem>>
      %dma_start3A_214 = tpu.memref_squeeze %dma_start3A_213 : memref<1x64x128xf32, #tpu.memory_space<vmem>> -> memref<64x128xf32, #tpu.memory_space<vmem>>
      %dma_start3A_215 = arith.constant 0 : i32
      %dma_start3A_216 = arith.constant 0 : i32
      %dma_start3A_217 = tpu.memref_slice %arg4[%dma_start3A_215, %dma_start3A_216] : memref<10240x128xf32, #tpu.memory_space<hbm>> -> memref<10240x128xf32, #tpu.memory_space<hbm>>
      tpu.enqueue_indirect_dma source(%dma_start3A_217 : memref<10240x128xf32, #tpu.memory_space<hbm>>) target(%dma_start3A_214 : memref<64x128xf32, #tpu.memory_space<vmem>>) offsets(%arg9 : memref<64xi32, #tpu.memory_space<vmem>>) semaphore(%arg27 : memref<!tpu.dma_semaphore, #tpu.memory_space<semaphore_mem>>)
      %dma_wait3A_218 = arith.constant 0 : i32
      %dma_wait3A_219 = arith.constant 0 : i32
      %dma_wait3A_220 = arith.constant 0 : i32
      %dma_wait3A_221 = tpu.memref_slice %arg14[%dma_wait3A_218, %dma_wait3A_219, %dma_wait3A_220] : memref<4x64x128xf32, #tpu.memory_space<vmem>> -> memref<1x64x128xf32, #tpu.memory_space<vmem>>
      %dma_wait3A_222 = tpu.memref_squeeze %dma_wait3A_221 : memref<1x64x128xf32, #tpu.memory_space<vmem>> -> memref<64x128xf32, #tpu.memory_space<vmem>>
      %dma_wait3A_223 = arith.constant 0 : i32
      %dma_wait3A_224 = arith.constant 0 : i32
      %dma_wait3A_225 = tpu.memref_slice %arg4[%dma_wait3A_223, %dma_wait3A_224] : memref<10240x128xf32, #tpu.memory_space<hbm>> -> memref<10240x128xf32, #tpu.memory_space<hbm>>
      tpu.wait_indirect_dma semaphore(%arg24 : memref<!tpu.dma_semaphore, #tpu.memory_space<semaphore_mem>>) src(%dma_wait3A_225 : memref<10240x128xf32, #tpu.memory_space<hbm>>) dst(%dma_wait3A_222 : memref<64x128xf32, #tpu.memory_space<vmem>>)
      %dma_wait3A_226 = tpu.memref_slice %arg3[%mul3A_126] : memref<320000xi32, #tpu.memory_space<hbm>> -> memref<64xi32, #tpu.memory_space<hbm>>
      %dma_wait3A_227 = tpu.memref_slice %arg3[%mul3A_126] : memref<320000xi32, #tpu.memory_space<hbm>> -> memref<64xi32, #tpu.memory_space<hbm>>
      tpu.wait_dma2 semaphore(%arg20 : memref<!tpu.dma_semaphore, #tpu.memory_space<semaphore_mem>>) src(%dma_wait3A_227 : memref<64xi32, #tpu.memory_space<hbm>>) dst(%arg10 : memref<64xi32, #tpu.memory_space<vmem>>)
      %dma_start3A_228 = arith.constant 0 : i32
      %dma_start3A_229 = arith.constant 0 : i32
      %dma_start3A_230 = arith.constant 0 : i32
      %dma_start3A_231 = tpu.memref_slice %arg14[%dma_start3A_228, %dma_start3A_229, %dma_start3A_230] : memref<4x64x128xf32, #tpu.memory_space<vmem>> -> memref<1x64x128xf32, #tpu.memory_space<vmem>>
      %dma_start3A_232 = tpu.memref_squeeze %dma_start3A_231 : memref<1x64x128xf32, #tpu.memory_space<vmem>> -> memref<64x128xf32, #tpu.memory_space<vmem>>
      %dma_start3A_233 = arith.constant 0 : i32
      %dma_start3A_234 = arith.constant 0 : i32
      %dma_start3A_235 = tpu.memref_slice %arg15[%dma_start3A_233, %dma_start3A_234] : memref<10240x128xf32, #tpu.memory_space<vmem_shared>> -> memref<10240x128xf32, #tpu.memory_space<vmem_shared>>
      tpu.enqueue_indirect_dma source(%dma_start3A_232 : memref<64x128xf32, #tpu.memory_space<vmem>>) target(%dma_start3A_235 : memref<10240x128xf32, #tpu.memory_space<vmem_shared>>) offsets(%arg10 : memref<64xi32, #tpu.memory_space<vmem>>) semaphore(%arg28 : memref<!tpu.dma_semaphore, #tpu.memory_space<semaphore_mem>>) {add = true}
      %dma_wait3A_236 = arith.constant 1 : i32
      %dma_wait3A_237 = arith.constant 0 : i32
      %dma_wait3A_238 = arith.constant 0 : i32
      %dma_wait3A_239 = tpu.memref_slice %arg14[%dma_wait3A_236, %dma_wait3A_237, %dma_wait3A_238] : memref<4x64x128xf32, #tpu.memory_space<vmem>> -> memref<1x64x128xf32, #tpu.memory_space<vmem>>
      %dma_wait3A_240 = tpu.memref_squeeze %dma_wait3A_239 : memref<1x64x128xf32, #tpu.memory_space<vmem>> -> memref<64x128xf32, #tpu.memory_space<vmem>>
      %dma_wait3A_241 = arith.constant 0 : i32
      %dma_wait3A_242 = arith.constant 0 : i32
      %dma_wait3A_243 = tpu.memref_slice %arg4[%dma_wait3A_241, %dma_wait3A_242] : memref<10240x128xf32, #tpu.memory_space<hbm>> -> memref<10240x128xf32, #tpu.memory_space<hbm>>
      tpu.wait_indirect_dma semaphore(%arg25 : memref<!tpu.dma_semaphore, #tpu.memory_space<semaphore_mem>>) src(%dma_wait3A_243 : memref<10240x128xf32, #tpu.memory_space<hbm>>) dst(%dma_wait3A_240 : memref<64x128xf32, #tpu.memory_space<vmem>>)
      %dma_wait3A_244 = tpu.memref_slice %arg3[%mul3A_141] : memref<320000xi32, #tpu.memory_space<hbm>> -> memref<64xi32, #tpu.memory_space<hbm>>
      %dma_wait3A_245 = tpu.memref_slice %arg3[%mul3A_141] : memref<320000xi32, #tpu.memory_space<hbm>> -> memref<64xi32, #tpu.memory_space<hbm>>
      tpu.wait_dma2 semaphore(%arg21 : memref<!tpu.dma_semaphore, #tpu.memory_space<semaphore_mem>>) src(%dma_wait3A_245 : memref<64xi32, #tpu.memory_space<hbm>>) dst(%arg11 : memref<64xi32, #tpu.memory_space<vmem>>)
      %dma_start3A_246 = arith.constant 1 : i32
      %dma_start3A_247 = arith.constant 0 : i32
      %dma_start3A_248 = arith.constant 0 : i32
      %dma_start3A_249 = tpu.memref_slice %arg14[%dma_start3A_246, %dma_start3A_247, %dma_start3A_248] : memref<4x64x128xf32, #tpu.memory_space<vmem>> -> memref<1x64x128xf32, #tpu.memory_space<vmem>>
      %dma_start3A_250 = tpu.memref_squeeze %dma_start3A_249 : memref<1x64x128xf32, #tpu.memory_space<vmem>> -> memref<64x128xf32, #tpu.memory_space<vmem>>
      %dma_start3A_251 = arith.constant 0 : i32
      %dma_start3A_252 = arith.constant 0 : i32
      %dma_start3A_253 = tpu.memref_slice %arg15[%dma_start3A_251, %dma_start3A_252] : memref<10240x128xf32, #tpu.memory_space<vmem_shared>> -> memref<10240x128xf32, #tpu.memory_space<vmem_shared>>
      tpu.enqueue_indirect_dma source(%dma_start3A_250 : memref<64x128xf32, #tpu.memory_space<vmem>>) target(%dma_start3A_253 : memref<10240x128xf32, #tpu.memory_space<vmem_shared>>) offsets(%arg11 : memref<64xi32, #tpu.memory_space<vmem>>) semaphore(%arg29 : memref<!tpu.dma_semaphore, #tpu.memory_space<semaphore_mem>>) {add = true}
      %dma_wait3A_254 = arith.constant 2 : i32
      %dma_wait3A_255 = arith.constant 0 : i32
      %dma_wait3A_256 = arith.constant 0 : i32
      %dma_wait3A_257 = tpu.memref_slice %arg14[%dma_wait3A_254, %dma_wait3A_255, %dma_wait3A_256] : memref<4x64x128xf32, #tpu.memory_space<vmem>> -> memref<1x64x128xf32, #tpu.memory_space<vmem>>
      %dma_wait3A_258 = tpu.memref_squeeze %dma_wait3A_257 : memref<1x64x128xf32, #tpu.memory_space<vmem>> -> memref<64x128xf32, #tpu.memory_space<vmem>>
      %dma_wait3A_259 = arith.constant 0 : i32
      %dma_wait3A_260 = arith.constant 0 : i32
      %dma_wait3A_261 = tpu.memref_slice %arg4[%dma_wait3A_259, %dma_wait3A_260] : memref<10240x128xf32, #tpu.memory_space<hbm>> -> memref<10240x128xf32, #tpu.memory_space<hbm>>
      tpu.wait_indirect_dma semaphore(%arg26 : memref<!tpu.dma_semaphore, #tpu.memory_space<semaphore_mem>>) src(%dma_wait3A_261 : memref<10240x128xf32, #tpu.memory_space<hbm>>) dst(%dma_wait3A_258 : memref<64x128xf32, #tpu.memory_space<vmem>>)
      %dma_wait3A_262 = tpu.memref_slice %arg3[%mul3A_157] : memref<320000xi32, #tpu.memory_space<hbm>> -> memref<64xi32, #tpu.memory_space<hbm>>
      %dma_wait3A_263 = tpu.memref_slice %arg3[%mul3A_157] : memref<320000xi32, #tpu.memory_space<hbm>> -> memref<64xi32, #tpu.memory_space<hbm>>
      tpu.wait_dma2 semaphore(%arg22 : memref<!tpu.dma_semaphore, #tpu.memory_space<semaphore_mem>>) src(%dma_wait3A_263 : memref<64xi32, #tpu.memory_space<hbm>>) dst(%arg12 : memref<64xi32, #tpu.memory_space<vmem>>)
      %dma_start3A_264 = arith.constant 2 : i32
      %dma_start3A_265 = arith.constant 0 : i32
      %dma_start3A_266 = arith.constant 0 : i32
      %dma_start3A_267 = tpu.memref_slice %arg14[%dma_start3A_264, %dma_start3A_265, %dma_start3A_266] : memref<4x64x128xf32, #tpu.memory_space<vmem>> -> memref<1x64x128xf32, #tpu.memory_space<vmem>>
      %dma_start3A_268 = tpu.memref_squeeze %dma_start3A_267 : memref<1x64x128xf32, #tpu.memory_space<vmem>> -> memref<64x128xf32, #tpu.memory_space<vmem>>
      %dma_start3A_269 = arith.constant 0 : i32
      %dma_start3A_270 = arith.constant 0 : i32
      %dma_start3A_271 = tpu.memref_slice %arg15[%dma_start3A_269, %dma_start3A_270] : memref<10240x128xf32, #tpu.memory_space<vmem_shared>> -> memref<10240x128xf32, #tpu.memory_space<vmem_shared>>
      tpu.enqueue_indirect_dma source(%dma_start3A_268 : memref<64x128xf32, #tpu.memory_space<vmem>>) target(%dma_start3A_271 : memref<10240x128xf32, #tpu.memory_space<vmem_shared>>) offsets(%arg12 : memref<64xi32, #tpu.memory_space<vmem>>) semaphore(%arg30 : memref<!tpu.dma_semaphore, #tpu.memory_space<semaphore_mem>>) {add = true}
      %dma_wait3A_272 = arith.constant 3 : i32
      %dma_wait3A_273 = arith.constant 0 : i32
      %dma_wait3A_274 = arith.constant 0 : i32
      %dma_wait3A_275 = tpu.memref_slice %arg14[%dma_wait3A_272, %dma_wait3A_273, %dma_wait3A_274] : memref<4x64x128xf32, #tpu.memory_space<vmem>> -> memref<1x64x128xf32, #tpu.memory_space<vmem>>
      %dma_wait3A_276 = tpu.memref_squeeze %dma_wait3A_275 : memref<1x64x128xf32, #tpu.memory_space<vmem>> -> memref<64x128xf32, #tpu.memory_space<vmem>>
      %dma_wait3A_277 = arith.constant 0 : i32
      %dma_wait3A_278 = arith.constant 0 : i32
      %dma_wait3A_279 = tpu.memref_slice %arg4[%dma_wait3A_277, %dma_wait3A_278] : memref<10240x128xf32, #tpu.memory_space<hbm>> -> memref<10240x128xf32, #tpu.memory_space<hbm>>
      tpu.wait_indirect_dma semaphore(%arg27 : memref<!tpu.dma_semaphore, #tpu.memory_space<semaphore_mem>>) src(%dma_wait3A_279 : memref<10240x128xf32, #tpu.memory_space<hbm>>) dst(%dma_wait3A_276 : memref<64x128xf32, #tpu.memory_space<vmem>>)
      %dma_wait3A_280 = tpu.memref_slice %arg3[%mul3A_173] : memref<320000xi32, #tpu.memory_space<hbm>> -> memref<64xi32, #tpu.memory_space<hbm>>
      %dma_wait3A_281 = tpu.memref_slice %arg3[%mul3A_173] : memref<320000xi32, #tpu.memory_space<hbm>> -> memref<64xi32, #tpu.memory_space<hbm>>
      tpu.wait_dma2 semaphore(%arg23 : memref<!tpu.dma_semaphore, #tpu.memory_space<semaphore_mem>>) src(%dma_wait3A_281 : memref<64xi32, #tpu.memory_space<hbm>>) dst(%arg13 : memref<64xi32, #tpu.memory_space<vmem>>)
      %dma_start3A_282 = arith.constant 3 : i32
      %dma_start3A_283 = arith.constant 0 : i32
      %dma_start3A_284 = arith.constant 0 : i32
      %dma_start3A_285 = tpu.memref_slice %arg14[%dma_start3A_282, %dma_start3A_283, %dma_start3A_284] : memref<4x64x128xf32, #tpu.memory_space<vmem>> -> memref<1x64x128xf32, #tpu.memory_space<vmem>>
      %dma_start3A_286 = tpu.memref_squeeze %dma_start3A_285 : memref<1x64x128xf32, #tpu.memory_space<vmem>> -> memref<64x128xf32, #tpu.memory_space<vmem>>
      %dma_start3A_287 = arith.constant 0 : i32
      %dma_start3A_288 = arith.constant 0 : i32
      %dma_start3A_289 = tpu.memref_slice %arg15[%dma_start3A_287, %dma_start3A_288] : memref<10240x128xf32, #tpu.memory_space<vmem_shared>> -> memref<10240x128xf32, #tpu.memory_space<vmem_shared>>
      tpu.enqueue_indirect_dma source(%dma_start3A_286 : memref<64x128xf32, #tpu.memory_space<vmem>>) target(%dma_start3A_289 : memref<10240x128xf32, #tpu.memory_space<vmem_shared>>) offsets(%arg13 : memref<64xi32, #tpu.memory_space<vmem>>) semaphore(%arg31 : memref<!tpu.dma_semaphore, #tpu.memory_space<semaphore_mem>>) {add = true}
      %scan3A_290 = arith.constant 0 : i32
      scf.yield %scan3A_290 : i32
    }
    %scan3A_70 = arith.constant 39 : i32
    %dma_wait3A = arith.constant 0 : i32
    %dma_wait3A_71 = arith.constant 0 : i32
    %dma_wait3A_72 = arith.constant 0 : i32
    %dma_wait3A_73 = tpu.memref_slice %arg14[%dma_wait3A, %dma_wait3A_71, %dma_wait3A_72] : memref<4x64x128xf32, #tpu.memory_space<vmem>> -> memref<1x64x128xf32, #tpu.memory_space<vmem>>
    %dma_wait3A_74 = tpu.memref_squeeze %dma_wait3A_73 : memref<1x64x128xf32, #tpu.memory_space<vmem>> -> memref<64x128xf32, #tpu.memory_space<vmem>>
    %dma_wait3A_75 = arith.constant 0 : i32
    %dma_wait3A_76 = arith.constant 0 : i32
    %dma_wait3A_77 = tpu.memref_slice %arg15[%dma_wait3A_75, %dma_wait3A_76] : memref<10240x128xf32, #tpu.memory_space<vmem_shared>> -> memref<10240x128xf32, #tpu.memory_space<vmem_shared>>
    tpu.wait_indirect_dma semaphore(%arg28 : memref<!tpu.dma_semaphore, #tpu.memory_space<semaphore_mem>>) src(%dma_wait3A_74 : memref<64x128xf32, #tpu.memory_space<vmem>>) dst(%dma_wait3A_77 : memref<10240x128xf32, #tpu.memory_space<vmem_shared>>)
    %dma_wait3A_78 = arith.constant 1 : i32
    %dma_wait3A_79 = arith.constant 0 : i32
    %dma_wait3A_80 = arith.constant 0 : i32
    %dma_wait3A_81 = tpu.memref_slice %arg14[%dma_wait3A_78, %dma_wait3A_79, %dma_wait3A_80] : memref<4x64x128xf32, #tpu.memory_space<vmem>> -> memref<1x64x128xf32, #tpu.memory_space<vmem>>
    %dma_wait3A_82 = tpu.memref_squeeze %dma_wait3A_81 : memref<1x64x128xf32, #tpu.memory_space<vmem>> -> memref<64x128xf32, #tpu.memory_space<vmem>>
    %dma_wait3A_83 = arith.constant 0 : i32
    %dma_wait3A_84 = arith.constant 0 : i32
    %dma_wait3A_85 = tpu.memref_slice %arg15[%dma_wait3A_83, %dma_wait3A_84] : memref<10240x128xf32, #tpu.memory_space<vmem_shared>> -> memref<10240x128xf32, #tpu.memory_space<vmem_shared>>
    tpu.wait_indirect_dma semaphore(%arg29 : memref<!tpu.dma_semaphore, #tpu.memory_space<semaphore_mem>>) src(%dma_wait3A_82 : memref<64x128xf32, #tpu.memory_space<vmem>>) dst(%dma_wait3A_85 : memref<10240x128xf32, #tpu.memory_space<vmem_shared>>)
    %dma_wait3A_86 = arith.constant 2 : i32
    %dma_wait3A_87 = arith.constant 0 : i32
    %dma_wait3A_88 = arith.constant 0 : i32
    %dma_wait3A_89 = tpu.memref_slice %arg14[%dma_wait3A_86, %dma_wait3A_87, %dma_wait3A_88] : memref<4x64x128xf32, #tpu.memory_space<vmem>> -> memref<1x64x128xf32, #tpu.memory_space<vmem>>
    %dma_wait3A_90 = tpu.memref_squeeze %dma_wait3A_89 : memref<1x64x128xf32, #tpu.memory_space<vmem>> -> memref<64x128xf32, #tpu.memory_space<vmem>>
    %dma_wait3A_91 = arith.constant 0 : i32
    %dma_wait3A_92 = arith.constant 0 : i32
    %dma_wait3A_93 = tpu.memref_slice %arg15[%dma_wait3A_91, %dma_wait3A_92] : memref<10240x128xf32, #tpu.memory_space<vmem_shared>> -> memref<10240x128xf32, #tpu.memory_space<vmem_shared>>
    tpu.wait_indirect_dma semaphore(%arg30 : memref<!tpu.dma_semaphore, #tpu.memory_space<semaphore_mem>>) src(%dma_wait3A_90 : memref<64x128xf32, #tpu.memory_space<vmem>>) dst(%dma_wait3A_93 : memref<10240x128xf32, #tpu.memory_space<vmem_shared>>)
    %dma_wait3A_94 = arith.constant 3 : i32
    %dma_wait3A_95 = arith.constant 0 : i32
    %dma_wait3A_96 = arith.constant 0 : i32
    %dma_wait3A_97 = tpu.memref_slice %arg14[%dma_wait3A_94, %dma_wait3A_95, %dma_wait3A_96] : memref<4x64x128xf32, #tpu.memory_space<vmem>> -> memref<1x64x128xf32, #tpu.memory_space<vmem>>
    %dma_wait3A_98 = tpu.memref_squeeze %dma_wait3A_97 : memref<1x64x128xf32, #tpu.memory_space<vmem>> -> memref<64x128xf32, #tpu.memory_space<vmem>>
    %dma_wait3A_99 = arith.constant 0 : i32
    %dma_wait3A_100 = arith.constant 0 : i32
    %dma_wait3A_101 = tpu.memref_slice %arg15[%dma_wait3A_99, %dma_wait3A_100] : memref<10240x128xf32, #tpu.memory_space<vmem_shared>> -> memref<10240x128xf32, #tpu.memory_space<vmem_shared>>
    tpu.wait_indirect_dma semaphore(%arg31 : memref<!tpu.dma_semaphore, #tpu.memory_space<semaphore_mem>>) src(%dma_wait3A_98 : memref<64x128xf32, #tpu.memory_space<vmem>>) dst(%dma_wait3A_101 : memref<10240x128xf32, #tpu.memory_space<vmem_shared>>)
    %while3A = arith.constant 156 : i32
    %while3A_102 = arith.constant 0 : i32
    %while3A_103 = arith.subi %add3A_8, %while3A : i32
    %while3A_104 = arith.addi %while3A, %while3A_103 : i32
    %while3A_105 = arith.constant 1 : i32
    %while3A_106 = arith.divsi %while3A_103, %while3A_105 : i32
    %while3A_107 = arith.muli %while3A_106, %while3A_105 : i32
    %while3A_108 = arith.addi %while3A, %while3A_107 : i32
    %while3A_109 = arith.constant 1 : i32
    %while3A_110 = scf.for %while3A_116 = %while3A to %while3A_108 step %while3A_109 iter_args(%while3A_117 = %while3A_102) -> (i32)  : i32 {
      %add3A_118 = arith.addi %add3A_4, %while3A_116 : i32
      %mul3A_119 = arith.constant 64 : i32
      %mul3A_120 = arith.muli %add3A_118, %mul3A_119 : i32
      %dma_start3A = tpu.memref_slice %arg2[%mul3A_120] : memref<320000xi32, #tpu.memory_space<hbm>> -> memref<64xi32, #tpu.memory_space<hbm>>
      %dma_start3A_121 = tpu.memref_slice %arg2[%mul3A_120] : memref<320000xi32, #tpu.memory_space<hbm>> -> memref<64xi32, #tpu.memory_space<hbm>>
      tpu.enqueue_dma source(%dma_start3A_121 : memref<64xi32, #tpu.memory_space<hbm>>) target(%arg6 : memref<64xi32, #tpu.memory_space<vmem>>) target_semaphore(%arg16 : memref<!tpu.dma_semaphore, #tpu.memory_space<semaphore_mem>>)
      %dma_wait3A_122 = tpu.memref_slice %arg2[%mul3A_120] : memref<320000xi32, #tpu.memory_space<hbm>> -> memref<64xi32, #tpu.memory_space<hbm>>
      %dma_wait3A_123 = tpu.memref_slice %arg2[%mul3A_120] : memref<320000xi32, #tpu.memory_space<hbm>> -> memref<64xi32, #tpu.memory_space<hbm>>
      tpu.wait_dma2 semaphore(%arg16 : memref<!tpu.dma_semaphore, #tpu.memory_space<semaphore_mem>>) src(%dma_wait3A_123 : memref<64xi32, #tpu.memory_space<hbm>>) dst(%arg6 : memref<64xi32, #tpu.memory_space<vmem>>)
      %dma_start3A_124 = tpu.memref_slice %arg3[%mul3A_120] : memref<320000xi32, #tpu.memory_space<hbm>> -> memref<64xi32, #tpu.memory_space<hbm>>
      %dma_start3A_125 = tpu.memref_slice %arg3[%mul3A_120] : memref<320000xi32, #tpu.memory_space<hbm>> -> memref<64xi32, #tpu.memory_space<hbm>>
      tpu.enqueue_dma source(%dma_start3A_125 : memref<64xi32, #tpu.memory_space<hbm>>) target(%arg10 : memref<64xi32, #tpu.memory_space<vmem>>) target_semaphore(%arg20 : memref<!tpu.dma_semaphore, #tpu.memory_space<semaphore_mem>>)
      %dma_wait3A_126 = tpu.memref_slice %arg3[%mul3A_120] : memref<320000xi32, #tpu.memory_space<hbm>> -> memref<64xi32, #tpu.memory_space<hbm>>
      %dma_wait3A_127 = tpu.memref_slice %arg3[%mul3A_120] : memref<320000xi32, #tpu.memory_space<hbm>> -> memref<64xi32, #tpu.memory_space<hbm>>
      tpu.wait_dma2 semaphore(%arg20 : memref<!tpu.dma_semaphore, #tpu.memory_space<semaphore_mem>>) src(%dma_wait3A_127 : memref<64xi32, #tpu.memory_space<hbm>>) dst(%arg10 : memref<64xi32, #tpu.memory_space<vmem>>)
      %dma_start3A_128 = arith.constant 0 : i32
      %dma_start3A_129 = arith.constant 0 : i32
      %dma_start3A_130 = arith.constant 0 : i32
      %dma_start3A_131 = tpu.memref_slice %arg14[%dma_start3A_128, %dma_start3A_129, %dma_start3A_130] : memref<4x64x128xf32, #tpu.memory_space<vmem>> -> memref<1x64x128xf32, #tpu.memory_space<vmem>>
      %dma_start3A_132 = tpu.memref_squeeze %dma_start3A_131 : memref<1x64x128xf32, #tpu.memory_space<vmem>> -> memref<64x128xf32, #tpu.memory_space<vmem>>
      %dma_start3A_133 = arith.constant 0 : i32
      %dma_start3A_134 = arith.constant 0 : i32
      %dma_start3A_135 = tpu.memref_slice %arg4[%dma_start3A_133, %dma_start3A_134] : memref<10240x128xf32, #tpu.memory_space<hbm>> -> memref<10240x128xf32, #tpu.memory_space<hbm>>
      tpu.enqueue_indirect_dma source(%dma_start3A_135 : memref<10240x128xf32, #tpu.memory_space<hbm>>) target(%dma_start3A_132 : memref<64x128xf32, #tpu.memory_space<vmem>>) offsets(%arg6 : memref<64xi32, #tpu.memory_space<vmem>>) semaphore(%arg24 : memref<!tpu.dma_semaphore, #tpu.memory_space<semaphore_mem>>)
      %dma_wait3A_136 = arith.constant 0 : i32
      %dma_wait3A_137 = arith.constant 0 : i32
      %dma_wait3A_138 = arith.constant 0 : i32
      %dma_wait3A_139 = tpu.memref_slice %arg14[%dma_wait3A_136, %dma_wait3A_137, %dma_wait3A_138] : memref<4x64x128xf32, #tpu.memory_space<vmem>> -> memref<1x64x128xf32, #tpu.memory_space<vmem>>
      %dma_wait3A_140 = tpu.memref_squeeze %dma_wait3A_139 : memref<1x64x128xf32, #tpu.memory_space<vmem>> -> memref<64x128xf32, #tpu.memory_space<vmem>>
      %dma_wait3A_141 = arith.constant 0 : i32
      %dma_wait3A_142 = arith.constant 0 : i32
      %dma_wait3A_143 = tpu.memref_slice %arg4[%dma_wait3A_141, %dma_wait3A_142] : memref<10240x128xf32, #tpu.memory_space<hbm>> -> memref<10240x128xf32, #tpu.memory_space<hbm>>
      tpu.wait_indirect_dma semaphore(%arg24 : memref<!tpu.dma_semaphore, #tpu.memory_space<semaphore_mem>>) src(%dma_wait3A_143 : memref<10240x128xf32, #tpu.memory_space<hbm>>) dst(%dma_wait3A_140 : memref<64x128xf32, #tpu.memory_space<vmem>>)
      %run_scoped3A_144 = arith.constant 0 : i32
      "tpu.region"() ({
        %run_scoped3A_146 = tpu.sem_alloc : memref<!tpu.dma_semaphore, #tpu.memory_space<semaphore_mem>>
        %dma_start3A_147 = arith.constant 0 : i32
        %dma_start3A_148 = arith.constant 0 : i32
        %dma_start3A_149 = tpu.memref_slice %arg14[%run_scoped3A_144, %dma_start3A_147, %dma_start3A_148] : memref<4x64x128xf32, #tpu.memory_space<vmem>> -> memref<1x64x128xf32, #tpu.memory_space<vmem>>
        %dma_start3A_150 = tpu.memref_squeeze %dma_start3A_149 : memref<1x64x128xf32, #tpu.memory_space<vmem>> -> memref<64x128xf32, #tpu.memory_space<vmem>>
        %dma_start3A_151 = arith.constant 0 : i32
        %dma_start3A_152 = arith.constant 0 : i32
        %dma_start3A_153 = tpu.memref_slice %arg15[%dma_start3A_151, %dma_start3A_152] : memref<10240x128xf32, #tpu.memory_space<vmem_shared>> -> memref<10240x128xf32, #tpu.memory_space<vmem_shared>>
        tpu.enqueue_indirect_dma source(%dma_start3A_150 : memref<64x128xf32, #tpu.memory_space<vmem>>) target(%dma_start3A_153 : memref<10240x128xf32, #tpu.memory_space<vmem_shared>>) offsets(%arg10 : memref<64xi32, #tpu.memory_space<vmem>>) semaphore(%run_scoped3A_146 : memref<!tpu.dma_semaphore, #tpu.memory_space<semaphore_mem>>) {add = true}
        %dma_wait3A_154 = arith.constant 0 : i32
        %dma_wait3A_155 = arith.constant 0 : i32
        %dma_wait3A_156 = tpu.memref_slice %arg14[%run_scoped3A_144, %dma_wait3A_154, %dma_wait3A_155] : memref<4x64x128xf32, #tpu.memory_space<vmem>> -> memref<1x64x128xf32, #tpu.memory_space<vmem>>
        %dma_wait3A_157 = tpu.memref_squeeze %dma_wait3A_156 : memref<1x64x128xf32, #tpu.memory_space<vmem>> -> memref<64x128xf32, #tpu.memory_space<vmem>>
        %dma_wait3A_158 = arith.constant 0 : i32
        %dma_wait3A_159 = arith.constant 0 : i32
        %dma_wait3A_160 = tpu.memref_slice %arg15[%dma_wait3A_158, %dma_wait3A_159] : memref<10240x128xf32, #tpu.memory_space<vmem_shared>> -> memref<10240x128xf32, #tpu.memory_space<vmem_shared>>
        tpu.wait_indirect_dma semaphore(%run_scoped3A_146 : memref<!tpu.dma_semaphore, #tpu.memory_space<semaphore_mem>>) src(%dma_wait3A_157 : memref<64x128xf32, #tpu.memory_space<vmem>>) dst(%dma_wait3A_160 : memref<10240x128xf32, #tpu.memory_space<vmem_shared>>)
        tpu.yield
      }) : () -> ()
      %while3A_145 = arith.constant 0 : i32
      scf.yield %while3A_145 : i32
    }
    %while3A_111 = arith.constant 1 : i32
    %while3A_112 = scf.for %while3A_116 = %while3A_108 to %while3A_104 step %while3A_111 iter_args(%while3A_117 = %while3A_110) -> (i32)  : i32 {
      %add3A_118 = arith.addi %add3A_4, %while3A_116 : i32
      %mul3A_119 = arith.constant 64 : i32
      %mul3A_120 = arith.muli %add3A_118, %mul3A_119 : i32
      %dma_start3A = tpu.memref_slice %arg2[%mul3A_120] : memref<320000xi32, #tpu.memory_space<hbm>> -> memref<64xi32, #tpu.memory_space<hbm>>
      %dma_start3A_121 = tpu.memref_slice %arg2[%mul3A_120] : memref<320000xi32, #tpu.memory_space<hbm>> -> memref<64xi32, #tpu.memory_space<hbm>>
      tpu.enqueue_dma source(%dma_start3A_121 : memref<64xi32, #tpu.memory_space<hbm>>) target(%arg6 : memref<64xi32, #tpu.memory_space<vmem>>) target_semaphore(%arg16 : memref<!tpu.dma_semaphore, #tpu.memory_space<semaphore_mem>>)
      %dma_wait3A_122 = tpu.memref_slice %arg2[%mul3A_120] : memref<320000xi32, #tpu.memory_space<hbm>> -> memref<64xi32, #tpu.memory_space<hbm>>
      %dma_wait3A_123 = tpu.memref_slice %arg2[%mul3A_120] : memref<320000xi32, #tpu.memory_space<hbm>> -> memref<64xi32, #tpu.memory_space<hbm>>
      tpu.wait_dma2 semaphore(%arg16 : memref<!tpu.dma_semaphore, #tpu.memory_space<semaphore_mem>>) src(%dma_wait3A_123 : memref<64xi32, #tpu.memory_space<hbm>>) dst(%arg6 : memref<64xi32, #tpu.memory_space<vmem>>)
      %dma_start3A_124 = tpu.memref_slice %arg3[%mul3A_120] : memref<320000xi32, #tpu.memory_space<hbm>> -> memref<64xi32, #tpu.memory_space<hbm>>
      %dma_start3A_125 = tpu.memref_slice %arg3[%mul3A_120] : memref<320000xi32, #tpu.memory_space<hbm>> -> memref<64xi32, #tpu.memory_space<hbm>>
      tpu.enqueue_dma source(%dma_start3A_125 : memref<64xi32, #tpu.memory_space<hbm>>) target(%arg10 : memref<64xi32, #tpu.memory_space<vmem>>) target_semaphore(%arg20 : memref<!tpu.dma_semaphore, #tpu.memory_space<semaphore_mem>>)
      %dma_wait3A_126 = tpu.memref_slice %arg3[%mul3A_120] : memref<320000xi32, #tpu.memory_space<hbm>> -> memref<64xi32, #tpu.memory_space<hbm>>
      %dma_wait3A_127 = tpu.memref_slice %arg3[%mul3A_120] : memref<320000xi32, #tpu.memory_space<hbm>> -> memref<64xi32, #tpu.memory_space<hbm>>
      tpu.wait_dma2 semaphore(%arg20 : memref<!tpu.dma_semaphore, #tpu.memory_space<semaphore_mem>>) src(%dma_wait3A_127 : memref<64xi32, #tpu.memory_space<hbm>>) dst(%arg10 : memref<64xi32, #tpu.memory_space<vmem>>)
      %dma_start3A_128 = arith.constant 0 : i32
      %dma_start3A_129 = arith.constant 0 : i32
      %dma_start3A_130 = arith.constant 0 : i32
      %dma_start3A_131 = tpu.memref_slice %arg14[%dma_start3A_128, %dma_start3A_129, %dma_start3A_130] : memref<4x64x128xf32, #tpu.memory_space<vmem>> -> memref<1x64x128xf32, #tpu.memory_space<vmem>>
      %dma_start3A_132 = tpu.memref_squeeze %dma_start3A_131 : memref<1x64x128xf32, #tpu.memory_space<vmem>> -> memref<64x128xf32, #tpu.memory_space<vmem>>
      %dma_start3A_133 = arith.constant 0 : i32
      %dma_start3A_134 = arith.constant 0 : i32
      %dma_start3A_135 = tpu.memref_slice %arg4[%dma_start3A_133, %dma_start3A_134] : memref<10240x128xf32, #tpu.memory_space<hbm>> -> memref<10240x128xf32, #tpu.memory_space<hbm>>
      tpu.enqueue_indirect_dma source(%dma_start3A_135 : memref<10240x128xf32, #tpu.memory_space<hbm>>) target(%dma_start3A_132 : memref<64x128xf32, #tpu.memory_space<vmem>>) offsets(%arg6 : memref<64xi32, #tpu.memory_space<vmem>>) semaphore(%arg24 : memref<!tpu.dma_semaphore, #tpu.memory_space<semaphore_mem>>)
      %dma_wait3A_136 = arith.constant 0 : i32
      %dma_wait3A_137 = arith.constant 0 : i32
      %dma_wait3A_138 = arith.constant 0 : i32
      %dma_wait3A_139 = tpu.memref_slice %arg14[%dma_wait3A_136, %dma_wait3A_137, %dma_wait3A_138] : memref<4x64x128xf32, #tpu.memory_space<vmem>> -> memref<1x64x128xf32, #tpu.memory_space<vmem>>
      %dma_wait3A_140 = tpu.memref_squeeze %dma_wait3A_139 : memref<1x64x128xf32, #tpu.memory_space<vmem>> -> memref<64x128xf32, #tpu.memory_space<vmem>>
      %dma_wait3A_141 = arith.constant 0 : i32
      %dma_wait3A_142 = arith.constant 0 : i32
      %dma_wait3A_143 = tpu.memref_slice %arg4[%dma_wait3A_141, %dma_wait3A_142] : memref<10240x128xf32, #tpu.memory_space<hbm>> -> memref<10240x128xf32, #tpu.memory_space<hbm>>
      tpu.wait_indirect_dma semaphore(%arg24 : memref<!tpu.dma_semaphore, #tpu.memory_space<semaphore_mem>>) src(%dma_wait3A_143 : memref<10240x128xf32, #tpu.memory_space<hbm>>) dst(%dma_wait3A_140 : memref<64x128xf32, #tpu.memory_space<vmem>>)
      %run_scoped3A_144 = arith.constant 0 : i32
      "tpu.region"() ({
        %run_scoped3A_146 = tpu.sem_alloc : memref<!tpu.dma_semaphore, #tpu.memory_space<semaphore_mem>>
        %dma_start3A_147 = arith.constant 0 : i32
        %dma_start3A_148 = arith.constant 0 : i32
        %dma_start3A_149 = tpu.memref_slice %arg14[%run_scoped3A_144, %dma_start3A_147, %dma_start3A_148] : memref<4x64x128xf32, #tpu.memory_space<vmem>> -> memref<1x64x128xf32, #tpu.memory_space<vmem>>
        %dma_start3A_150 = tpu.memref_squeeze %dma_start3A_149 : memref<1x64x128xf32, #tpu.memory_space<vmem>> -> memref<64x128xf32, #tpu.memory_space<vmem>>
        %dma_start3A_151 = arith.constant 0 : i32
        %dma_start3A_152 = arith.constant 0 : i32
        %dma_start3A_153 = tpu.memref_slice %arg15[%dma_start3A_151, %dma_start3A_152] : memref<10240x128xf32, #tpu.memory_space<vmem_shared>> -> memref<10240x128xf32, #tpu.memory_space<vmem_shared>>
        tpu.enqueue_indirect_dma source(%dma_start3A_150 : memref<64x128xf32, #tpu.memory_space<vmem>>) target(%dma_start3A_153 : memref<10240x128xf32, #tpu.memory_space<vmem_shared>>) offsets(%arg10 : memref<64xi32, #tpu.memory_space<vmem>>) semaphore(%run_scoped3A_146 : memref<!tpu.dma_semaphore, #tpu.memory_space<semaphore_mem>>) {add = true}
        %dma_wait3A_154 = arith.constant 0 : i32
        %dma_wait3A_155 = arith.constant 0 : i32
        %dma_wait3A_156 = tpu.memref_slice %arg14[%run_scoped3A_144, %dma_wait3A_154, %dma_wait3A_155] : memref<4x64x128xf32, #tpu.memory_space<vmem>> -> memref<1x64x128xf32, #tpu.memory_space<vmem>>
        %dma_wait3A_157 = tpu.memref_squeeze %dma_wait3A_156 : memref<1x64x128xf32, #tpu.memory_space<vmem>> -> memref<64x128xf32, #tpu.memory_space<vmem>>
        %dma_wait3A_158 = arith.constant 0 : i32
        %dma_wait3A_159 = arith.constant 0 : i32
        %dma_wait3A_160 = tpu.memref_slice %arg15[%dma_wait3A_158, %dma_wait3A_159] : memref<10240x128xf32, #tpu.memory_space<vmem_shared>> -> memref<10240x128xf32, #tpu.memory_space<vmem_shared>>
        tpu.wait_indirect_dma semaphore(%run_scoped3A_146 : memref<!tpu.dma_semaphore, #tpu.memory_space<semaphore_mem>>) src(%dma_wait3A_157 : memref<64x128xf32, #tpu.memory_space<vmem>>) dst(%dma_wait3A_160 : memref<10240x128xf32, #tpu.memory_space<vmem_shared>>)
        tpu.yield
      }) : () -> ()
      %while3A_145 = arith.constant 0 : i32
      scf.yield %while3A_145 : i32
    }
    %barrier3A_113 = arith.constant 0 : index
    tpu.barrier barrier_id(%barrier3A_113)
    %mul3A_114 = arith.constant 640 : i32
    %mul3A_115 = arith.muli %arg1, %mul3A_114 : i32
    "tpu.region"() ({
      %run_scoped3A_116 = tpu.sem_alloc : memref<!tpu.dma_semaphore, #tpu.memory_space<semaphore_mem>>
      %dma_start3A = arith.constant 0 : i32
      %dma_start3A_117 = tpu.memref_slice %arg5[%arg0, %mul3A_115, %dma_start3A] : memref<2x10240x128xf32, #tpu.memory_space<hbm>> -> memref<1x640x128xf32, #tpu.memory_space<hbm>>
      %dma_start3A_118 = tpu.memref_squeeze %dma_start3A_117 : memref<1x640x128xf32, #tpu.memory_space<hbm>> -> memref<640x128xf32, #tpu.memory_space<hbm>>
      %dma_start3A_119 = arith.constant 0 : i32
      %dma_start3A_120 = tpu.memref_slice %arg15[%mul3A_115, %dma_start3A_119] : memref<10240x128xf32, #tpu.memory_space<vmem_shared>> -> memref<640x128xf32, #tpu.memory_space<vmem_shared>>
      tpu.enqueue_dma source(%dma_start3A_120 : memref<640x128xf32, #tpu.memory_space<vmem_shared>>) target(%dma_start3A_118 : memref<640x128xf32, #tpu.memory_space<hbm>>) target_semaphore(%run_scoped3A_116 : memref<!tpu.dma_semaphore, #tpu.memory_space<semaphore_mem>>)
      %dma_wait3A_121 = arith.constant 0 : i32
      %dma_wait3A_122 = tpu.memref_slice %arg5[%arg0, %mul3A_115, %dma_wait3A_121] : memref<2x10240x128xf32, #tpu.memory_space<hbm>> -> memref<1x640x128xf32, #tpu.memory_space<hbm>>
      %dma_wait3A_123 = tpu.memref_squeeze %dma_wait3A_122 : memref<1x640x128xf32, #tpu.memory_space<hbm>> -> memref<640x128xf32, #tpu.memory_space<hbm>>
      %dma_wait3A_124 = arith.constant 0 : i32
      %dma_wait3A_125 = tpu.memref_slice %arg15[%mul3A_115, %dma_wait3A_124] : memref<10240x128xf32, #tpu.memory_space<vmem_shared>> -> memref<640x128xf32, #tpu.memory_space<vmem_shared>>
      tpu.wait_dma2 semaphore(%run_scoped3A_116 : memref<!tpu.dma_semaphore, #tpu.memory_space<semaphore_mem>>) src(%dma_wait3A_125 : memref<640x128xf32, #tpu.memory_space<vmem_shared>>) dst(%dma_wait3A_123 : memref<640x128xf32, #tpu.memory_space<hbm>>)
      tpu.yield
    }) : () -> ()
    return
  }
}

module attributes {stable_mosaic.version = 14 : i64} {
  func.func @body(%arg0: i32, %arg1: memref<1024x128xf32, #tpu.memory_space<vmem>>, %arg2: memref<128x128xf32, #tpu.memory_space<vmem>>, %arg3: memref<1024x128xf32, #tpu.memory_space<vmem>>) attributes {dimension_semantics = [#tpu.dimension_semantics<arbitrary>], iteration_bounds = array<i64: 10>, scalar_prefetch = 0 : i64, scratch_operands = 0 : i64, tpu.core_type = #tpu.core_type<tc>, window_params = [{transform_indices = @transform_0, window_bounds = array<i64: 1024, 128>}, {pipeline_mode = #tpu.pipeline_mode<synchronous>, transform_indices = @transform_1, window_bounds = array<i64: 128, 128>}, {transform_indices = @transform_2, window_bounds = array<i64: 1024, 128>}]} {
    %get3A = arith.constant 0 : index
    %get3A_0 = arith.constant 0 : index
    %get3A_1 = vector.load %arg1[%get3A, %get3A_0] : memref<1024x128xf32, #tpu.memory_space<vmem>>, vector<1024x128xf32>
    %get3A_2 = arith.constant 0 : index
    %get3A_3 = arith.constant 0 : index
    %get3A_4 = vector.load %arg2[%get3A_2, %get3A_3] : memref<128x128xf32, #tpu.memory_space<vmem>>, vector<128x128xf32>
    %dot_general3A = arith.constant dense<0.000000e+00> : vector<1024x128xf32>
    %dot_general3A_5 = tpu.matmul %get3A_1, %get3A_4, %dot_general3A {dimension_numbers = #tpu.dot_dimension_numbers<[1], [1], [0], [0], [0, 0, 1, 0], [], []>, transpose_lhs_hint = false} : vector<1024x128xf32>, vector<128x128xf32>, vector<1024x128xf32> -> vector<1024x128xf32>
    %swap3A = arith.constant 0 : index
    %swap3A_6 = arith.constant 0 : index
    %swap3A_7 = vector.load %arg3[%swap3A, %swap3A_6] : memref<1024x128xf32, #tpu.memory_space<vmem>>, vector<1024x128xf32>
    tpu.vector_store %arg3[%swap3A, %swap3A_6], %dot_general3A_5 {strides = array<i32>} : memref<1024x128xf32, #tpu.memory_space<vmem>>, vector<1024x128xf32>,
    return
  }
  func.func @transform_0(%arg0: i32) -> (i32, i32) {
    %c0_i32 = arith.constant 0 : i32
    %c0_i32_0 = arith.constant 0 : i32
    return %arg0, %c0_i32 : i32, i32
  }
  func.func @transform_1(%arg0: i32) -> (i32, i32) {
    %c0_i32 = arith.constant 0 : i32
    %c0_i32_0 = arith.constant 0 : i32
    %c0_i32_1 = arith.constant 0 : i32
    return %c0_i32, %c0_i32_0 : i32, i32
  }
  func.func @transform_2(%arg0: i32) -> (i32, i32) {
    %c0_i32 = arith.constant 0 : i32
    %c0_i32_0 = arith.constant 0 : i32
    return %arg0, %c0_i32 : i32, i32
  }
}

module attributes {stable_mosaic.version = 14 : i64} {
  func.func @body(%arg0: i32, %arg1: memref<1x1024x128xf32, #tpu.memory_space<vmem>>, %arg2: memref<1x1024x128xf32, #tpu.memory_space<vmem>>, %arg3: memref<1x1x1024x1xf32, #tpu.memory_space<vmem>>, %arg4: memref<1x1x1024x1xf32, #tpu.memory_space<vmem>>, %arg5: memref<1024x128xf32, #tpu.memory_space<vmem>>, %arg6: memref<128x128xf32, #tpu.memory_space<vmem>>, %arg7: memref<1x128xf32, #tpu.memory_space<vmem>>, %arg8: memref<1024x128xf32, #tpu.memory_space<vmem>>) attributes {dimension_semantics = [#tpu.dimension_semantics<arbitrary>], iteration_bounds = array<i64: 10>, scalar_prefetch = 0 : i64, scratch_operands = 0 : i64, tpu.core_type = #tpu.core_type<tc>, window_params = [{transform_indices = @transform_0, window_bounds = array<i64: 1, 1024, 128>}, {transform_indices = @transform_1, window_bounds = array<i64: 1, 1024, 128>}, {transform_indices = @transform_2, window_bounds = array<i64: 1, 1, 1024, 1>}, {transform_indices = @transform_3, window_bounds = array<i64: 1, 1, 1024, 1>}, {transform_indices = @transform_4, window_bounds = array<i64: 1024, 128>}, {pipeline_mode = #tpu.pipeline_mode<synchronous>, transform_indices = @transform_5, window_bounds = array<i64: 128, 128>}, {pipeline_mode = #tpu.pipeline_mode<synchronous>, transform_indices = @transform_6, window_bounds = array<i64: 1, 128>}, {transform_indices = @transform_7, window_bounds = array<i64: 1024, 128>}]} {
    %get3A = arith.constant 0 : index
    %get3A_0 = arith.constant 0 : index
    %get3A_1 = arith.constant 0 : index
    %get3A_2 = arith.constant 0 : index
    %get3A_3 = vector.load %arg3[%get3A, %get3A_0, %get3A_1, %get3A_2] : memref<1x1x1024x1xf32, #tpu.memory_space<vmem>>, vector<1x1x1024x1xf32>
    %get3A_4 = vector.shape_cast %get3A_3 : vector<1x1x1024x1xf32> to vector<1024x1xf32>
    %get3A_5 = arith.constant 0 : index
    %get3A_6 = arith.constant 0 : index
    %get3A_7 = arith.constant 0 : index
    %get3A_8 = arith.constant 0 : index
    %get3A_9 = vector.load %arg4[%get3A_5, %get3A_6, %get3A_7, %get3A_8] : memref<1x1x1024x1xf32, #tpu.memory_space<vmem>>, vector<1x1x1024x1xf32>
    %get3A_10 = vector.shape_cast %get3A_9 : vector<1x1x1024x1xf32> to vector<1024x1xf32>
    %add3A = arith.addf %get3A_4, %get3A_10 : vector<1024x1xf32>
    %max3A = arith.constant 1.000000e+00 : f32
    %max3A_11 = vector.broadcast %max3A : f32 to vector<1024x1xf32>
    %max3A_12 = arith.maximumf %add3A, %max3A_11 : vector<1024x1xf32>
    %get3A_13 = arith.constant 0 : index
    %get3A_14 = arith.constant 0 : index
    %get3A_15 = arith.constant 0 : index
    %get3A_16 = vector.load %arg1[%get3A_13, %get3A_14, %get3A_15] : memref<1x1024x128xf32, #tpu.memory_space<vmem>>, vector<1x1024x128xf32>
    %get3A_17 = vector.shape_cast %get3A_16 : vector<1x1024x128xf32> to vector<1024x128xf32>
    %get3A_18 = arith.constant 0 : index
    %get3A_19 = arith.constant 0 : index
    %get3A_20 = arith.constant 0 : index
    %get3A_21 = vector.load %arg2[%get3A_18, %get3A_19, %get3A_20] : memref<1x1024x128xf32, #tpu.memory_space<vmem>>, vector<1x1024x128xf32>
    %get3A_22 = vector.shape_cast %get3A_21 : vector<1x1024x128xf32> to vector<1024x128xf32>
    %add3A_23 = arith.addf %get3A_17, %get3A_22 : vector<1024x128xf32>
    %div3A = vector.broadcast %max3A_12 : vector<1024x1xf32> to vector<1024x128xf32>
    %div3A_24 = arith.divf %add3A_23, %div3A : vector<1024x128xf32>
    %get3A_25 = arith.constant 0 : index
    %get3A_26 = arith.constant 0 : index
    %get3A_27 = vector.load %arg6[%get3A_25, %get3A_26] : memref<128x128xf32, #tpu.memory_space<vmem>>, vector<128x128xf32>
    %dot_general3A = arith.constant dense<0.000000e+00> : vector<1024x128xf32>
    %dot_general3A_28 = tpu.matmul %div3A_24, %get3A_27, %dot_general3A {dimension_numbers = #tpu.dot_dimension_numbers<[1], [1], [0], [0], [0, 0, 1, 0], [], []>, transpose_lhs_hint = false} : vector<1024x128xf32>, vector<128x128xf32>, vector<1024x128xf32> -> vector<1024x128xf32>
    %get3A_29 = arith.constant 0 : index
    %get3A_30 = arith.constant 0 : index
    %get3A_31 = vector.load %arg5[%get3A_29, %get3A_30] : memref<1024x128xf32, #tpu.memory_space<vmem>>, vector<1024x128xf32>
    %add3A_32 = arith.addf %dot_general3A_28, %get3A_31 : vector<1024x128xf32>
    %get3A_33 = arith.constant 0 : index
    %get3A_34 = arith.constant 0 : index
    %get3A_35 = vector.load %arg7[%get3A_33, %get3A_34] : memref<1x128xf32, #tpu.memory_space<vmem>>, vector<1x128xf32>
    %add3A_36 = vector.broadcast %get3A_35 : vector<1x128xf32> to vector<1024x128xf32>
    %add3A_37 = arith.addf %add3A_32, %add3A_36 : vector<1024x128xf32>
    %max3A_38 = arith.constant 0.000000e+00 : f32
    %max3A_39 = vector.broadcast %max3A_38 : f32 to vector<1024x128xf32>
    %max3A_40 = arith.maximumf %add3A_37, %max3A_39 : vector<1024x128xf32>
    %swap3A = arith.constant 0 : index
    %swap3A_41 = arith.constant 0 : index
    %swap3A_42 = vector.load %arg8[%swap3A, %swap3A_41] : memref<1024x128xf32, #tpu.memory_space<vmem>>, vector<1024x128xf32>
    tpu.vector_store %arg8[%swap3A, %swap3A_41], %max3A_40 {strides = array<i32>} : memref<1024x128xf32, #tpu.memory_space<vmem>>, vector<1024x128xf32>,
    return
  }
  func.func @transform_0(%arg0: i32) -> (i32, i32, i32) {
    %c0_i32 = arith.constant 0 : i32
    %c0_i32_0 = arith.constant 0 : i32
    %c0_i32_1 = arith.constant 0 : i32
    return %c0_i32, %arg0, %c0_i32_0 : i32, i32, i32
  }
  func.func @transform_1(%arg0: i32) -> (i32, i32, i32) {
    %c1_i32 = arith.constant 1 : i32
    %c0_i32 = arith.constant 0 : i32
    %c0_i32_0 = arith.constant 0 : i32
    return %c1_i32, %arg0, %c0_i32 : i32, i32, i32
  }
  func.func @transform_2(%arg0: i32) -> (i32, i32, i32, i32) {
    %c0_i32 = arith.constant 0 : i32
    %c0_i32_0 = arith.constant 0 : i32
    %c0_i32_1 = arith.constant 0 : i32
    %c0_i32_2 = arith.constant 0 : i32
    return %c0_i32, %arg0, %c0_i32_0, %c0_i32_1 : i32, i32, i32, i32
  }
  func.func @transform_3(%arg0: i32) -> (i32, i32, i32, i32) {
    %c1_i32 = arith.constant 1 : i32
    %c0_i32 = arith.constant 0 : i32
    %c0_i32_0 = arith.constant 0 : i32
    %c0_i32_1 = arith.constant 0 : i32
    return %c1_i32, %arg0, %c0_i32, %c0_i32_0 : i32, i32, i32, i32
  }
  func.func @transform_4(%arg0: i32) -> (i32, i32) {
    %c0_i32 = arith.constant 0 : i32
    %c0_i32_0 = arith.constant 0 : i32
    return %arg0, %c0_i32 : i32, i32
  }
  func.func @transform_5(%arg0: i32) -> (i32, i32) {
    %c0_i32 = arith.constant 0 : i32
    %c0_i32_0 = arith.constant 0 : i32
    %c0_i32_1 = arith.constant 0 : i32
    return %c0_i32, %c0_i32_0 : i32, i32
  }
  func.func @transform_6(%arg0: i32) -> (i32, i32) {
    %c0_i32 = arith.constant 0 : i32
    %c0_i32_0 = arith.constant 0 : i32
    %c0_i32_1 = arith.constant 0 : i32
    return %c0_i32, %c0_i32_0 : i32, i32
  }
  func.func @transform_7(%arg0: i32) -> (i32, i32) {
    %c0_i32 = arith.constant 0 : i32
    %c0_i32_0 = arith.constant 0 : i32
    return %arg0, %c0_i32 : i32, i32
  }
}

module attributes {stable_mosaic.version = 14 : i64} {
  func.func @body(%arg0: i32, %arg1: memref<1x1024x128xf32, #tpu.memory_space<vmem>>, %arg2: memref<1x1024x128xf32, #tpu.memory_space<vmem>>, %arg3: memref<1x1x1024x1xf32, #tpu.memory_space<vmem>>, %arg4: memref<1x1x1024x1xf32, #tpu.memory_space<vmem>>, %arg5: memref<1024x128xf32, #tpu.memory_space<vmem>>, %arg6: memref<128x128xf32, #tpu.memory_space<vmem>>, %arg7: memref<1x128xf32, #tpu.memory_space<vmem>>, %arg8: memref<1024x128xf32, #tpu.memory_space<vmem>>) attributes {dimension_semantics = [#tpu.dimension_semantics<arbitrary>], iteration_bounds = array<i64: 10>, scalar_prefetch = 0 : i64, scratch_operands = 0 : i64, tpu.core_type = #tpu.core_type<tc>, window_params = [{transform_indices = @transform_0, window_bounds = array<i64: 1, 1024, 128>}, {transform_indices = @transform_1, window_bounds = array<i64: 1, 1024, 128>}, {transform_indices = @transform_2, window_bounds = array<i64: 1, 1, 1024, 1>}, {transform_indices = @transform_3, window_bounds = array<i64: 1, 1, 1024, 1>}, {transform_indices = @transform_4, window_bounds = array<i64: 1024, 128>}, {pipeline_mode = #tpu.pipeline_mode<synchronous>, transform_indices = @transform_5, window_bounds = array<i64: 128, 128>}, {pipeline_mode = #tpu.pipeline_mode<synchronous>, transform_indices = @transform_6, window_bounds = array<i64: 1, 128>}, {transform_indices = @transform_7, window_bounds = array<i64: 1024, 128>}]} {
    %get3A = arith.constant 0 : index
    %get3A_0 = arith.constant 0 : index
    %get3A_1 = arith.constant 0 : index
    %get3A_2 = arith.constant 0 : index
    %get3A_3 = vector.load %arg3[%get3A, %get3A_0, %get3A_1, %get3A_2] : memref<1x1x1024x1xf32, #tpu.memory_space<vmem>>, vector<1x1x1024x1xf32>
    %get3A_4 = vector.shape_cast %get3A_3 : vector<1x1x1024x1xf32> to vector<1024x1xf32>
    %get3A_5 = arith.constant 0 : index
    %get3A_6 = arith.constant 0 : index
    %get3A_7 = arith.constant 0 : index
    %get3A_8 = arith.constant 0 : index
    %get3A_9 = vector.load %arg4[%get3A_5, %get3A_6, %get3A_7, %get3A_8] : memref<1x1x1024x1xf32, #tpu.memory_space<vmem>>, vector<1x1x1024x1xf32>
    %get3A_10 = vector.shape_cast %get3A_9 : vector<1x1x1024x1xf32> to vector<1024x1xf32>
    %add3A = arith.addf %get3A_4, %get3A_10 : vector<1024x1xf32>
    %max3A = arith.constant 1.000000e+00 : f32
    %max3A_11 = vector.broadcast %max3A : f32 to vector<1024x1xf32>
    %max3A_12 = arith.maximumf %add3A, %max3A_11 : vector<1024x1xf32>
    %get3A_13 = arith.constant 0 : index
    %get3A_14 = arith.constant 0 : index
    %get3A_15 = arith.constant 0 : index
    %get3A_16 = vector.load %arg1[%get3A_13, %get3A_14, %get3A_15] : memref<1x1024x128xf32, #tpu.memory_space<vmem>>, vector<1x1024x128xf32>
    %get3A_17 = vector.shape_cast %get3A_16 : vector<1x1024x128xf32> to vector<1024x128xf32>
    %get3A_18 = arith.constant 0 : index
    %get3A_19 = arith.constant 0 : index
    %get3A_20 = arith.constant 0 : index
    %get3A_21 = vector.load %arg2[%get3A_18, %get3A_19, %get3A_20] : memref<1x1024x128xf32, #tpu.memory_space<vmem>>, vector<1x1024x128xf32>
    %get3A_22 = vector.shape_cast %get3A_21 : vector<1x1024x128xf32> to vector<1024x128xf32>
    %add3A_23 = arith.addf %get3A_17, %get3A_22 : vector<1024x128xf32>
    %div3A = vector.broadcast %max3A_12 : vector<1024x1xf32> to vector<1024x128xf32>
    %div3A_24 = arith.divf %add3A_23, %div3A : vector<1024x128xf32>
    %get3A_25 = arith.constant 0 : index
    %get3A_26 = arith.constant 0 : index
    %get3A_27 = vector.load %arg6[%get3A_25, %get3A_26] : memref<128x128xf32, #tpu.memory_space<vmem>>, vector<128x128xf32>
    %dot_general3A = arith.constant dense<0.000000e+00> : vector<1024x128xf32>
    %dot_general3A_28 = tpu.matmul %div3A_24, %get3A_27, %dot_general3A {dimension_numbers = #tpu.dot_dimension_numbers<[1], [1], [0], [0], [0, 0, 1, 0], [], []>, transpose_lhs_hint = false} : vector<1024x128xf32>, vector<128x128xf32>, vector<1024x128xf32> -> vector<1024x128xf32>
    %get3A_29 = arith.constant 0 : index
    %get3A_30 = arith.constant 0 : index
    %get3A_31 = vector.load %arg5[%get3A_29, %get3A_30] : memref<1024x128xf32, #tpu.memory_space<vmem>>, vector<1024x128xf32>
    %add3A_32 = arith.addf %dot_general3A_28, %get3A_31 : vector<1024x128xf32>
    %get3A_33 = arith.constant 0 : index
    %get3A_34 = arith.constant 0 : index
    %get3A_35 = vector.load %arg7[%get3A_33, %get3A_34] : memref<1x128xf32, #tpu.memory_space<vmem>>, vector<1x128xf32>
    %add3A_36 = vector.broadcast %get3A_35 : vector<1x128xf32> to vector<1024x128xf32>
    %add3A_37 = arith.addf %add3A_32, %add3A_36 : vector<1024x128xf32>
    %mul3A = arith.mulf %add3A_37, %add3A_37 : vector<1024x128xf32>
    %reduce_sum3A = arith.constant dense<0.000000e+00> : vector<1024xf32>
    %reduce_sum3A_38 = vector.multi_reduction <add>, %mul3A, %reduce_sum3A [1] : vector<1024x128xf32> to vector<1024xf32>
    %broadcast_in_dim3A = vector.shape_cast %reduce_sum3A_38 : vector<1024xf32> to vector<1024x1xf32>
    %sqrt3A = math.sqrt %broadcast_in_dim3A : vector<1024x1xf32>
    %max3A_39 = arith.constant 9.99999996E-13 : f32
    %max3A_40 = vector.broadcast %max3A_39 : f32 to vector<1024x1xf32>
    %max3A_41 = arith.maximumf %sqrt3A, %max3A_40 : vector<1024x1xf32>
    %div3A_42 = vector.broadcast %max3A_41 : vector<1024x1xf32> to vector<1024x128xf32>
    %div3A_43 = arith.divf %add3A_37, %div3A_42 : vector<1024x128xf32>
    %swap3A = arith.constant 0 : index
    %swap3A_44 = arith.constant 0 : index
    %swap3A_45 = vector.load %arg8[%swap3A, %swap3A_44] : memref<1024x128xf32, #tpu.memory_space<vmem>>, vector<1024x128xf32>
    tpu.vector_store %arg8[%swap3A, %swap3A_44], %div3A_43 {strides = array<i32>} : memref<1024x128xf32, #tpu.memory_space<vmem>>, vector<1024x128xf32>,
    return
  }
  func.func @transform_0(%arg0: i32) -> (i32, i32, i32) {
    %c0_i32 = arith.constant 0 : i32
    %c0_i32_0 = arith.constant 0 : i32
    %c0_i32_1 = arith.constant 0 : i32
    return %c0_i32, %arg0, %c0_i32_0 : i32, i32, i32
  }
  func.func @transform_1(%arg0: i32) -> (i32, i32, i32) {
    %c1_i32 = arith.constant 1 : i32
    %c0_i32 = arith.constant 0 : i32
    %c0_i32_0 = arith.constant 0 : i32
    return %c1_i32, %arg0, %c0_i32 : i32, i32, i32
  }
  func.func @transform_2(%arg0: i32) -> (i32, i32, i32, i32) {
    %c0_i32 = arith.constant 0 : i32
    %c0_i32_0 = arith.constant 0 : i32
    %c0_i32_1 = arith.constant 0 : i32
    %c0_i32_2 = arith.constant 0 : i32
    return %c0_i32, %arg0, %c0_i32_0, %c0_i32_1 : i32, i32, i32, i32
  }
  func.func @transform_3(%arg0: i32) -> (i32, i32, i32, i32) {
    %c1_i32 = arith.constant 1 : i32
    %c0_i32 = arith.constant 0 : i32
    %c0_i32_0 = arith.constant 0 : i32
    %c0_i32_1 = arith.constant 0 : i32
    return %c1_i32, %arg0, %c0_i32, %c0_i32_0 : i32, i32, i32, i32
  }
  func.func @transform_4(%arg0: i32) -> (i32, i32) {
    %c0_i32 = arith.constant 0 : i32
    %c0_i32_0 = arith.constant 0 : i32
    return %arg0, %c0_i32 : i32, i32
  }
  func.func @transform_5(%arg0: i32) -> (i32, i32) {
    %c0_i32 = arith.constant 0 : i32
    %c0_i32_0 = arith.constant 0 : i32
    %c0_i32_1 = arith.constant 0 : i32
    return %c0_i32, %c0_i32_0 : i32, i32
  }
  func.func @transform_6(%arg0: i32) -> (i32, i32) {
    %c0_i32 = arith.constant 0 : i32
    %c0_i32_0 = arith.constant 0 : i32
    %c0_i32_1 = arith.constant 0 : i32
    return %c0_i32, %c0_i32_0 : i32, i32
  }
  func.func @transform_7(%arg0: i32) -> (i32, i32) {
    %c0_i32 = arith.constant 0 : i32
    %c0_i32_0 = arith.constant 0 : i32
    return %arg0, %c0_i32 : i32, i32
  }
}

</mosaic_0001>

<sc_bundles>
// kernel: kernel.11.cloned.1.call-start
scs
__scs_entry_jumppad:
0x0: {  	(pc) =	sbr.rel $0x88, $3  }
0x1: {  	(tag) =	ssettag $0x0;
	lr =	simm.s32 $0x1  }
0x2: {  	[smem:$0x3F99] =	sst lr;
	_ =	strace $0xD0000000  }
0x3: {  	_ = 	snop  }
0x4: {  	_ = 	snop  }
0x5: {  	_ = 	snop  }
0x6: {  	_ = 	snop  }
0x7: {  	_ = 	snop  }
__scs_overlays_trampoline_lowered:
0x8: {  	[smem:$0x3FA8] =	sst s0  }
0x9: {  	[smem:$0x3FA9] =	sst s1  }
0xa: {  	[smem:$0x3FAA] =	sst s2  }
0xb: {  	[smem:$0x3FAB] =	sst s3  }
0xc: {  	[smem:$0x3FAC] =	sst s4  }
0xd: {  	[smem:$0x3FAD] =	sst s5  }
0xe: {  	[smem:$0x3FAE] =	sst s6  }
0xf: {  	[smem:$0x3FAF] =	sst s7  }
0x10: {  	[smem:$0x3FB0] =	sst s8  }
0x11: {  	[smem:$0x3FB1] =	sst s9;
	s0 =	simm.s32 @!p0 $0x0  }
0x12: {  	s1 =	sld [smem:$0x3F97];
	s0 =	simm.s32 @p0 $0x1  }
0x13: {  	[smem:$0x3FB2] =	sst s0;
	s0 =	simm.s32 @!p1 $0x0  }
0x14: {  	s2 =	sld [smem:$0x3F96];
	s0 =	simm.s32 @p1 $0x1  }
0x15: {  	[smem:$0x3FB3] =	sst s0;
	s0 =	simm.s32 @!p2 $0x0  }
0x16: {  	s3 =	sld [smem:$0x3FDB];
	s0 =	simm.s32 @p2 $0x1  }
0x17: {  	s4 =	simm.s32 $0x1BF5;
	[smem:$0x3FB5] =	sst s0  }
0x18: {  	s0 =	sld [smem:$0x3F98];
	_ =	swait.ge [sflag:s4], $0x0  }
0x19: {  	s7 =	sld [smem:$0x3F99]  }
0x1a: {  	s8 =	sadd.s32 $0xFFFFE003, lr  }
0x1b: {  	s9 =	sadd.s32 $0xFFFFFEF7, lr;
	s5 =	simm.s32 $0xFFFFFFFF;
	p2 =	slt.u32 s8, $0xFFFFF086  }
0x1c: {  	p1 =	slt.u32 s9, $0xF7A;
	s5 =	simm.s32 @!p2 $0x0  }
0x1d: {  	s5 =	simm.s32 @p1 $0x1;
	p0 =	seq.s32 s7, s2  }
0x1e: {  	s7 =	smul.u32 @!p0 $0xF7A, s2;
	p2 =	seq.s32 @!p0 s5, $0x0  }
0x1f: {  	s9 =	smul.u32 $0xF7A, s1;
	s8 =	simm.s32 @!p0 $0x1BF5;
	p2 =	por !p2, p0  }
0x20: {  	[sflag:s8] =	ssyncset.s32 @!p0 $0xFFFFF086;
	s6 =	sadd.s32 @!p0 s3, s7;
	s7 =	simm.s32 @!p0 $0x108  }
0x21: {  	s3 =	sadd.s32 s3, s9;
	s6 =	sadd.s32 @!p0 $0x88, s6;
	s7 =	simm.s32 @p2 $0x1082  }
0x22: {  	[simem:s7], [sflag:s8] =	dma.local @!p0 [hbm:s6], $0xF7A  }
0x23: {  	s9 =	sor.u32 $0xD0000000, s2;
	s6 =	simm.s32 $0x108;
	_ =	swait.ge @!p0 [sflag:s8], $0x0  }
0x24: {  	s3 =	sadd.s32 $0x88, s3;
	s6 =	simm.s32 @!p1 $0x1082;
	[sflag:s4] =	ssyncset.s32 $0xFFFFF086  }
0x25: {  	[simem:s6], [sflag:s4] =	dma.local [hbm:s3], $0xF7A  }
0x26: {  	[smem:$0x3F99] =	sst s1;
	(tag) =	ssettag s2;
	_ =	strace s9  }
0x27: {  	s1 =	sld [smem:$0x3FA9]  }
0x28: {  	s2 =	sld [smem:$0x3FAA]  }
0x29: {  	s4 =	sld [smem:$0x3FAC]  }
0x2a: {  	p0 =	seq.s32 s5, $0x0;
	s5 =	sld [smem:$0x3FAD]  }
0x2b: {  	s6 =	sld [smem:$0x3FAE]  }
0x2c: {  	s7 =	sld [smem:$0x3FAF]  }
0x2d: {  	s3 =	simm.s32 $0x108;
	s8 =	sld [smem:$0x3FB0]  }
0x2e: {  	s3 =	simm.s32 @!p0 $0x1082;
	s9 =	sld [smem:$0x3FB1]  }
0x2f: {  	lr =	sadd.s32 s0, s3;
	s0 =	sld [smem:$0x3FA8]  }
0x30: {  	s3 =	sld [smem:$0x3FAB]  }
0x31: {  	[smem:$0x3FB4] =	sst s10  }
0x32: {  	s10 =	sld [smem:$0x3FB2];
	_ =	sdelay $0x3  }
0x33: {  	p0 =	seq.s32 s10, $0x1;
	s10 =	sld [smem:$0x3FB4];
	_ =	sdelay $0x3  }
0x34: {  	[smem:$0x3FB4] =	sst s10  }
0x35: {  	s10 =	sld [smem:$0x3FB3];
	_ =	sdelay $0x3  }
0x36: {  	p1 =	seq.s32 s10, $0x1;
	s10 =	sld [smem:$0x3FB4];
	_ =	sdelay $0x3  }
0x37: {  	[smem:$0x3FB4] =	sst s10  }
0x38: {  	s10 =	sld [smem:$0x3FB5]  }
0x39: {  	_ = 	snop;
	(pc) =	sbr.ind lr, $3  }
0x3a: {  	_ = 	snop  }
0x3b: {  	_ = 	snop  }
0x3c: {  	p2 =	seq.s32 s10, $0x1;
	s10 =	sld [smem:$0x3FB4]  }
0x3d: {  	_ =	shalt  }
0x3e: {  	_ =	shalt  }
0x3f: {  	_ =	shalt  }
0x40: {  	_ =	shalt  }
0x41: {  	_ =	shalt  }
0x42: {  	_ =	shalt  }
0x43: {  	_ =	shalt  }
0x44: {  	_ =	shalt  }
0x45: {  	_ =	shalt  }
0x46: {  	_ =	shalt  }
0x47: {  	_ =	shalt  }
0x48: {  	_ =	shalt  }
0x49: {  	_ =	shalt  }
0x4a: {  	_ =	shalt  }
0x4b: {  	_ =	shalt  }
0x4c: {  	_ =	shalt  }
0x4d: {  	_ =	shalt  }
0x4e: {  	_ =	shalt  }
0x4f: {  	_ =	shalt  }
0x50: {  	_ =	shalt  }
0x51: {  	_ =	shalt  }
0x52: {  	_ =	shalt  }
0x53: {  	_ =	shalt  }
0x54: {  	_ =	shalt  }
0x55: {  	_ =	shalt  }
0x56: {  	_ =	shalt  }
0x57: {  	_ =	shalt  }
0x58: {  	_ =	shalt  }
0x59: {  	_ =	shalt  }
0x5a: {  	_ =	shalt  }
0x5b: {  	_ =	shalt  }
0x5c: {  	_ =	shalt  }
0x5d: {  	_ =	shalt  }
0x5e: {  	_ =	shalt  }
0x5f: {  	_ =	shalt  }
0x60: {  	_ =	shalt  }
0x61: {  	_ =	shalt  }
0x62: {  	_ =	shalt  }
0x63: {  	_ =	shalt  }
0x64: {  	_ =	shalt  }
0x65: {  	_ =	shalt  }
0x66: {  	_ =	shalt  }
0x67: {  	_ =	shalt  }
0x68: {  	_ =	shalt  }
0x69: {  	_ =	shalt  }
0x6a: {  	_ =	shalt  }
0x6b: {  	_ =	shalt  }
0x6c: {  	_ =	shalt  }
0x6d: {  	_ =	shalt  }
0x6e: {  	_ =	shalt  }
0x6f: {  	_ =	shalt  }
0x70: {  	_ =	shalt  }
0x71: {  	_ =	shalt  }
0x72: {  	_ =	shalt  }
0x73: {  	_ =	shalt  }
0x74: {  	_ =	shalt  }
0x75: {  	_ =	shalt  }
0x76: {  	_ =	shalt  }
0x77: {  	_ =	shalt  }
0x78: {  	_ =	shalt  }
0x79: {  	_ =	shalt  }
0x7a: {  	_ =	shalt  }
0x7b: {  	_ =	shalt  }
0x7c: {  	_ =	shalt  }
0x7d: {  	_ =	shalt  }
0x7e: {  	_ =	shalt  }
0x7f: {  	_ =	shalt  }
0x80: {  	_ =	shalt  }
0x81: {  	_ =	shalt  }
0x82: {  	_ =	shalt  }
0x83: {  	_ =	shalt  }
0x84: {  	_ =	shalt  }
0x85: {  	_ =	shalt  }
0x86: {  	_ =	shalt  }
0x87: {  	_ =	shalt  }
.Lfunc_end0:
.L_simem_size_0:
called_computation.1_lowered:
.L_overlay_start_0:
0x88: {  	s2 =	sld [smem:$0x3FD9]  }
0x89: {  	s3 =	sld [smem:$0x3FFE];
	_ =	sdelay $0x1  }
0x8a: {  	s1 =	srdreg.scid  }
0x8b: {  	s0 =	sand.u32 $0x1, s1  }
0x8c: {  	s17 =	sshll.u32 s0, $0xA;
	s2 =	sadd.s32 s3, s2  }
0x8d: {  	s2 =	sadd.s32 s2, s17  }
0x8e: {  	[smem:$0x3FC0] =	sst s2  }
0x8f: {  	_ = 	snop  }
0x90: {  	s2 =	sld [smem:$0x3FD0];
	(tm) =	ssettm $0x1  }
0x91: {  	s18 =	sld [smem:$0x3FFB];
	_ =	sdelay $0x3  }
0x92: {  	_ =	strace s18  }
0x93: {  	s3 =	sld [smem:$0x3FFC];
	_ =	sdelay $0x3  }
0x94: {  	_ =	strace s3  }
0x95: {  	s3 =	sld [smem:$0x3FFD];
	_ =	sdelay $0x3  }
0x96: {  	_ =	strace s3  }
0x97: {  	_ =	strace $0x8FFFFFFF  }
0x98: {  	s19 =	sld [smem:$0x3FDB];
	_ =	sdelay $0x1  }
0x99: {  	s4 =	simm.s32 $_scs_section_size  }
0x9a: {  	s5 =	simm.s32 $_size__tile_overlayer_lowered;
	s6 =	simm.s32 $_tile_overlayer_lowered  }
0x9b: {  	s22 =	simm.s32 $0x1BFF;
	s21 =	sshll.u32 s6, $0x1;
	s3 =	sadd.s32 s4, s19  }
0x9c: {  	s7 =	simm.s32 $0x0;
	s20 =	sshll.u32 s5, $0x1;
	s5 =	sadd.s32 s21, s3  }
0x9d: {  	[timem:s7], [sflag:s22] =	dma.local [hbm:s5], s20  }
0x9e: {  	_ =	swait.ge [sflag:s22], s20  }
0x9f: {  	s4 =	ssub.s32 $0x0, s20;
	[sflag:s22] =	ssyncset.done $0x0  }
0xa0: {  	[sflag:s22] =	ssyncadd.s32 s4;
	_ =	sdelay $0x1  }
0xa1: {  	s23 =	simm.s32 $0x1B8B  }
0xa2: {  	_ =	swait.ge [sflag:s23], $0x1  }
0xa3: {  	[sflag:s23] =	ssyncset.done $0x0  }
0xa4: {  	s25 =	simm.s32 $0x1B8E;
	s24 =	sld [smem:$0x3FFE];
	[sflag:s23] =	ssyncadd.s32 $0xFFFFFFFF  }
0xa5: {  	s26 =	simm.s32 $execute0_lowered;
	[smem:$0x3FD2] =	sst s25  }
0xa6: {  	s5 =	sshll.u32 s26, $0x1;
	_ =	strace $0x80000049;
	[dreg:$0x1] =	wrdreg $0xFFFFFFFF  }
0xa7: {  	s28 =	simm.s32 $_size_execute0_lowered;
	s3 =	sadd.s32 s3, s5;
	[dreg:$0x0] =	wrdreg $0x0  }
0xa8: {  	s5 =	sshll.u32 s28, $0x1;
	[dreg:$0x2] =	wrdreg s3  }
0xa9: {  	[dreg:$0x3] =	wrdreg s5  }
0xaa: {  	[dreg:$0x4] =	wrdreg $0xC0  }
0xab: {  	_ =	task [dreg:s7], $0x5FFFF  }
0xac: {  	[dreg:$0x1] =	wrdreg $0xFFFFFFFF  }
0xad: {  	[dreg:$0x0] =	wrdreg $0x60  }
0xae: {  	[dreg:$0x2] =	wrdreg s24  }
0xaf: {  	[dreg:$0x3] =	wrdreg s2  }
0xb0: {  	[dreg:$0x4] =	wrdreg $0x84000  }
0xb1: {  	[dreg:$0x5] =	wrdreg $0x9  }
0xb2: {  	_ =	task.clear_ibuf [dreg:s7], $0x6FFFF;
	_ =	strace $0x90000049  }
0xb3: {  	s29 =	simm.s32 $0x9;
	_ =	strace $0x8000004B  }
0xb4: {  	_ =	swait.ge [sflag:s29], $0x1  }
0xb5: {  	[sflag:s29] =	ssyncadd.s32 $0xFFFFFFFF  }
0xb6: {  	_ =	strace $0x9000004B  }
0xb7: {  	_ =	sfence  }
0xb8: {  	s30 =	sld [smem:$0x0];
	_ =	sdelay $0x2  }
0xb9: {  	s31 =	sshll.u32 s1, $0xD;
	s1 =	sshrl.u32 s1, $0x2  }
0xba: {  	s3 =	sand.u32 $0x4000, s31;
	s1 =	sadd.s32 s1, s30  }
0xbb: {  	s0 =	sor.u32 s3, s0;
	s1 =	sshll.u32 s1, $0x11  }
0xbc: {  	s0 =	sor.u32 s1, s0  }
0xbd: {  	s0 =	sadd.s32 $0x8F2B, s0  }
0xbe: {  	[sflag:s0] =	ssyncadd.remote.s32 $0x1  }
0xbf: {  	_ =	sfence.sel $0xFFFF  }
0xc0: {  	[dreg:$0x0] =	wrdreg $0xFFFFFFFF;
	(pc) =	sbr.abs _section_cstart, $3  }
0xc1: {  	[dreg:$0x1] =	wrdreg $0xFFFFFFFF  }
0xc2: {  	_ =	task.clear_ibuf [dreg:s7], $0x2FFFF;
	_ =	strace $0x9FFFFFFF  }
0xc3: {  	(tm) =	ssettm $0x7FFFFFFF  }
tec
execute0_lowered:
.L_overlay_start_1:
0x0: {  	(tag) =	ssettag $0x1  }
0x1: {  	s0 =	rddreg [dreg:$0x0]  }
0x2: {  	s2 =	rddreg [dreg:$0x1]  }
0x3: {  	s1 =	rddreg [dreg:$0x2]  }
0x4: {  	s3 =	srdreg.scid;
	s12 =	stileid.u32  }
0x5: {  	s28 =	simm.s32 $0x380;
	s29 =	simm.s32 $0x1;
	s30 =	simm.s32 $0x40  }
0x6: {  	s31 =	simm.s32 $0x2;
	s5 =	sand.u32 $0x1, s3;
	s7 =	smul.u32 $0x14000, s12  }
0x7: {  	s3 =	simm.s32 $0x0;
	s8 =	sadd.s32 $0x1C00, s0;
	s9 =	smul.u32 $0x50000, s12  }
0x8: {  	s4 =	sadd.s32 $0xBA00, s0;
	s22 =	sshll.u32 s12, $0x1;
	s25 =	smul.u32 $0x138, s12  }
0x9: {  	p0 =	sgt.u32 s12, $0x3;
	s12 =	simm.s32 $0x6;
	s6 =	smul.u32 $0x140000, s5  }
0xa: {  	[smem:$0x7FF] =	sst s3;
	s23 =	ssub.s32 $0x2, s5;
	s9 =	sshrl.u32 s9, $0x2  }
0xb: {  	_ =	strace $0x8000004A;
	s11 =	sshrl.u32 s23, $0x1;
	s19 =	sadd.s32 s9, s1  }
0xc: {  	s6 =	sadd.s32 s7, s6;
	s9 =	sadd.s32 $0x2000, s19;
	[dreg:$0x8] =	wrdreg s19  }
0xd: {  	s7 =	sor.u32 s5, s22;
	s24 =	sadd.s32 $0x4000, s19;
	[dreg:$0x9] =	wrdreg s9  }
0xe: {  	s5 =	smul.u32 $0x9C, s5;
	s26 =	sadd.s32 $0x6000, s19;
	[dreg:$0xa] =	wrdreg s24  }
0xf: {  	s6 =	sshrl.u32 s6, $0x3;
	s13 =	sadd.s32 $0x8000, s19;
	[dreg:$0xb] =	wrdreg s26  }
0x10: {  	s10 =	smul.u32 $0x9C, s7;
	s14 =	sadd.s32 $0xA000, s19;
	[dreg:$0xc] =	wrdreg s13  }
0x11: {  	s7 =	smin.u32 s7, $0x8;
	s15 =	sadd.s32 $0xC000, s19;
	[dreg:$0xd] =	wrdreg s14  }
0x12: {  	s16 =	sadd.s32 $0xE000, s19;
	s17 =	sadd.s32 $0x10000, s19;
	[dreg:$0xe] =	wrdreg s15  }
0x13: {  	s0 =	sadd.s32 s6, s0;
	s6 =	ssub.s32 s23, s11;
	[dreg:$0xf] =	wrdreg s16  }
0x14: {  	[dreg:$0x10] =	wrdreg s17;
	s18 =	sadd.s32 s5, s25;
	s13 =	sadd.s32 $0x12000, s19  }
0x15: {  	s9 =	simm.s32 $0x9;
	s14 =	simm.s32 $0x7;
	s15 =	simm.s32 $0xC  }
0x16: {  	s16 =	simm.s32 $0x8;
	s10 =	sadd.s32 s7, s10;
	[dreg:$0x11] =	wrdreg s13  }
0x17: {  	s11 =	sadd.s32 s7, s18;
	s7 =	sadd.s32 s25, s7;
	s0 =	sadd.s32 $0x33A00, s0  }
0x18: {  	s26 =	smax.u32 s6, $0x1;
	s6 =	simm.s32 $0x4400;
	s13 =	simm.s32 $0xB  }
0x19: {  	s18 =	simm.s32 $0x0;
	s10 =	sshll.u32 s10, $0x3;
	[dreg:$0x14] =	wrdreg s0  }
0x1a: {  	s11 =	sshll.u32 s11, $0x3;
	s5 =	sadd.s32 s5, s7;
	[dreg:$0x15] =	wrdreg s26  }
0x1b: {  	s26 =	simm.s32 $0x180;
	s0 =	simm.s32 $0x2400;
	s7 =	simm.s32 $0x4  }
0x1c: {  	s10 =	sadd.s32 $0x4E0, s10;
	s21 =	sadd.s32 s11, s8;
	s22 =	sadd.s32 s11, s2  }
0x1d: {  	s5 =	sshll.u32 s5, $0x3;
	s11 =	simm.s32 $0xA;
	[dreg:$0x4] =	wrdreg s21  }
0x1e: {  	s10 =	sand.u32 $0x1FFFFFF8, s10;
	[dreg:$0x5] =	wrdreg s22;
	s24 =	sadd.s32 s5, s8  }
0x1f: {  	s25 =	sadd.s32 s5, s2;
	s21 =	simm.s32 $0x400;
	s22 =	simm.s32 $0x80  }
0x20: {  	s20 =	sadd.s32 s8, s10;
	s23 =	sadd.s32 s2, s10;
	[dreg:$0x6] =	wrdreg s24  }
0x21: {  	[dreg:$0x7] =	wrdreg s25;
	s24 =	simm.s32 $0x100;
	s25 =	simm.s32 $0x300  }
0x22: {  	s2 =	simm.s32 $0x3;
	s8 =	simm.s32 $0x6400;
	[dreg:$0x12] =	wrdreg s20  }
0x23: {  	v0 =	vimm.f32 $0.0e+00;
	s10 =	simm.s32 $0x5;
	[dreg:$0x13] =	wrdreg s23;
	s23 =	simm.s32 $0x280  }
.LBB2_1:
0x24: {  	s5 =	sand.u32 $0x7E00, s3  }
0x25: {  	[dreg:$0x16] =	wrdreg s18;
	s17 =	sand.u32 $0x70, s3;
	s20 =	sshrl.u32 s5, $0x2  }
0x26: {  	s5 =	simm.s32 $0x40;
	s18 =	sor.u32 s17, s20;
	s17 =	simm.s32 $0x0  }
.LBB2_2:
0x27: {  	p1 =	sne.s32 s5, $0x7FC0  }
0x28: {  	[tilespmem:s18+$0x400] =	vst v0;
	s17 =	sadd.s32 $0x10, s17;
	s18 =	smov.u32 s5;
	s5 =	sadd.s32 $0x40, s5  }
.Ltmp0:
0x29: {  	(pc) =	sbr.rel @p1 .LBB2_2-.Ltmp0, $4  }
0x2a: {  	_ = 	snop  }
0x2b: {  	s18 =	sand.u32 $0x7E00, s18  }
0x2c: {  	s20 =	sand.u32 $0x70, s17;
	s18 =	sshrl.u32 s18, $0x2  }
0x2d: {  	s18 =	sor.u32 s20, s18  }
0x2e: {  	[tilespmem:s18+$0x400] =	vst v0;
	s17 =	simm.s32 $0x11  }
0x2f: {  	[spmem:s19] =	stream.linear.scatter [tilespmem:s21], [sflag:$0x11], $0x2000, $0x38;
	[tilespmem:$0x1C400] =	vst v63  }
0x30: {  	_ =	swait.ge [sflag:s17], $0x2000  }
0x31: {  	[sflag:s17] =	ssyncset.done $0x0  }
0x32: {  	s5 =	rddreg [dreg:$0x9];
	[sflag:s17] =	ssyncadd.s32 $0xFFFFE000  }
0x33: {  	[spmem:s5] =	stream.linear.scatter [tilespmem:s21], [sflag:$0x11], $0x2000, $0x38;
	[tilespmem:$0x1C400] =	vst v63  }
0x34: {  	_ =	swait.ge [sflag:s17], $0x2000  }
0x35: {  	[sflag:s17] =	ssyncset.done $0x0  }
0x36: {  	s20 =	rddreg [dreg:$0xa];
	[sflag:s17] =	ssyncadd.s32 $0xFFFFE000  }
0x37: {  	[spmem:s20] =	stream.linear.scatter [tilespmem:s21], [sflag:$0x11], $0x2000, $0x38;
	[tilespmem:$0x1C400] =	vst v63  }
0x38: {  	_ =	swait.ge [sflag:s17], $0x2000  }
0x39: {  	[sflag:s17] =	ssyncset.done $0x0  }
0x3a: {  	s18 =	rddreg [dreg:$0xb];
	[sflag:s17] =	ssyncadd.s32 $0xFFFFE000  }
0x3b: {  	[spmem:s18] =	stream.linear.scatter [tilespmem:s21], [sflag:$0x11], $0x2000, $0x38;
	[tilespmem:$0x1C400] =	vst v63  }
0x3c: {  	_ =	swait.ge [sflag:s17], $0x2000  }
0x3d: {  	[sflag:s17] =	ssyncset.done $0x0  }
0x3e: {  	s19 =	rddreg [dreg:$0xc];
	[sflag:s17] =	ssyncadd.s32 $0xFFFFE000  }
0x3f: {  	[spmem:s19] =	stream.linear.scatter [tilespmem:s21], [sflag:$0x11], $0x2000, $0x38;
	[tilespmem:$0x1C400] =	vst v63  }
0x40: {  	_ =	swait.ge [sflag:s17], $0x2000  }
0x41: {  	[sflag:s17] =	ssyncset.done $0x0  }
0x42: {  	s20 =	rddreg [dreg:$0xd];
	[sflag:s17] =	ssyncadd.s32 $0xFFFFE000  }
0x43: {  	[spmem:s20] =	stream.linear.scatter [tilespmem:s21], [sflag:$0x11], $0x2000, $0x38;
	[tilespmem:$0x1C400] =	vst v63  }
0x44: {  	_ =	swait.ge [sflag:s17], $0x2000  }
0x45: {  	[sflag:s17] =	ssyncset.done $0x0  }
0x46: {  	s18 =	rddreg [dreg:$0xe];
	[sflag:s17] =	ssyncadd.s32 $0xFFFFE000  }
0x47: {  	[spmem:s18] =	stream.linear.scatter [tilespmem:s21], [sflag:$0x11], $0x2000, $0x38;
	[tilespmem:$0x1C400] =	vst v63  }
0x48: {  	_ =	swait.ge [sflag:s17], $0x2000  }
0x49: {  	[sflag:s17] =	ssyncset.done $0x0  }
0x4a: {  	s19 =	rddreg [dreg:$0xf];
	[sflag:s17] =	ssyncadd.s32 $0xFFFFE000  }
0x4b: {  	[spmem:s19] =	stream.linear.scatter [tilespmem:s21], [sflag:$0x11], $0x2000, $0x38;
	[tilespmem:$0x1C400] =	vst v63  }
0x4c: {  	_ =	swait.ge [sflag:s17], $0x2000  }
0x4d: {  	[sflag:s17] =	ssyncset.done $0x0  }
0x4e: {  	s20 =	rddreg [dreg:$0x10];
	[sflag:s17] =	ssyncadd.s32 $0xFFFFE000  }
0x4f: {  	[spmem:s20] =	stream.linear.scatter [tilespmem:s21], [sflag:$0x11], $0x2000, $0x38;
	[tilespmem:$0x1C400] =	vst v63  }
0x50: {  	_ =	swait.ge [sflag:s17], $0x2000  }
0x51: {  	[sflag:s17] =	ssyncset.done $0x0  }
0x52: {  	s18 =	rddreg [dreg:$0x11];
	[sflag:s17] =	ssyncadd.s32 $0xFFFFE000  }
0x53: {  	[spmem:s18] =	stream.linear.scatter [tilespmem:s21], [sflag:$0x11], $0x2000, $0x38;
	[tilespmem:$0x1C400] =	vst v63  }
0x54: {  	_ =	swait.ge [sflag:s17], $0x2000  }
0x55: {  	p1 =	por $0x1, $0x1;
	[sflag:s17] =	ssyncset.done $0x0  }
0x56: {  	p1 =	por p1, p1;
	[sflag:s17] =	ssyncadd.s32 $0xFFFFE000  }
0x57: {  	s5 =	simm.s32 @!p1 $0xD;
	[bflag:$0x0] =	sbarrier.arrive $0xFFFF  }
0x58: {  	_ =	swait.ge @!p1 [sflag:s5], $0x2000  }
0x59: {  	s19 =	rddreg [dreg:$0x4];
	[sflag:s5] =	ssyncset.done @!p1 $0x0  }
0x5a: {  	s20 =	rddreg [dreg:$0x5];
	[sflag:s5] =	ssyncadd.s32 @!p1 $0xFFFFE000;
	s17 =	sadd.s32 $0x0, s19  }
0x5b: {  	[tilespmem:s3], [sflag:$0x1] =	stream.linear.gather [hbm4b:s17+s3], $0x40, $0x38;
	[tilespmem:$0x1C400] =	vst v63  }
0x5c: {  	s18 =	sadd.s32 $0x0, s20;
	s19 =	simm.s32 $0x200;
	s17 =	simm.s32 @!p1 $0xE  }
0x5d: {  	[tilespmem:s19], [sflag:$0x5] =	stream.linear.gather [hbm4b:s18+s3], $0x40, $0x38;
	[tilespmem:$0x1C400] =	vst v63  }
0x5e: {  	_ =	swait.ge @!p1 [sflag:s17], $0x2000  }
0x5f: {  	s20 =	rddreg [dreg:$0x6]  }
0x60: {  	s18 =	rddreg [dreg:$0x7];
	[sflag:s17] =	ssyncset.done @!p1 $0x0;
	s5 =	sadd.s32 $0x0, s20  }
0x61: {  	[sflag:s17] =	ssyncadd.s32 @!p1 $0xFFFFE000;
	s17 =	sadd.s32 $0x0, s18;
	s20 =	sadd.s32 $0x8, s5  }
0x62: {  	[tilespmem:s22], [sflag:$0x2] =	stream.linear.gather [hbm4b:s20+s3], $0x40, $0x38;
	[tilespmem:$0x1C400] =	vst v63  }
0x63: {  	s18 =	sadd.s32 $0x8, s17  }
0x64: {  	[tilespmem:s23], [sflag:$0x6] =	stream.linear.gather [hbm4b:s18+s3], $0x40, $0x38;
	[tilespmem:$0x1C400] =	vst v63  }
0x65: {  	s18 =	simm.s32 @!p1 $0xF  }
0x66: {  	_ =	swait.ge @!p1 [sflag:s18], $0x2000  }
0x67: {  	[sflag:s18] =	ssyncset.done @!p1 $0x0  }
0x68: {  	s20 =	sadd.s32 $0x10, s5;
	[sflag:s18] =	ssyncadd.s32 @!p1 $0xFFFFE000  }
0x69: {  	[tilespmem:s24], [sflag:$0x3] =	stream.linear.gather [hbm4b:s20+s3], $0x40, $0x38;
	[tilespmem:$0x1C400] =	vst v63  }
0x6a: {  	s18 =	simm.s32 @!p1 $0x10;
	s20 =	sadd.s32 $0x10, s17  }
0x6b: {  	[tilespmem:s25], [sflag:$0x7] =	stream.linear.gather [hbm4b:s20+s3], $0x40, $0x38;
	[tilespmem:$0x1C400] =	vst v63  }
0x6c: {  	_ =	swait.ge @!p1 [sflag:s18], $0x2000  }
0x6d: {  	[sflag:s18] =	ssyncset.done @!p1 $0x0  }
0x6e: {  	s5 =	sadd.s32 $0x18, s5;
	[sflag:s18] =	ssyncadd.s32 @!p1 $0xFFFFE000  }
0x6f: {  	[tilespmem:s26], [sflag:$0x4] =	stream.linear.gather [hbm4b:s5+s3], $0x40, $0x38;
	[tilespmem:$0x1C400] =	vst v63  }
0x70: {  	s20 =	sadd.s32 $0x18, s17  }
0x71: {  	[tilespmem:s28], [sflag:$0x8] =	stream.linear.gather [hbm4b:s20+s3], $0x40, $0x38;
	[tilespmem:$0x1C400] =	vst v63  }
0x72: {  	_ =	swait.ge [sflag:s29], $0x40  }
0x73: {  	[sflag:s29] =	ssyncset.done $0x0  }
0x74: {  	[sflag:s29] =	ssyncadd.s32 $0xFFFFFFC0  }
0x75: {  	[tilespmem:s21], [sflag:$0x9] =	stream.indirect.gather [hbm4b:s4+s30], $0x80, s3, s30, $0xb8;
	[tilespmem:$0x1C400] =	vst v63  }
0x76: {  	_ =	swait.ge [sflag:s31], $0x40  }
0x77: {  	[sflag:s31] =	ssyncset.done $0x0  }
0x78: {  	[sflag:s31] =	ssyncadd.s32 $0xFFFFFFC0  }
0x79: {  	[tilespmem:s0], [sflag:$0xA] =	stream.indirect.gather [hbm4b:s4+s30], $0x80, s22, s30, $0xb8;
	[tilespmem:$0x1C400] =	vst v63  }
0x7a: {  	_ =	swait.ge [sflag:s2], $0x40  }
0x7b: {  	[sflag:s2] =	ssyncset.done $0x0  }
0x7c: {  	[sflag:s2] =	ssyncadd.s32 $0xFFFFFFC0  }
0x7d: {  	[tilespmem:s6], [sflag:$0xB] =	stream.indirect.gather [hbm4b:s4+s30], $0x80, s24, s30, $0xb8;
	[tilespmem:$0x1C400] =	vst v63  }
0x7e: {  	_ =	swait.ge [sflag:s7], $0x40  }
0x7f: {  	[sflag:s7] =	ssyncset.done $0x0  }
0x80: {  	[sflag:s7] =	ssyncadd.s32 $0xFFFFFFC0  }
0x81: {  	[tilespmem:s8], [sflag:$0xC] =	stream.indirect.gather [hbm4b:s4+s30], $0x80, s26, s30, $0xb8;
	[tilespmem:$0x1C400] =	vst v63  }
0x82: {  	_ =	swait.ge [sflag:s9], $0x2000  }
0x83: {  	[sflag:s9] =	ssyncset.done $0x0  }
0x84: {  	[sflag:s9] =	ssyncadd.s32 $0xFFFFE000  }
0x85: {  	_ =	swait.ge [sflag:s10], $0x40  }
0x86: {  	[sflag:s10] =	ssyncset.done $0x0  }
0x87: {  	[sflag:s10] =	ssyncadd.s32 $0xFFFFFFC0  }
0x88: {  	[spmem:s1] =	stream.indirect.scatter.add.f32 [tilespmem:s21], [sflag:$0xD], $0x80, s19, s30, $0xb8;
	[tilespmem:$0x1C400] =	vst v63  }
0x89: {  	_ =	swait.ge [sflag:s11], $0x2000  }
0x8a: {  	[sflag:s11] =	ssyncset.done $0x0  }
0x8b: {  	[sflag:s11] =	ssyncadd.s32 $0xFFFFE000  }
0x8c: {  	_ =	swait.ge [sflag:s12], $0x40  }
0x8d: {  	[sflag:s12] =	ssyncset.done $0x0  }
0x8e: {  	[sflag:s12] =	ssyncadd.s32 $0xFFFFFFC0  }
0x8f: {  	[spmem:s1] =	stream.indirect.scatter.add.f32 [tilespmem:s0], [sflag:$0xE], $0x80, s23, s30, $0xb8;
	[tilespmem:$0x1C400] =	vst v63  }
0x90: {  	_ =	swait.ge [sflag:s13], $0x2000  }
0x91: {  	[sflag:s13] =	ssyncset.done $0x0  }
0x92: {  	[sflag:s13] =	ssyncadd.s32 $0xFFFFE000  }
0x93: {  	_ =	swait.ge [sflag:s14], $0x40  }
0x94: {  	[sflag:s14] =	ssyncset.done $0x0  }
0x95: {  	[sflag:s14] =	ssyncadd.s32 $0xFFFFFFC0  }
0x96: {  	[spmem:s1] =	stream.indirect.scatter.add.f32 [tilespmem:s6], [sflag:$0xF], $0x80, s25, s30, $0xb8;
	[tilespmem:$0x1C400] =	vst v63  }
0x97: {  	_ =	swait.ge [sflag:s15], $0x2000  }
0x98: {  	[sflag:s15] =	ssyncset.done $0x0  }
0x99: {  	p6 =	por $0x0, $0x0;
	[sflag:s15] =	ssyncadd.s32 $0xFFFFE000  }
0x9a: {  	s18 =	simm.s32 $0x20;
	p1 =	por p6, p6;
	_ =	swait.ge [sflag:s16], $0x40  }
0x9b: {  	s5 =	simm.s32 $0x40;
	s17 =	simm.s32 @!p1 $0xD;
	[sflag:s16] =	ssyncset.done $0x0  }
.LBB2_4:
0x9c: {  	[sflag:s16] =	ssyncadd.s32 $0xFFFFFFC0  }
0x9d: {  	[spmem:s1] =	stream.indirect.scatter.add.f32 [tilespmem:s8], [sflag:$0x10], $0x80, s28, s30, $0xb8;
	[tilespmem:$0x1C400] =	vst v63  }
0x9e: {  	_ =	swait.ge @!p1 [sflag:s17], $0x2000  }
0x9f: {  	s21 =	rddreg [dreg:$0x4];
	[sflag:s17] =	ssyncset.done @!p1 $0x0  }
0xa0: {  	s19 =	rddreg [dreg:$0x5];
	[sflag:s17] =	ssyncadd.s32 @!p1 $0xFFFFE000;
	s21 =	sadd.s32 s18, s21  }
0xa1: {  	[tilespmem:s3], [sflag:$0x1] =	stream.linear.gather [hbm4b:s21+s3], $0x40, $0x38;
	[tilespmem:$0x1C400] =	vst v63  }
0xa2: {  	s22 =	simm.s32 $0x200;
	s21 =	sadd.s32 s18, s19;
	s19 =	simm.s32 @!p1 $0xE  }
0xa3: {  	[tilespmem:s22], [sflag:$0x5] =	stream.linear.gather [hbm4b:s21+s3], $0x40, $0x38;
	[tilespmem:$0x1C400] =	vst v63  }
0xa4: {  	_ =	swait.ge @!p1 [sflag:s19], $0x2000  }
0xa5: {  	s17 =	rddreg [dreg:$0x6]  }
0xa6: {  	s22 =	simm.s32 $0x80;
	[sflag:s19] =	ssyncset.done @!p1 $0x0;
	s17 =	sadd.s32 s18, s17  }
0xa7: {  	s21 =	rddreg [dreg:$0x7];
	[sflag:s19] =	ssyncadd.s32 @!p1 $0xFFFFE000;
	s19 =	sadd.s32 $0x8, s17  }
0xa8: {  	[tilespmem:s22], [sflag:$0x2] =	stream.linear.gather [hbm4b:s19+s3], $0x40, $0x38;
	[tilespmem:$0x1C400] =	vst v63  }
0xa9: {  	s20 =	smov.u32 s5;
	s19 =	sadd.s32 s18, s21  }
0xaa: {  	s18 =	smov.u32 s20;
	s21 =	simm.s32 @!p1 $0xF;
	s20 =	sadd.s32 $0x8, s19  }
0xab: {  	[tilespmem:s23], [sflag:$0x6] =	stream.linear.gather [hbm4b:s20+s3], $0x40, $0x38;
	[tilespmem:$0x1C400] =	vst v63  }
0xac: {  	_ =	swait.ge @!p1 [sflag:s21], $0x2000  }
0xad: {  	[sflag:s21] =	ssyncset.done @!p1 $0x0  }
0xae: {  	s20 =	sadd.s32 $0x10, s17;
	[sflag:s21] =	ssyncadd.s32 @!p1 $0xFFFFE000  }
0xaf: {  	[tilespmem:s24], [sflag:$0x3] =	stream.linear.gather [hbm4b:s20+s3], $0x40, $0x38;
	[tilespmem:$0x1C400] =	vst v63  }
0xb0: {  	s21 =	sadd.s32 $0x10, s19;
	s20 =	simm.s32 @!p1 $0x10  }
0xb1: {  	[tilespmem:s25], [sflag:$0x7] =	stream.linear.gather [hbm4b:s21+s3], $0x40, $0x38;
	[tilespmem:$0x1C400] =	vst v63  }
0xb2: {  	_ =	swait.ge @!p1 [sflag:s20], $0x2000  }
0xb3: {  	[sflag:s20] =	ssyncset.done @!p1 $0x0  }
0xb4: {  	s17 =	sadd.s32 $0x18, s17;
	[sflag:s20] =	ssyncadd.s32 @!p1 $0xFFFFE000  }
0xb5: {  	[tilespmem:s26], [sflag:$0x4] =	stream.linear.gather [hbm4b:s17+s3], $0x40, $0x38;
	[tilespmem:$0x1C400] =	vst v63  }
0xb6: {  	s19 =	sadd.s32 $0x18, s19  }
0xb7: {  	[tilespmem:s28], [sflag:$0x8] =	stream.linear.gather [hbm4b:s19+s3], $0x40, $0x38;
	[tilespmem:$0x1C400] =	vst v63  }
0xb8: {  	_ =	swait.ge [sflag:s29], $0x40  }
0xb9: {  	[sflag:s29] =	ssyncset.done $0x0  }
0xba: {  	s21 =	simm.s32 $0x400;
	[sflag:s29] =	ssyncadd.s32 $0xFFFFFFC0  }
0xbb: {  	[tilespmem:s21], [sflag:$0x9] =	stream.indirect.gather [hbm4b:s4+s30], $0x80, s3, s30, $0xb8;
	[tilespmem:$0x1C400] =	vst v63  }
0xbc: {  	_ =	swait.ge [sflag:s31], $0x40  }
0xbd: {  	[sflag:s31] =	ssyncset.done $0x0  }
0xbe: {  	[sflag:s31] =	ssyncadd.s32 $0xFFFFFFC0  }
0xbf: {  	[tilespmem:s0], [sflag:$0xA] =	stream.indirect.gather [hbm4b:s4+s30], $0x80, s22, s30, $0xb8;
	[tilespmem:$0x1C400] =	vst v63  }
0xc0: {  	_ =	swait.ge [sflag:s2], $0x40  }
0xc1: {  	[sflag:s2] =	ssyncset.done $0x0  }
0xc2: {  	[sflag:s2] =	ssyncadd.s32 $0xFFFFFFC0  }
0xc3: {  	[tilespmem:s6], [sflag:$0xB] =	stream.indirect.gather [hbm4b:s4+s30], $0x80, s24, s30, $0xb8;
	[tilespmem:$0x1C400] =	vst v63  }
0xc4: {  	_ =	swait.ge [sflag:s7], $0x40  }
0xc5: {  	[sflag:s7] =	ssyncset.done $0x0  }
0xc6: {  	[sflag:s7] =	ssyncadd.s32 $0xFFFFFFC0  }
0xc7: {  	[tilespmem:s8], [sflag:$0xC] =	stream.indirect.gather [hbm4b:s4+s30], $0x80, s26, s30, $0xb8;
	[tilespmem:$0x1C400] =	vst v63  }
0xc8: {  	_ =	swait.ge [sflag:s9], $0x2000  }
0xc9: {  	[sflag:s9] =	ssyncset.done $0x0  }
0xca: {  	[sflag:s9] =	ssyncadd.s32 $0xFFFFE000  }
0xcb: {  	_ =	swait.ge [sflag:s10], $0x40  }
0xcc: {  	[sflag:s10] =	ssyncset.done $0x0  }
0xcd: {  	s20 =	simm.s32 $0x200;
	[sflag:s10] =	ssyncadd.s32 $0xFFFFFFC0  }
0xce: {  	[spmem:s1] =	stream.indirect.scatter.add.f32 [tilespmem:s21], [sflag:$0xD], $0x80, s20, s30, $0xb8;
	[tilespmem:$0x1C400] =	vst v63  }
0xcf: {  	_ =	swait.ge [sflag:s11], $0x2000  }
0xd0: {  	[sflag:s11] =	ssyncset.done $0x0  }
0xd1: {  	[sflag:s11] =	ssyncadd.s32 $0xFFFFE000  }
0xd2: {  	_ =	swait.ge [sflag:s12], $0x40  }
0xd3: {  	[sflag:s12] =	ssyncset.done $0x0  }
0xd4: {  	[sflag:s12] =	ssyncadd.s32 $0xFFFFFFC0  }
0xd5: {  	[spmem:s1] =	stream.indirect.scatter.add.f32 [tilespmem:s0], [sflag:$0xE], $0x80, s23, s30, $0xb8;
	[tilespmem:$0x1C400] =	vst v63  }
0xd6: {  	_ =	swait.ge [sflag:s13], $0x2000  }
0xd7: {  	[sflag:s13] =	ssyncset.done $0x0  }
0xd8: {  	[sflag:s13] =	ssyncadd.s32 $0xFFFFE000  }
0xd9: {  	_ =	swait.ge [sflag:s14], $0x40  }
0xda: {  	p3 =	seq.s32 s5, $0x0;
	s5 =	sadd.s32 $0x20, s5;
	[sflag:s14] =	ssyncset.done $0x0  }
0xdb: {  	p2 =	sne.s32 s5, $0x4E0;
	[sflag:s14] =	ssyncadd.s32 $0xFFFFFFC0  }
0xdc: {  	[spmem:s1] =	stream.indirect.scatter.add.f32 [tilespmem:s6], [sflag:$0xF], $0x80, s25, s30, $0xb8;
	[tilespmem:$0x1C400] =	vst v63  }
.Ltmp1:
0xdd: {  	_ =	swait.ge [sflag:s15], $0x2000;
	(pc) =	sbr.rel @p2 .LBB2_4-.Ltmp1, $4  }
0xde: {  	[sflag:s15] =	ssyncset.done $0x0  }
0xdf: {  	[sflag:s15] =	ssyncadd.s32 $0xFFFFE000  }
0xe0: {  	p1 =	por p3, p3;
	_ =	swait.ge [sflag:s16], $0x40  }
0xe1: {  	s17 =	simm.s32 @!p1 $0xD;
	[sflag:s16] =	ssyncset.done $0x0  }
0xe2: {  	[sflag:s16] =	ssyncadd.s32 $0xFFFFFFC0  }
0xe3: {  	[spmem:s1] =	stream.indirect.scatter.add.f32 [tilespmem:s8], [sflag:$0x10], $0x80, s28, s30, $0xb8;
	[tilespmem:$0x1C400] =	vst v63  }
0xe4: {  	_ =	swait.ge @!p1 [sflag:s17], $0x2000  }
0xe5: {  	s5 =	rddreg [dreg:$0x4];
	[sflag:s17] =	ssyncset.done @!p1 $0x0  }
0xe6: {  	s19 =	rddreg [dreg:$0x5];
	[sflag:s17] =	ssyncadd.s32 @!p1 $0xFFFFE000;
	s5 =	sadd.s32 s18, s5  }
0xe7: {  	[tilespmem:s3], [sflag:$0x1] =	stream.linear.gather [hbm4b:s5+s3], $0x40, $0x38;
	[tilespmem:$0x1C400] =	vst v63  }
0xe8: {  	s19 =	sadd.s32 s18, s19;
	s17 =	simm.s32 @!p1 $0xE  }
0xe9: {  	[tilespmem:s20], [sflag:$0x5] =	stream.linear.gather [hbm4b:s19+s3], $0x40, $0x38;
	[tilespmem:$0x1C400] =	vst v63  }
0xea: {  	_ =	swait.ge @!p1 [sflag:s17], $0x2000  }
0xeb: {  	s5 =	rddreg [dreg:$0x6]  }
0xec: {  	[sflag:s17] =	ssyncset.done @!p1 $0x0;
	s5 =	sadd.s32 s18, s5  }
0xed: {  	s19 =	rddreg [dreg:$0x7];
	[sflag:s17] =	ssyncadd.s32 @!p1 $0xFFFFE000;
	s17 =	sadd.s32 $0x8, s5  }
0xee: {  	[tilespmem:s22], [sflag:$0x2] =	stream.linear.gather [hbm4b:s17+s3], $0x40, $0x38;
	[tilespmem:$0x1C400] =	vst v63  }
0xef: {  	s17 =	sadd.s32 s18, s19  }
0xf0: {  	s19 =	simm.s32 @!p1 $0xF;
	s18 =	sadd.s32 $0x8, s17  }
0xf1: {  	[tilespmem:s23], [sflag:$0x6] =	stream.linear.gather [hbm4b:s18+s3], $0x40, $0x38;
	[tilespmem:$0x1C400] =	vst v63  }
0xf2: {  	_ =	swait.ge @!p1 [sflag:s19], $0x2000  }
0xf3: {  	[sflag:s19] =	ssyncset.done @!p1 $0x0  }
0xf4: {  	s18 =	sadd.s32 $0x10, s5;
	[sflag:s19] =	ssyncadd.s32 @!p1 $0xFFFFE000  }
0xf5: {  	[tilespmem:s24], [sflag:$0x3] =	stream.linear.gather [hbm4b:s18+s3], $0x40, $0x38;
	[tilespmem:$0x1C400] =	vst v63  }
0xf6: {  	s19 =	simm.s32 @!p1 $0x10;
	s18 =	sadd.s32 $0x10, s17  }
0xf7: {  	[tilespmem:s25], [sflag:$0x7] =	stream.linear.gather [hbm4b:s18+s3], $0x40, $0x38;
	[tilespmem:$0x1C400] =	vst v63  }
0xf8: {  	_ =	swait.ge @!p1 [sflag:s19], $0x2000  }
0xf9: {  	[sflag:s19] =	ssyncset.done @!p1 $0x0  }
0xfa: {  	s5 =	sadd.s32 $0x18, s5;
	[sflag:s19] =	ssyncadd.s32 @!p1 $0xFFFFE000  }
0xfb: {  	[tilespmem:s26], [sflag:$0x4] =	stream.linear.gather [hbm4b:s5+s3], $0x40, $0x38;
	[tilespmem:$0x1C400] =	vst v63  }
0xfc: {  	s19 =	sadd.s32 $0x18, s17  }
0xfd: {  	[tilespmem:s28], [sflag:$0x8] =	stream.linear.gather [hbm4b:s19+s3], $0x40, $0x38;
	[tilespmem:$0x1C400] =	vst v63  }
0xfe: {  	_ =	swait.ge [sflag:s29], $0x40  }
0xff: {  	[sflag:s29] =	ssyncset.done $0x0  }
0x100: {  	[sflag:s29] =	ssyncadd.s32 $0xFFFFFFC0  }
0x101: {  	[tilespmem:s21], [sflag:$0x9] =	stream.indirect.gather [hbm4b:s4+s30], $0x80, s3, s30, $0xb8;
	[tilespmem:$0x1C400] =	vst v63  }
0x102: {  	_ =	swait.ge [sflag:s31], $0x40  }
0x103: {  	[sflag:s31] =	ssyncset.done $0x0  }
0x104: {  	[sflag:s31] =	ssyncadd.s32 $0xFFFFFFC0  }
0x105: {  	[tilespmem:s0], [sflag:$0xA] =	stream.indirect.gather [hbm4b:s4+s30], $0x80, s22, s30, $0xb8;
	[tilespmem:$0x1C400] =	vst v63  }
0x106: {  	_ =	swait.ge [sflag:s2], $0x40  }
0x107: {  	[sflag:s2] =	ssyncset.done $0x0  }
0x108: {  	[sflag:s2] =	ssyncadd.s32 $0xFFFFFFC0  }
0x109: {  	[tilespmem:s6], [sflag:$0xB] =	stream.indirect.gather [hbm4b:s4+s30], $0x80, s24, s30, $0xb8;
	[tilespmem:$0x1C400] =	vst v63  }
0x10a: {  	_ =	swait.ge [sflag:s7], $0x40  }
0x10b: {  	[sflag:s7] =	ssyncset.done $0x0  }
0x10c: {  	[sflag:s7] =	ssyncadd.s32 $0xFFFFFFC0  }
0x10d: {  	[tilespmem:s8], [sflag:$0xC] =	stream.indirect.gather [hbm4b:s4+s30], $0x80, s26, s30, $0xb8;
	[tilespmem:$0x1C400] =	vst v63  }
0x10e: {  	_ =	swait.ge [sflag:s9], $0x2000  }
0x10f: {  	[sflag:s9] =	ssyncset.done $0x0  }
0x110: {  	[sflag:s9] =	ssyncadd.s32 $0xFFFFE000  }
0x111: {  	_ =	swait.ge [sflag:s10], $0x40  }
0x112: {  	[sflag:s10] =	ssyncset.done $0x0  }
0x113: {  	[sflag:s10] =	ssyncadd.s32 $0xFFFFFFC0  }
0x114: {  	[spmem:s1] =	stream.indirect.scatter.add.f32 [tilespmem:s21], [sflag:$0xD], $0x80, s20, s30, $0xb8;
	[tilespmem:$0x1C400] =	vst v63  }
0x115: {  	_ =	swait.ge [sflag:s11], $0x2000  }
0x116: {  	[sflag:s11] =	ssyncset.done $0x0  }
0x117: {  	[sflag:s11] =	ssyncadd.s32 $0xFFFFE000  }
0x118: {  	_ =	swait.ge [sflag:s12], $0x40  }
0x119: {  	[sflag:s12] =	ssyncset.done $0x0  }
0x11a: {  	[sflag:s12] =	ssyncadd.s32 $0xFFFFFFC0  }
0x11b: {  	[spmem:s1] =	stream.indirect.scatter.add.f32 [tilespmem:s0], [sflag:$0xE], $0x80, s23, s30, $0xb8;
	[tilespmem:$0x1C400] =	vst v63  }
0x11c: {  	_ =	swait.ge [sflag:s13], $0x2000  }
0x11d: {  	[sflag:s13] =	ssyncset.done $0x0  }
0x11e: {  	[sflag:s13] =	ssyncadd.s32 $0xFFFFE000  }
0x11f: {  	_ =	swait.ge [sflag:s14], $0x40  }
0x120: {  	[sflag:s14] =	ssyncset.done $0x0  }
0x121: {  	[sflag:s14] =	ssyncadd.s32 $0xFFFFFFC0  }
0x122: {  	[spmem:s1] =	stream.indirect.scatter.add.f32 [tilespmem:s6], [sflag:$0xF], $0x80, s25, s30, $0xb8;
	[tilespmem:$0x1C400] =	vst v63  }
0x123: {  	_ =	swait.ge [sflag:s15], $0x2000  }
0x124: {  	[sflag:s15] =	ssyncset.done $0x0  }
0x125: {  	[sflag:s15] =	ssyncadd.s32 $0xFFFFE000  }
0x126: {  	_ =	swait.ge [sflag:s16], $0x40  }
0x127: {  	[sflag:s16] =	ssyncset.done $0x0  }
0x128: {  	s17 =	simm.s32 $0xD;
	[sflag:s16] =	ssyncadd.s32 $0xFFFFFFC0  }
0x129: {  	[spmem:s1] =	stream.indirect.scatter.add.f32 [tilespmem:s8], [sflag:$0x10], $0x80, s28, s30, $0xb8;
	[tilespmem:$0x1C400] =	vst v63  }
0x12a: {  	_ =	swait.ge [sflag:s17], $0x2000  }
0x12b: {  	[sflag:s17] =	ssyncset.done $0x0  }
0x12c: {  	s18 =	simm.s32 $0xE;
	[sflag:s17] =	ssyncadd.s32 $0xFFFFE000  }
0x12d: {  	_ =	swait.ge [sflag:s18], $0x2000  }
0x12e: {  	[sflag:s18] =	ssyncset.done $0x0  }
0x12f: {  	s19 =	simm.s32 $0xF;
	[sflag:s18] =	ssyncadd.s32 $0xFFFFE000  }
0x130: {  	_ =	swait.ge [sflag:s19], $0x2000  }
0x131: {  	[sflag:s19] =	ssyncset.done $0x0  }
0x132: {  	s20 =	simm.s32 $0x10;
	[sflag:s19] =	ssyncadd.s32 $0xFFFFE000  }
0x133: {  	_ =	swait.ge [sflag:s20], $0x2000  }
0x134: {  	[sflag:s20] =	ssyncset.done $0x0  }
0x135: {  	s5 =	simm.s32 @!p0 $0x0;
	s17 =	rddreg [dreg:$0x12];
	[sflag:s20] =	ssyncadd.s32 $0xFFFFE000  }
0x136: {  	[tilespmem:s5], [sflag:$0x1] =	stream.linear.gather @!p0 [hbm4b:s17+s5], $0x40, $0x38;
	[tilespmem:$0x1C400] =	vst v63  }
0x137: {  	s17 =	simm.s32 @!p0 $0x1  }
0x138: {  	_ =	swait.ge @!p0 [sflag:s17], $0x40  }
0x139: {  	[sflag:s17] =	ssyncset.done @!p0 $0x0  }
0x13a: {  	s18 =	rddreg [dreg:$0x13];
	[sflag:s17] =	ssyncadd.s32 @!p0 $0xFFFFFFC0;
	s17 =	simm.s32 @!p0 $0x200  }
0x13b: {  	[tilespmem:s17], [sflag:$0x5] =	stream.linear.gather @!p0 [hbm4b:s18+s5], $0x40, $0x38;
	[tilespmem:$0x1C400] =	vst v63  }
0x13c: {  	s18 =	simm.s32 @!p0 $0x5  }
0x13d: {  	_ =	swait.ge @!p0 [sflag:s18], $0x40  }
0x13e: {  	[sflag:s18] =	ssyncset.done @!p0 $0x0  }
0x13f: {  	s19 =	simm.s32 @!p0 $0x400;
	[sflag:s18] =	ssyncadd.s32 @!p0 $0xFFFFFFC0;
	s18 =	simm.s32 @!p0 $0x40  }
0x140: {  	[tilespmem:s19], [sflag:$0x9] =	stream.indirect.gather @!p0 [hbm4b:s4+s18], $0x80, s5, s18, $0xb8;
	[tilespmem:$0x1C400] =	vst v63  }
0x141: {  	s5 =	simm.s32 @!p0 $0x9  }
0x142: {  	_ =	swait.ge @!p0 [sflag:s5], $0x2000  }
0x143: {  	[sflag:s5] =	ssyncset.done @!p0 $0x0  }
0x144: {  	[sflag:s5] =	ssyncadd.s32 @!p0 $0xFFFFE000;
	s5 =	simm.s32 @!p0 $0x11  }
0x145: {  	[spmem:s1] =	stream.indirect.scatter.add.f32 @!p0 [tilespmem:s19], [sflag:$0x11], $0x80, s17, s18, $0xb8;
	[tilespmem:$0x1C400] =	vst v63  }
0x146: {  	_ =	swait.ge @!p0 [sflag:s5], $0x2000  }
0x147: {  	[sflag:s5] =	ssyncset.done @!p0 $0x0  }
0x148: {  	[sflag:s5] =	ssyncadd.s32 @!p0 $0xFFFFE000  }
0x149: {  	s17 =	stileid.u32;
	[bflag:$0x0] =	sbarrier.arrive $0xFFFF  }
0x14a: {  	s5 =	sshll.u32 s17, $0x6;
	s17 =	simm.s32 $0x11;
	s19 =	rddreg [dreg:$0x8]  }
0x14b: {  	s5 =	sor.u32 $0x1C11, s5;
	s20 =	rddreg [dreg:$0x14];
	s18 =	sshrl.u32 s19, $0x3  }
0x14c: {  	[hbm:s20], [sflag:s5] =	dma.local [spmem:s18], $0x2800  }
0x14d: {  	_ =	swait.ge [sflag:s17], $0x2800  }
0x14e: {  	s5 =	rddreg [dreg:$0x16]  }
0x14f: {  	s20 =	rddreg [dreg:$0x15];
	s18 =	sadd.s32 $0x1, s5  }
0x150: {  	p1 =	sne.s32 s18, s20  }
.Ltmp2:
0x151: {  	_ = 	snop;
	(pc) =	sbr.rel @p1 .LBB2_1-.Ltmp2, $3  }
0x152: {  	_ =	sdelay $0x1  }
0x153: {  	[sflag:s17] =	ssyncset.done $0x0  }
0x154: {  	[sflag:s17] =	ssyncadd.s32 $0xFFFFD800  }
0x155: {  	_ =	sfence.sel $0x180000  }
0x156: {  	[bflag:$0x0] =	sbarrier.arrive $0xFFFF  }
0x157: {  	_ =	strace $0x9000004A  }
0x158: {  	s0 =	stileid.u32;
	[bflag:$0x2] =	sbarrier.arrive $0xFFFF  }
0x159: {  	p0 =	sne.s32 s0, $0x0;
	s0 =	rddreg [dreg:$0x3]  }
0x15a: {  	s0 =	sadd.s32 @!p0 $0x100000, s0  }
0x15b: {  	[sflag:s0] =	ssyncadd.tile.s32 @!p0 $0x1;
	_ =	shalt  }
.Lfunc_end2:
_tile_overlayer_lowered:
.L_overlay_start_2:
0x15c: {  	(tag) =	ssettag $0x2  }
0x15d: {  	s0 =	rddreg [dreg:$0x0];
	s2 =	stileid.u32  }
0x15e: {  	s1 =	rddreg [dreg:$0x1];
	p0 =	sne.s32 s2, $0x0  }
0x15f: {  	s3 =	rddreg [dreg:$0x2];
	[bflag:$0x3] =	sbarrier.arrive $0xFFFF;
	s2 =	simm.s32 @!p0 $0x1C11  }
0x160: {  	[timem:s3], [sflag:s2] =	dma.local @!p0 [hbm:s0], s1  }
0x161: {  	s0 =	simm.s32 @!p0 $0x11  }
0x162: {  	_ =	swait.ge @!p0 [sflag:s0], s1  }
0x163: {  	s1 =	ssub.s32 @!p0 $0x0, s1;
	[sflag:s0] =	ssyncset.done @!p0 $0x0  }
0x164: {  	[sflag:s0] =	ssyncadd.s32 @!p0 s1  }
0x165: {  	[bflag:$0x3] =	sbarrier.arrive $0xFFFF  }
0x166: {  	_ =	shalt  }

// kernel: kernel.8.cloned.1.call-start
scs
__scs_entry_jumppad:
0x0: {  	(pc) =	sbr.rel $0x88, $3  }
0x1: {  	(tag) =	ssettag $0x0;
	lr =	simm.s32 $0x1  }
0x2: {  	[smem:$0x3F99] =	sst lr;
	_ =	strace $0xD0000000  }
0x3: {  	_ = 	snop  }
0x4: {  	_ = 	snop  }
0x5: {  	_ = 	snop  }
0x6: {  	_ = 	snop  }
0x7: {  	_ = 	snop  }
__scs_overlays_trampoline_lowered:
0x8: {  	[smem:$0x3FA8] =	sst s0  }
0x9: {  	[smem:$0x3FA9] =	sst s1  }
0xa: {  	[smem:$0x3FAA] =	sst s2  }
0xb: {  	[smem:$0x3FAB] =	sst s3  }
0xc: {  	[smem:$0x3FAC] =	sst s4  }
0xd: {  	[smem:$0x3FAD] =	sst s5  }
0xe: {  	[smem:$0x3FAE] =	sst s6  }
0xf: {  	[smem:$0x3FAF] =	sst s7  }
0x10: {  	[smem:$0x3FB0] =	sst s8  }
0x11: {  	[smem:$0x3FB1] =	sst s9;
	s0 =	simm.s32 @!p0 $0x0  }
0x12: {  	s1 =	sld [smem:$0x3F97];
	s0 =	simm.s32 @p0 $0x1  }
0x13: {  	[smem:$0x3FB2] =	sst s0;
	s0 =	simm.s32 @!p1 $0x0  }
0x14: {  	s2 =	sld [smem:$0x3F96];
	s0 =	simm.s32 @p1 $0x1  }
0x15: {  	[smem:$0x3FB3] =	sst s0;
	s0 =	simm.s32 @!p2 $0x0  }
0x16: {  	s3 =	sld [smem:$0x3FDB];
	s0 =	simm.s32 @p2 $0x1  }
0x17: {  	s4 =	simm.s32 $0x1BF5;
	[smem:$0x3FB5] =	sst s0  }
0x18: {  	s0 =	sld [smem:$0x3F98];
	_ =	swait.ge [sflag:s4], $0x0  }
0x19: {  	s7 =	sld [smem:$0x3F99]  }
0x1a: {  	s8 =	sadd.s32 $0xFFFFE003, lr  }
0x1b: {  	s9 =	sadd.s32 $0xFFFFFEF7, lr;
	s5 =	simm.s32 $0xFFFFFFFF;
	p2 =	slt.u32 s8, $0xFFFFF086  }
0x1c: {  	p1 =	slt.u32 s9, $0xF7A;
	s5 =	simm.s32 @!p2 $0x0  }
0x1d: {  	s5 =	simm.s32 @p1 $0x1;
	p0 =	seq.s32 s7, s2  }
0x1e: {  	s7 =	smul.u32 @!p0 $0xF7A, s2;
	p2 =	seq.s32 @!p0 s5, $0x0  }
0x1f: {  	s9 =	smul.u32 $0xF7A, s1;
	s8 =	simm.s32 @!p0 $0x1BF5;
	p2 =	por !p2, p0  }
0x20: {  	[sflag:s8] =	ssyncset.s32 @!p0 $0xFFFFF086;
	s6 =	sadd.s32 @!p0 s3, s7;
	s7 =	simm.s32 @!p0 $0x108  }
0x21: {  	s3 =	sadd.s32 s3, s9;
	s6 =	sadd.s32 @!p0 $0x88, s6;
	s7 =	simm.s32 @p2 $0x1082  }
0x22: {  	[simem:s7], [sflag:s8] =	dma.local @!p0 [hbm:s6], $0xF7A  }
0x23: {  	s9 =	sor.u32 $0xD0000000, s2;
	s6 =	simm.s32 $0x108;
	_ =	swait.ge @!p0 [sflag:s8], $0x0  }
0x24: {  	s3 =	sadd.s32 $0x88, s3;
	s6 =	simm.s32 @!p1 $0x1082;
	[sflag:s4] =	ssyncset.s32 $0xFFFFF086  }
0x25: {  	[simem:s6], [sflag:s4] =	dma.local [hbm:s3], $0xF7A  }
0x26: {  	[smem:$0x3F99] =	sst s1;
	(tag) =	ssettag s2;
	_ =	strace s9  }
0x27: {  	s1 =	sld [smem:$0x3FA9]  }
0x28: {  	s2 =	sld [smem:$0x3FAA]  }
0x29: {  	s4 =	sld [smem:$0x3FAC]  }
0x2a: {  	p0 =	seq.s32 s5, $0x0;
	s5 =	sld [smem:$0x3FAD]  }
0x2b: {  	s6 =	sld [smem:$0x3FAE]  }
0x2c: {  	s7 =	sld [smem:$0x3FAF]  }
0x2d: {  	s3 =	simm.s32 $0x108;
	s8 =	sld [smem:$0x3FB0]  }
0x2e: {  	s3 =	simm.s32 @!p0 $0x1082;
	s9 =	sld [smem:$0x3FB1]  }
0x2f: {  	lr =	sadd.s32 s0, s3;
	s0 =	sld [smem:$0x3FA8]  }
0x30: {  	s3 =	sld [smem:$0x3FAB]  }
0x31: {  	[smem:$0x3FB4] =	sst s10  }
0x32: {  	s10 =	sld [smem:$0x3FB2];
	_ =	sdelay $0x3  }
0x33: {  	p0 =	seq.s32 s10, $0x1;
	s10 =	sld [smem:$0x3FB4];
	_ =	sdelay $0x3  }
0x34: {  	[smem:$0x3FB4] =	sst s10  }
0x35: {  	s10 =	sld [smem:$0x3FB3];
	_ =	sdelay $0x3  }
0x36: {  	p1 =	seq.s32 s10, $0x1;
	s10 =	sld [smem:$0x3FB4];
	_ =	sdelay $0x3  }
0x37: {  	[smem:$0x3FB4] =	sst s10  }
0x38: {  	s10 =	sld [smem:$0x3FB5]  }
0x39: {  	_ = 	snop;
	(pc) =	sbr.ind lr, $3  }
0x3a: {  	_ = 	snop  }
0x3b: {  	_ = 	snop  }
0x3c: {  	p2 =	seq.s32 s10, $0x1;
	s10 =	sld [smem:$0x3FB4]  }
0x3d: {  	_ =	shalt  }
0x3e: {  	_ =	shalt  }
0x3f: {  	_ =	shalt  }
0x40: {  	_ =	shalt  }
0x41: {  	_ =	shalt  }
0x42: {  	_ =	shalt  }
0x43: {  	_ =	shalt  }
0x44: {  	_ =	shalt  }
0x45: {  	_ =	shalt  }
0x46: {  	_ =	shalt  }
0x47: {  	_ =	shalt  }
0x48: {  	_ =	shalt  }
0x49: {  	_ =	shalt  }
0x4a: {  	_ =	shalt  }
0x4b: {  	_ =	shalt  }
0x4c: {  	_ =	shalt  }
0x4d: {  	_ =	shalt  }
0x4e: {  	_ =	shalt  }
0x4f: {  	_ =	shalt  }
0x50: {  	_ =	shalt  }
0x51: {  	_ =	shalt  }
0x52: {  	_ =	shalt  }
0x53: {  	_ =	shalt  }
0x54: {  	_ =	shalt  }
0x55: {  	_ =	shalt  }
0x56: {  	_ =	shalt  }
0x57: {  	_ =	shalt  }
0x58: {  	_ =	shalt  }
0x59: {  	_ =	shalt  }
0x5a: {  	_ =	shalt  }
0x5b: {  	_ =	shalt  }
0x5c: {  	_ =	shalt  }
0x5d: {  	_ =	shalt  }
0x5e: {  	_ =	shalt  }
0x5f: {  	_ =	shalt  }
0x60: {  	_ =	shalt  }
0x61: {  	_ =	shalt  }
0x62: {  	_ =	shalt  }
0x63: {  	_ =	shalt  }
0x64: {  	_ =	shalt  }
0x65: {  	_ =	shalt  }
0x66: {  	_ =	shalt  }
0x67: {  	_ =	shalt  }
0x68: {  	_ =	shalt  }
0x69: {  	_ =	shalt  }
0x6a: {  	_ =	shalt  }
0x6b: {  	_ =	shalt  }
0x6c: {  	_ =	shalt  }
0x6d: {  	_ =	shalt  }
0x6e: {  	_ =	shalt  }
0x6f: {  	_ =	shalt  }
0x70: {  	_ =	shalt  }
0x71: {  	_ =	shalt  }
0x72: {  	_ =	shalt  }
0x73: {  	_ =	shalt  }
0x74: {  	_ =	shalt  }
0x75: {  	_ =	shalt  }
0x76: {  	_ =	shalt  }
0x77: {  	_ =	shalt  }
0x78: {  	_ =	shalt  }
0x79: {  	_ =	shalt  }
0x7a: {  	_ =	shalt  }
0x7b: {  	_ =	shalt  }
0x7c: {  	_ =	shalt  }
0x7d: {  	_ =	shalt  }
0x7e: {  	_ =	shalt  }
0x7f: {  	_ =	shalt  }
0x80: {  	_ =	shalt  }
0x81: {  	_ =	shalt  }
0x82: {  	_ =	shalt  }
0x83: {  	_ =	shalt  }
0x84: {  	_ =	shalt  }
0x85: {  	_ =	shalt  }
0x86: {  	_ =	shalt  }
0x87: {  	_ =	shalt  }
.Lfunc_end0:
.L_simem_size_0:
called_computation_lowered:
.L_overlay_start_0:
0x88: {  	s2 =	sld [smem:$0x3FD9]  }
0x89: {  	s3 =	sld [smem:$0x3FFE];
	_ =	sdelay $0x1  }
0x8a: {  	s1 =	srdreg.scid  }
0x8b: {  	s0 =	sand.u32 $0x1, s1  }
0x8c: {  	s17 =	sshll.u32 s0, $0xA;
	s2 =	sadd.s32 s3, s2  }
0x8d: {  	s2 =	sadd.s32 s2, s17  }
0x8e: {  	[smem:$0x3FC0] =	sst s2  }
0x8f: {  	_ = 	snop  }
0x90: {  	s2 =	sld [smem:$0x3FD0];
	(tm) =	ssettm $0x1  }
0x91: {  	s18 =	sld [smem:$0x3FFB];
	_ =	sdelay $0x3  }
0x92: {  	_ =	strace s18  }
0x93: {  	s3 =	sld [smem:$0x3FFC];
	_ =	sdelay $0x3  }
0x94: {  	_ =	strace s3  }
0x95: {  	s3 =	sld [smem:$0x3FFD];
	_ =	sdelay $0x3  }
0x96: {  	_ =	strace s3  }
0x97: {  	_ =	strace $0x8FFFFFFF  }
0x98: {  	s19 =	sld [smem:$0x3FDB];
	_ =	sdelay $0x1  }
0x99: {  	s4 =	simm.s32 $_scs_section_size  }
0x9a: {  	s5 =	simm.s32 $_size__tile_overlayer_lowered;
	s6 =	simm.s32 $_tile_overlayer_lowered  }
0x9b: {  	s22 =	simm.s32 $0x1BFF;
	s21 =	sshll.u32 s6, $0x1;
	s3 =	sadd.s32 s4, s19  }
0x9c: {  	s7 =	simm.s32 $0x0;
	s20 =	sshll.u32 s5, $0x1;
	s5 =	sadd.s32 s21, s3  }
0x9d: {  	[timem:s7], [sflag:s22] =	dma.local [hbm:s5], s20  }
0x9e: {  	_ =	swait.ge [sflag:s22], s20  }
0x9f: {  	s4 =	ssub.s32 $0x0, s20;
	[sflag:s22] =	ssyncset.done $0x0  }
0xa0: {  	[sflag:s22] =	ssyncadd.s32 s4;
	_ =	sdelay $0x1  }
0xa1: {  	s23 =	simm.s32 $0x1B8B  }
0xa2: {  	_ =	swait.ge [sflag:s23], $0x1  }
0xa3: {  	[sflag:s23] =	ssyncset.done $0x0  }
0xa4: {  	s25 =	simm.s32 $0x1B8E;
	s24 =	sld [smem:$0x3FFE];
	[sflag:s23] =	ssyncadd.s32 $0xFFFFFFFF  }
0xa5: {  	s26 =	simm.s32 $execute0_lowered;
	[smem:$0x3FD2] =	sst s25  }
0xa6: {  	s5 =	sshll.u32 s26, $0x1;
	_ =	strace $0x80000046;
	[dreg:$0x1] =	wrdreg $0xFFFFFFFF  }
0xa7: {  	s28 =	simm.s32 $_size_execute0_lowered;
	s3 =	sadd.s32 s3, s5;
	[dreg:$0x0] =	wrdreg $0x0  }
0xa8: {  	s5 =	sshll.u32 s28, $0x1;
	[dreg:$0x2] =	wrdreg s3  }
0xa9: {  	[dreg:$0x3] =	wrdreg s5  }
0xaa: {  	[dreg:$0x4] =	wrdreg $0xC0  }
0xab: {  	_ =	task [dreg:s7], $0x5FFFF  }
0xac: {  	[dreg:$0x1] =	wrdreg $0xFFFFFFFF  }
0xad: {  	[dreg:$0x0] =	wrdreg $0x60  }
0xae: {  	[dreg:$0x2] =	wrdreg s24  }
0xaf: {  	[dreg:$0x3] =	wrdreg s2  }
0xb0: {  	[dreg:$0x4] =	wrdreg $0x84000  }
0xb1: {  	[dreg:$0x5] =	wrdreg $0x1C7000  }
0xb2: {  	[dreg:$0x6] =	wrdreg $0x9  }
0xb3: {  	_ =	task.clear_ibuf [dreg:s7], $0x7FFFF;
	_ =	strace $0x90000046  }
0xb4: {  	s29 =	simm.s32 $0x9;
	_ =	strace $0x80000048  }
0xb5: {  	_ =	swait.ge [sflag:s29], $0x1  }
0xb6: {  	[sflag:s29] =	ssyncadd.s32 $0xFFFFFFFF  }
0xb7: {  	_ =	strace $0x90000048  }
0xb8: {  	_ =	sfence  }
0xb9: {  	s30 =	sld [smem:$0x0];
	_ =	sdelay $0x2  }
0xba: {  	s31 =	sshll.u32 s1, $0xD;
	s1 =	sshrl.u32 s1, $0x2  }
0xbb: {  	s3 =	sand.u32 $0x4000, s31;
	s1 =	sadd.s32 s1, s30  }
0xbc: {  	s0 =	sor.u32 s3, s0;
	s1 =	sshll.u32 s1, $0x11  }
0xbd: {  	s0 =	sor.u32 s1, s0  }
0xbe: {  	s0 =	sadd.s32 $0x8F2B, s0  }
0xbf: {  	[sflag:s0] =	ssyncadd.remote.s32 $0x1  }
0xc0: {  	_ =	sfence.sel $0xFFFF  }
0xc1: {  	[dreg:$0x0] =	wrdreg $0xFFFFFFFF;
	(pc) =	sbr.abs _section_cstart, $3  }
0xc2: {  	[dreg:$0x1] =	wrdreg $0xFFFFFFFF  }
0xc3: {  	_ =	task.clear_ibuf [dreg:s7], $0x2FFFF;
	_ =	strace $0x9FFFFFFF  }
0xc4: {  	(tm) =	ssettm $0x7FFFFFFF  }
0xc5: {  	_ =	shalt  }
tec
execute0_lowered:
.L_overlay_start_1:
0x0: {  	(tag) =	ssettag $0x1  }
0x1: {  	s3 =	rddreg [dreg:$0x0]  }
0x2: {  	s0 =	rddreg [dreg:$0x1]  }
0x3: {  	s1 =	rddreg [dreg:$0x2]  }
0x4: {  	s2 =	rddreg [dreg:$0x3];
	s16 =	stileid.u32  }
0x5: {  	s4 =	srdreg.scid;
	s28 =	simm.s32 $0x200;
	s8 =	smul.u32 $0x14000, s16  }
0x6: {  	s30 =	simm.s32 $0x280;
	s6 =	sand.u32 $0x1, s4;
	s20 =	smul.u32 $0x500, s16  }
0x7: {  	s4 =	simm.s32 $0x0;
	s9 =	sadd.s32 $0x1C00, s3;
	s13 =	smul.u32 $0x50000, s16  }
0x8: {  	s5 =	sadd.s32 $0xBA00, s3;
	s10 =	sshll.u32 s16, $0x1;
	s14 =	smul.u32 $0x138, s16  }
0x9: {  	s19 =	smul.u32 $0xA00, s16;
	p0 =	sgt.u32 s16, $0x3;
	s16 =	simm.s32 $0x7  }
0xa: {  	s7 =	smul.u32 $0x140000, s6;
	[smem:$0x7FF] =	sst s4;
	s11 =	sshll.u32 s6, $0x7  }
0xb: {  	s10 =	sor.u32 s6, s10;
	s12 =	ssub.s32 $0x2, s6;
	s6 =	smul.u32 $0x9C, s6  }
0xc: {  	_ =	strace $0x80000047;
	s21 =	smul.u32 $0x9C, s10;
	s22 =	sshrl.u32 s12, $0x1  }
0xd: {  	s10 =	smin.u32 s10, $0x8;
	s13 =	sshrl.u32 s13, $0x2;
	s7 =	sadd.s32 s8, s7  }
0xe: {  	s8 =	sor.u32 s11, s20;
	s29 =	sadd.s32 s13, s1;
	s25 =	sadd.s32 s6, s14  }
0xf: {  	s7 =	sshrl.u32 s7, $0x3;
	s23 =	sadd.s32 $0x2000, s29;
	[dreg:$0x9] =	wrdreg s29  }
0x10: {  	s8 =	sshrl.u32 s8, $0x3;
	s24 =	sadd.s32 $0x4000, s29;
	[dreg:$0xa] =	wrdreg s23  }
0x11: {  	s11 =	sadd.s32 s10, s21;
	s13 =	sadd.s32 $0x6000, s29;
	[dreg:$0xb] =	wrdreg s24  }
0x12: {  	s26 =	sadd.s32 $0x8000, s29;
	s15 =	sadd.s32 $0xA000, s29;
	[dreg:$0xc] =	wrdreg s13  }
0x13: {  	s17 =	sadd.s32 $0xC000, s29;
	s18 =	sadd.s32 $0xE000, s29;
	[dreg:$0xd] =	wrdreg s26  }
0x14: {  	s20 =	sadd.s32 $0x10000, s29;
	s21 =	sadd.s32 $0x12000, s29;
	[dreg:$0xe] =	wrdreg s15  }
0x15: {  	s7 =	sadd.s32 s7, s3;
	s3 =	sadd.s32 s8, s3;
	[dreg:$0xf] =	wrdreg s17  }
0x16: {  	s8 =	ssub.s32 s12, s22;
	s12 =	sadd.s32 s10, s25;
	[dreg:$0x10] =	wrdreg s18  }
0x17: {  	[dreg:$0x11] =	wrdreg s20;
	s11 =	sshll.u32 s11, $0x3;
	s13 =	sshrl.u32 s19, $0x2  }
0x18: {  	s10 =	sadd.s32 s14, s10;
	[dreg:$0x12] =	wrdreg s21;
	s14 =	simm.s32 $0x9  }
0x19: {  	s17 =	simm.s32 $0x5;
	s19 =	simm.s32 $0xA;
	s20 =	simm.s32 $0x6  }
0x1a: {  	s21 =	simm.s32 $0xB;
	s18 =	simm.s32 $0xC;
	s12 =	sshll.u32 s12, $0x3  }
0x1b: {  	s11 =	sadd.s32 $0x4E0, s11;
	s31 =	sadd.s32 s13, s2;
	s6 =	sadd.s32 s6, s10  }
0x1c: {  	s7 =	sadd.s32 $0x34400, s7;
	s3 =	sadd.s32 $0x33A00, s3;
	s26 =	smax.u32 s8, $0x1  }
0x1d: {  	s8 =	simm.s32 $0x200;
	s10 =	simm.s32 $0x280;
	[dreg:$0x16] =	wrdreg s7  }
0x1e: {  	s13 =	simm.s32 $0x4;
	s15 =	sadd.s32 s12, s9;
	[dreg:$0x17] =	wrdreg s3  }
0x1f: {  	s11 =	sand.u32 $0x1FFFFFF8, s11;
	s24 =	sadd.s32 s12, s0;
	[dreg:$0x18] =	wrdreg s26  }
0x20: {  	s6 =	sshll.u32 s6, $0x3;
	s12 =	simm.s32 $0x380;
	[dreg:$0x13] =	wrdreg s31  }
0x21: {  	s7 =	simm.s32 $0x1;
	s3 =	simm.s32 $0x40;
	[dreg:$0x5] =	wrdreg s15  }
0x22: {  	s22 =	sadd.s32 s9, s11;
	s23 =	sadd.s32 s0, s11;
	[dreg:$0x6] =	wrdreg s24  }
0x23: {  	s25 =	sadd.s32 s6, s9;
	s0 =	sadd.s32 s6, s0;
	[dreg:$0x14] =	wrdreg s22  }
0x24: {  	s15 =	simm.s32 $0x1C400;
	s9 =	simm.s32 $0x0;
	[dreg:$0x15] =	wrdreg s23  }
0x25: {  	s24 =	simm.s32 $0x380;
	s11 =	simm.s32 $0x3;
	[dreg:$0x7] =	wrdreg s25  }
0x26: {  	v0 =	vimm.f32 $0.0e+00;
	v1 =	vimm.f32 $1.000000000e+00;
	[dreg:$0x8] =	wrdreg s0;
	s0 =	simm.s32 $0x300;
	s25 =	simm.s32 $0x8  }
.LBB2_1:
0x27: {  	s6 =	sand.u32 $0x7E00, s4  }
0x28: {  	[dreg:$0x19] =	wrdreg s9;
	s22 =	sand.u32 $0x70, s4;
	s23 =	sshrl.u32 s6, $0x2  }
0x29: {  	s6 =	simm.s32 $0x40;
	s22 =	sor.u32 s22, s23;
	s23 =	simm.s32 $0x0  }
.LBB2_2:
0x2a: {  	p1 =	sne.s32 s6, $0x7FC0  }
0x2b: {  	[tilespmem:s22+$0x400] =	vst v0;
	s23 =	sadd.s32 $0x10, s23;
	s22 =	smov.u32 s6;
	s6 =	sadd.s32 $0x40, s6  }
.Ltmp0:
0x2c: {  	(pc) =	sbr.rel @p1 .LBB2_2-.Ltmp0, $4  }
0x2d: {  	_ = 	snop  }
0x2e: {  	s22 =	sand.u32 $0x7E00, s22  }
0x2f: {  	s26 =	sand.u32 $0x70, s23;
	s22 =	sshrl.u32 s22, $0x2  }
0x30: {  	s22 =	sor.u32 s26, s22  }
0x31: {  	[tilespmem:s22+$0x400] =	vst v0;
	s6 =	simm.s32 $0x400;
	s22 =	simm.s32 $0x15  }
0x32: {  	[spmem:s29] =	stream.linear.scatter [tilespmem:s6], [sflag:$0x15], $0x2000, $0x38;
	[tilespmem:$0x1C980] =	vst v63  }
0x33: {  	_ =	swait.ge [sflag:s22], $0x2000  }
0x34: {  	[sflag:s22] =	ssyncset.done $0x0  }
0x35: {  	s26 =	simm.s32 $0x400;
	s29 =	rddreg [dreg:$0xa];
	[sflag:s22] =	ssyncadd.s32 $0xFFFFE000  }
0x36: {  	[spmem:s29] =	stream.linear.scatter [tilespmem:s26], [sflag:$0x15], $0x2000, $0x38;
	[tilespmem:$0x1C980] =	vst v63  }
0x37: {  	_ =	swait.ge [sflag:s22], $0x2000  }
0x38: {  	[sflag:s22] =	ssyncset.done $0x0  }
0x39: {  	s9 =	rddreg [dreg:$0xb];
	[sflag:s22] =	ssyncadd.s32 $0xFFFFE000  }
0x3a: {  	[spmem:s9] =	stream.linear.scatter [tilespmem:s26], [sflag:$0x15], $0x2000, $0x38;
	[tilespmem:$0x1C980] =	vst v63  }
0x3b: {  	_ =	swait.ge [sflag:s22], $0x2000  }
0x3c: {  	[sflag:s22] =	ssyncset.done $0x0  }
0x3d: {  	s23 =	rddreg [dreg:$0xc];
	[sflag:s22] =	ssyncadd.s32 $0xFFFFE000  }
0x3e: {  	[spmem:s23] =	stream.linear.scatter [tilespmem:s26], [sflag:$0x15], $0x2000, $0x38;
	[tilespmem:$0x1C980] =	vst v63  }
0x3f: {  	_ =	swait.ge [sflag:s22], $0x2000  }
0x40: {  	[sflag:s22] =	ssyncset.done $0x0  }
0x41: {  	s29 =	rddreg [dreg:$0xd];
	[sflag:s22] =	ssyncadd.s32 $0xFFFFE000  }
0x42: {  	[spmem:s29] =	stream.linear.scatter [tilespmem:s26], [sflag:$0x15], $0x2000, $0x38;
	[tilespmem:$0x1C980] =	vst v63  }
0x43: {  	_ =	swait.ge [sflag:s22], $0x2000  }
0x44: {  	[sflag:s22] =	ssyncset.done $0x0  }
0x45: {  	s9 =	rddreg [dreg:$0xe];
	[sflag:s22] =	ssyncadd.s32 $0xFFFFE000  }
0x46: {  	[spmem:s9] =	stream.linear.scatter [tilespmem:s26], [sflag:$0x15], $0x2000, $0x38;
	[tilespmem:$0x1C980] =	vst v63  }
0x47: {  	_ =	swait.ge [sflag:s22], $0x2000  }
0x48: {  	[sflag:s22] =	ssyncset.done $0x0  }
0x49: {  	s23 =	rddreg [dreg:$0xf];
	[sflag:s22] =	ssyncadd.s32 $0xFFFFE000  }
0x4a: {  	[spmem:s23] =	stream.linear.scatter [tilespmem:s26], [sflag:$0x15], $0x2000, $0x38;
	[tilespmem:$0x1C980] =	vst v63  }
0x4b: {  	_ =	swait.ge [sflag:s22], $0x2000  }
0x4c: {  	[sflag:s22] =	ssyncset.done $0x0  }
0x4d: {  	s29 =	rddreg [dreg:$0x10];
	[sflag:s22] =	ssyncadd.s32 $0xFFFFE000  }
0x4e: {  	[spmem:s29] =	stream.linear.scatter [tilespmem:s26], [sflag:$0x15], $0x2000, $0x38;
	[tilespmem:$0x1C980] =	vst v63  }
0x4f: {  	_ =	swait.ge [sflag:s22], $0x2000  }
0x50: {  	[sflag:s22] =	ssyncset.done $0x0  }
0x51: {  	s9 =	rddreg [dreg:$0x11];
	[sflag:s22] =	ssyncadd.s32 $0xFFFFE000  }
0x52: {  	[spmem:s9] =	stream.linear.scatter [tilespmem:s26], [sflag:$0x15], $0x2000, $0x38;
	[tilespmem:$0x1C980] =	vst v63  }
0x53: {  	_ =	swait.ge [sflag:s22], $0x2000  }
0x54: {  	[sflag:s22] =	ssyncset.done $0x0  }
0x55: {  	s23 =	rddreg [dreg:$0x12];
	[sflag:s22] =	ssyncadd.s32 $0xFFFFE000  }
0x56: {  	[spmem:s23] =	stream.linear.scatter [tilespmem:s26], [sflag:$0x15], $0x2000, $0x38;
	[tilespmem:$0x1C980] =	vst v63  }
0x57: {  	_ =	swait.ge [sflag:s22], $0x2000  }
0x58: {  	[sflag:s22] =	ssyncset.done $0x0  }
0x59: {  	s6 =	simm.s32 $0x1C480;
	s29 =	simm.s32 $0x0;
	[sflag:s22] =	ssyncadd.s32 $0xFFFFE000  }
0x5a: {  	s9 =	simm.s32 $0x2;
	s23 =	simm.s32 $0x10;
	s22 =	sand.u32 $0x30, s29;
	[tilespmem:s6+$0x0] =	vst v0  }
.LBB2_4:
0x5b: {  	p1 =	sne.s32 s23, $0x270  }
0x5c: {  	[tilespmem:s22+$0x1C400] =	vst v1;
	s6 =	sadd.s32 $0x10, s6;
	s22 =	smov.u32 s23;
	s23 =	sadd.s32 $0x10, s23  }
.Ltmp1:
0x5d: {  	(pc) =	sbr.rel @p1 .LBB2_4-.Ltmp1, $2  }
0x5e: {  	_ =	sdelay $0x2  }
0x5f: {  	s22 =	sand.u32 $0x30, s22;
	[tilespmem:s6+$0x0] =	vst v0  }
0x60: {  	[tilespmem:s22+$0x1C400] =	vst v1;
	s6 =	simm.s32 $0x1C480;
	s29 =	simm.s32 $0x15  }
0x61: {  	[spmem:s31] =	stream.linear.scatter [tilespmem:s6], [sflag:$0x15], $0x280, $0x38;
	[tilespmem:$0x1C980] =	vst v63  }
0x62: {  	_ =	swait.ge [sflag:s29], $0x280  }
0x63: {  	p1 =	por $0x1, $0x1;
	[sflag:s29] =	ssyncset.done $0x0  }
0x64: {  	p1 =	por p1, p1;
	[sflag:s29] =	ssyncadd.s32 $0xFFFFFD80  }
0x65: {  	s6 =	simm.s32 @!p1 $0xD;
	[bflag:$0x0] =	sbarrier.arrive $0xFFFF  }
0x66: {  	_ =	swait.ge @!p1 [sflag:s6], $0x2000  }
0x67: {  	[sflag:s6] =	ssyncset.done @!p1 $0x0  }
0x68: {  	[sflag:s6] =	ssyncadd.s32 @!p1 $0xFFFFE000;
	s6 =	simm.s32 @!p1 $0x11  }
0x69: {  	_ =	swait.ge @!p1 [sflag:s6], $0x40  }
0x6a: {  	s31 =	rddreg [dreg:$0x5];
	[sflag:s6] =	ssyncset.done @!p1 $0x0  }
0x6b: {  	s23 =	rddreg [dreg:$0x6];
	[sflag:s6] =	ssyncadd.s32 @!p1 $0xFFFFFFC0;
	s22 =	sadd.s32 $0x0, s31  }
0x6c: {  	[tilespmem:s4], [sflag:$0x1] =	stream.linear.gather [hbm4b:s22+s4], $0x40, $0x38;
	[tilespmem:$0x1C980] =	vst v63  }
0x6d: {  	s23 =	sadd.s32 $0x0, s23;
	s22 =	simm.s32 @!p1 $0xE  }
0x6e: {  	[tilespmem:s8], [sflag:$0x5] =	stream.linear.gather [hbm4b:s23+s4], $0x40, $0x38;
	[tilespmem:$0x1C980] =	vst v63  }
0x6f: {  	_ =	swait.ge @!p1 [sflag:s22], $0x2000  }
0x70: {  	[sflag:s22] =	ssyncset.done @!p1 $0x0  }
0x71: {  	s6 =	simm.s32 @!p1 $0x12;
	[sflag:s22] =	ssyncadd.s32 @!p1 $0xFFFFE000  }
0x72: {  	_ =	swait.ge @!p1 [sflag:s6], $0x40  }
0x73: {  	s8 =	simm.s32 $0x80;
	s29 =	rddreg [dreg:$0x7]  }
0x74: {  	s31 =	rddreg [dreg:$0x8];
	[sflag:s6] =	ssyncset.done @!p1 $0x0;
	s22 =	sadd.s32 $0x0, s29  }
0x75: {  	[sflag:s6] =	ssyncadd.s32 @!p1 $0xFFFFFFC0;
	s6 =	sadd.s32 $0x0, s31;
	s29 =	sadd.s32 $0x8, s22  }
0x76: {  	[tilespmem:s8], [sflag:$0x2] =	stream.linear.gather [hbm4b:s29+s4], $0x40, $0x38;
	[tilespmem:$0x1C980] =	vst v63  }
0x77: {  	s23 =	sadd.s32 $0x8, s6  }
0x78: {  	[tilespmem:s10], [sflag:$0x6] =	stream.linear.gather [hbm4b:s23+s4], $0x40, $0x38;
	[tilespmem:$0x1C980] =	vst v63  }
0x79: {  	s23 =	simm.s32 @!p1 $0xF  }
0x7a: {  	_ =	swait.ge @!p1 [sflag:s23], $0x2000  }
0x7b: {  	[sflag:s23] =	ssyncset.done @!p1 $0x0  }
0x7c: {  	[sflag:s23] =	ssyncadd.s32 @!p1 $0xFFFFE000;
	s23 =	simm.s32 @!p1 $0x13  }
0x7d: {  	_ =	swait.ge @!p1 [sflag:s23], $0x40  }
0x7e: {  	[sflag:s23] =	ssyncset.done @!p1 $0x0  }
0x7f: {  	s31 =	sadd.s32 $0x10, s22;
	s29 =	simm.s32 $0x100;
	[sflag:s23] =	ssyncadd.s32 @!p1 $0xFFFFFFC0  }
0x80: {  	[tilespmem:s29], [sflag:$0x3] =	stream.linear.gather [hbm4b:s31+s4], $0x40, $0x38;
	[tilespmem:$0x1C980] =	vst v63  }
0x81: {  	s10 =	sadd.s32 $0x10, s6;
	s23 =	simm.s32 @!p1 $0x10  }
0x82: {  	[tilespmem:s0], [sflag:$0x7] =	stream.linear.gather [hbm4b:s10+s4], $0x40, $0x38;
	[tilespmem:$0x1C980] =	vst v63  }
0x83: {  	_ =	swait.ge @!p1 [sflag:s23], $0x2000  }
0x84: {  	[sflag:s23] =	ssyncset.done @!p1 $0x0  }
0x85: {  	[sflag:s23] =	ssyncadd.s32 @!p1 $0xFFFFE000;
	s23 =	simm.s32 @!p1 $0x14  }
0x86: {  	_ =	swait.ge @!p1 [sflag:s23], $0x40  }
0x87: {  	[sflag:s23] =	ssyncset.done @!p1 $0x0  }
0x88: {  	s22 =	sadd.s32 $0x18, s22;
	s10 =	simm.s32 $0x180;
	[sflag:s23] =	ssyncadd.s32 @!p1 $0xFFFFFFC0  }
0x89: {  	[tilespmem:s10], [sflag:$0x4] =	stream.linear.gather [hbm4b:s22+s4], $0x40, $0x38;
	[tilespmem:$0x1C980] =	vst v63  }
0x8a: {  	s6 =	sadd.s32 $0x18, s6  }
0x8b: {  	[tilespmem:s12], [sflag:$0x8] =	stream.linear.gather [hbm4b:s6+s4], $0x40, $0x38;
	[tilespmem:$0x1C980] =	vst v63  }
0x8c: {  	_ =	swait.ge [sflag:s7], $0x40  }
0x8d: {  	[sflag:s7] =	ssyncset.done $0x0  }
0x8e: {  	[sflag:s7] =	ssyncadd.s32 $0xFFFFFFC0  }
0x8f: {  	[tilespmem:s26], [sflag:$0x9] =	stream.indirect.gather [hbm4b:s5+s3], $0x80, s4, s3, $0xb8;
	[tilespmem:$0x1C980] =	vst v63  }
0x90: {  	_ =	swait.ge [sflag:s9], $0x40  }
0x91: {  	[sflag:s9] =	ssyncset.done $0x0  }
0x92: {  	s12 =	simm.s32 $0x2400;
	[sflag:s9] =	ssyncadd.s32 $0xFFFFFFC0  }
0x93: {  	[tilespmem:s12], [sflag:$0xA] =	stream.indirect.gather [hbm4b:s5+s3], $0x80, s8, s3, $0xb8;
	[tilespmem:$0x1C980] =	vst v63  }
0x94: {  	_ =	swait.ge [sflag:s11], $0x40  }
0x95: {  	[sflag:s11] =	ssyncset.done $0x0  }
0x96: {  	s29 =	simm.s32 $0x4400;
	s23 =	simm.s32 $0x100;
	[sflag:s11] =	ssyncadd.s32 $0xFFFFFFC0  }
0x97: {  	[tilespmem:s29], [sflag:$0xB] =	stream.indirect.gather [hbm4b:s5+s3], $0x80, s23, s3, $0xb8;
	[tilespmem:$0x1C980] =	vst v63  }
0x98: {  	_ =	swait.ge [sflag:s13], $0x40  }
0x99: {  	[sflag:s13] =	ssyncset.done $0x0  }
0x9a: {  	s31 =	simm.s32 $0x6400;
	[sflag:s13] =	ssyncadd.s32 $0xFFFFFFC0  }
0x9b: {  	[tilespmem:s31], [sflag:$0xC] =	stream.indirect.gather [hbm4b:s5+s3], $0x80, s10, s3, $0xb8;
	[tilespmem:$0x1C980] =	vst v63  }
0x9c: {  	_ =	swait.ge [sflag:s14], $0x2000  }
0x9d: {  	[sflag:s14] =	ssyncset.done $0x0  }
0x9e: {  	[sflag:s14] =	ssyncadd.s32 $0xFFFFE000  }
0x9f: {  	_ =	swait.ge [sflag:s17], $0x40  }
0xa0: {  	[sflag:s17] =	ssyncset.done $0x0  }
0xa1: {  	[sflag:s17] =	ssyncadd.s32 $0xFFFFFFC0  }
0xa2: {  	[spmem:s1] =	stream.indirect.scatter.add.f32 [tilespmem:s26], [sflag:$0xD], $0x80, s28, s3, $0xb8;
	[tilespmem:$0x1C980] =	vst v63  }
0xa3: {  	_ = 	snop  }
0xa4: {  	[spmem:s2] =	stream.indirect.scatter.add.f32 [tilespmem:s15], [sflag:$0x11], $0x1, s28, s3, $0xb8;
	[tilespmem:$0x1C980] =	vst v63  }
0xa5: {  	_ =	swait.ge [sflag:s19], $0x2000  }
0xa6: {  	[sflag:s19] =	ssyncset.done $0x0  }
0xa7: {  	[sflag:s19] =	ssyncadd.s32 $0xFFFFE000  }
0xa8: {  	_ =	swait.ge [sflag:s20], $0x40  }
0xa9: {  	[sflag:s20] =	ssyncset.done $0x0  }
0xaa: {  	[sflag:s20] =	ssyncadd.s32 $0xFFFFFFC0  }
0xab: {  	[spmem:s1] =	stream.indirect.scatter.add.f32 [tilespmem:s12], [sflag:$0xE], $0x80, s30, s3, $0xb8;
	[tilespmem:$0x1C980] =	vst v63  }
0xac: {  	_ = 	snop  }
0xad: {  	[spmem:s2] =	stream.indirect.scatter.add.f32 [tilespmem:s15], [sflag:$0x12], $0x1, s30, s3, $0xb8;
	[tilespmem:$0x1C980] =	vst v63  }
0xae: {  	_ =	swait.ge [sflag:s21], $0x2000  }
0xaf: {  	[sflag:s21] =	ssyncset.done $0x0  }
0xb0: {  	[sflag:s21] =	ssyncadd.s32 $0xFFFFE000  }
0xb1: {  	_ =	swait.ge [sflag:s16], $0x40  }
0xb2: {  	[sflag:s16] =	ssyncset.done $0x0  }
0xb3: {  	s0 =	simm.s32 $0x300;
	[sflag:s16] =	ssyncadd.s32 $0xFFFFFFC0  }
0xb4: {  	[spmem:s1] =	stream.indirect.scatter.add.f32 [tilespmem:s29], [sflag:$0xF], $0x80, s0, s3, $0xb8;
	[tilespmem:$0x1C980] =	vst v63  }
0xb5: {  	_ = 	snop  }
0xb6: {  	[spmem:s2] =	stream.indirect.scatter.add.f32 [tilespmem:s15], [sflag:$0x13], $0x1, s0, s3, $0xb8;
	[tilespmem:$0x1C980] =	vst v63  }
0xb7: {  	_ =	swait.ge [sflag:s18], $0x2000  }
0xb8: {  	[sflag:s18] =	ssyncset.done $0x0  }
0xb9: {  	p6 =	por $0x0, $0x0;
	[sflag:s18] =	ssyncadd.s32 $0xFFFFE000  }
0xba: {  	p1 =	por p6, p6;
	_ =	swait.ge [sflag:s25], $0x40  }
0xbb: {  	s6 =	simm.s32 $0x20;
	s7 =	simm.s32 $0x1;
	[sflag:s25] =	ssyncset.done $0x0  }
0xbc: {  	s9 =	simm.s32 $0x2;
	s23 =	simm.s32 $0x40;
	[sflag:s25] =	ssyncadd.s32 $0xFFFFFFC0  }
0xbd: {  	[spmem:s1] =	stream.indirect.scatter.add.f32 [tilespmem:s31], [sflag:$0x10], $0x80, s24, s3, $0xb8;
	[tilespmem:$0x1C980] =	vst v63  }
.LBB2_6:
0xbe: {  	s22 =	simm.s32 @!p1 $0xD  }
0xbf: {  	[spmem:s2] =	stream.indirect.scatter.add.f32 [tilespmem:s15], [sflag:$0x14], $0x1, s24, s3, $0xb8;
	[tilespmem:$0x1C980] =	vst v63  }
0xc0: {  	_ =	swait.ge @!p1 [sflag:s22], $0x2000  }
0xc1: {  	[sflag:s22] =	ssyncset.done @!p1 $0x0  }
0xc2: {  	[sflag:s22] =	ssyncadd.s32 @!p1 $0xFFFFE000;
	s22 =	simm.s32 @!p1 $0x11  }
0xc3: {  	_ =	swait.ge @!p1 [sflag:s22], $0x40  }
0xc4: {  	s29 =	rddreg [dreg:$0x5];
	[sflag:s22] =	ssyncset.done @!p1 $0x0  }
0xc5: {  	s31 =	rddreg [dreg:$0x6];
	[sflag:s22] =	ssyncadd.s32 @!p1 $0xFFFFFFC0;
	s22 =	sadd.s32 s6, s29  }
0xc6: {  	[tilespmem:s4], [sflag:$0x1] =	stream.linear.gather [hbm4b:s22+s4], $0x40, $0x38;
	[tilespmem:$0x1C980] =	vst v63  }
0xc7: {  	s29 =	simm.s32 @!p1 $0xE;
	s22 =	sadd.s32 s6, s31  }
0xc8: {  	[tilespmem:s28], [sflag:$0x5] =	stream.linear.gather [hbm4b:s22+s4], $0x40, $0x38;
	[tilespmem:$0x1C980] =	vst v63  }
0xc9: {  	_ =	swait.ge @!p1 [sflag:s29], $0x2000  }
0xca: {  	[sflag:s29] =	ssyncset.done @!p1 $0x0  }
0xcb: {  	s22 =	simm.s32 @!p1 $0x12;
	[sflag:s29] =	ssyncadd.s32 @!p1 $0xFFFFE000  }
0xcc: {  	_ =	swait.ge @!p1 [sflag:s22], $0x40  }
0xcd: {  	s29 =	rddreg [dreg:$0x7]  }
0xce: {  	s8 =	simm.s32 $0x80;
	[sflag:s22] =	ssyncset.done @!p1 $0x0;
	s29 =	sadd.s32 s6, s29  }
0xcf: {  	s31 =	rddreg [dreg:$0x8];
	[sflag:s22] =	ssyncadd.s32 @!p1 $0xFFFFFFC0;
	s22 =	sadd.s32 $0x8, s29  }
0xd0: {  	[tilespmem:s8], [sflag:$0x2] =	stream.linear.gather [hbm4b:s22+s4], $0x40, $0x38;
	[tilespmem:$0x1C980] =	vst v63  }
0xd1: {  	s26 =	smov.u32 s23;
	s22 =	sadd.s32 s6, s31  }
0xd2: {  	s6 =	smov.u32 s26;
	s31 =	simm.s32 @!p1 $0xF;
	s26 =	sadd.s32 $0x8, s22  }
0xd3: {  	[tilespmem:s30], [sflag:$0x6] =	stream.linear.gather [hbm4b:s26+s4], $0x40, $0x38;
	[tilespmem:$0x1C980] =	vst v63  }
0xd4: {  	_ =	swait.ge @!p1 [sflag:s31], $0x2000  }
0xd5: {  	[sflag:s31] =	ssyncset.done @!p1 $0x0  }
0xd6: {  	s26 =	simm.s32 @!p1 $0x13;
	[sflag:s31] =	ssyncadd.s32 @!p1 $0xFFFFE000  }
0xd7: {  	_ =	swait.ge @!p1 [sflag:s26], $0x40  }
0xd8: {  	[sflag:s26] =	ssyncset.done @!p1 $0x0  }
0xd9: {  	s8 =	simm.s32 $0x100;
	s31 =	sadd.s32 $0x10, s29;
	[sflag:s26] =	ssyncadd.s32 @!p1 $0xFFFFFFC0  }
0xda: {  	[tilespmem:s8], [sflag:$0x3] =	stream.linear.gather [hbm4b:s31+s4], $0x40, $0x38;
	[tilespmem:$0x1C980] =	vst v63  }
0xdb: {  	s26 =	sadd.s32 $0x10, s22;
	s31 =	simm.s32 @!p1 $0x10  }
0xdc: {  	[tilespmem:s0], [sflag:$0x7] =	stream.linear.gather [hbm4b:s26+s4], $0x40, $0x38;
	[tilespmem:$0x1C980] =	vst v63  }
0xdd: {  	_ =	swait.ge @!p1 [sflag:s31], $0x2000  }
0xde: {  	[sflag:s31] =	ssyncset.done @!p1 $0x0  }
0xdf: {  	s26 =	simm.s32 @!p1 $0x14;
	[sflag:s31] =	ssyncadd.s32 @!p1 $0xFFFFE000  }
0xe0: {  	_ =	swait.ge @!p1 [sflag:s26], $0x40  }
0xe1: {  	[sflag:s26] =	ssyncset.done @!p1 $0x0  }
0xe2: {  	s29 =	sadd.s32 $0x18, s29;
	[sflag:s26] =	ssyncadd.s32 @!p1 $0xFFFFFFC0  }
0xe3: {  	[tilespmem:s10], [sflag:$0x4] =	stream.linear.gather [hbm4b:s29+s4], $0x40, $0x38;
	[tilespmem:$0x1C980] =	vst v63  }
0xe4: {  	s22 =	sadd.s32 $0x18, s22  }
0xe5: {  	[tilespmem:s24], [sflag:$0x8] =	stream.linear.gather [hbm4b:s22+s4], $0x40, $0x38;
	[tilespmem:$0x1C980] =	vst v63  }
0xe6: {  	_ =	swait.ge [sflag:s7], $0x40  }
0xe7: {  	[sflag:s7] =	ssyncset.done $0x0  }
0xe8: {  	s29 =	simm.s32 $0x400;
	[sflag:s7] =	ssyncadd.s32 $0xFFFFFFC0  }
0xe9: {  	[tilespmem:s29], [sflag:$0x9] =	stream.indirect.gather [hbm4b:s5+s3], $0x80, s4, s3, $0xb8;
	[tilespmem:$0x1C980] =	vst v63  }
0xea: {  	_ =	swait.ge [sflag:s9], $0x40  }
0xeb: {  	[sflag:s9] =	ssyncset.done $0x0  }
0xec: {  	s31 =	simm.s32 $0x80;
	[sflag:s9] =	ssyncadd.s32 $0xFFFFFFC0  }
0xed: {  	[tilespmem:s12], [sflag:$0xA] =	stream.indirect.gather [hbm4b:s5+s3], $0x80, s31, s3, $0xb8;
	[tilespmem:$0x1C980] =	vst v63  }
0xee: {  	_ =	swait.ge [sflag:s11], $0x40  }
0xef: {  	[sflag:s11] =	ssyncset.done $0x0  }
0xf0: {  	s26 =	simm.s32 $0x4400;
	[sflag:s11] =	ssyncadd.s32 $0xFFFFFFC0  }
0xf1: {  	[tilespmem:s26], [sflag:$0xB] =	stream.indirect.gather [hbm4b:s5+s3], $0x80, s8, s3, $0xb8;
	[tilespmem:$0x1C980] =	vst v63  }
0xf2: {  	_ =	swait.ge [sflag:s13], $0x40  }
0xf3: {  	[sflag:s13] =	ssyncset.done $0x0  }
0xf4: {  	s22 =	simm.s32 $0x6400;
	[sflag:s13] =	ssyncadd.s32 $0xFFFFFFC0  }
0xf5: {  	[tilespmem:s22], [sflag:$0xC] =	stream.indirect.gather [hbm4b:s5+s3], $0x80, s10, s3, $0xb8;
	[tilespmem:$0x1C980] =	vst v63  }
0xf6: {  	_ =	swait.ge [sflag:s14], $0x2000  }
0xf7: {  	[sflag:s14] =	ssyncset.done $0x0  }
0xf8: {  	[sflag:s14] =	ssyncadd.s32 $0xFFFFE000  }
0xf9: {  	_ =	swait.ge [sflag:s17], $0x40  }
0xfa: {  	[sflag:s17] =	ssyncset.done $0x0  }
0xfb: {  	[sflag:s17] =	ssyncadd.s32 $0xFFFFFFC0  }
0xfc: {  	[spmem:s1] =	stream.indirect.scatter.add.f32 [tilespmem:s29], [sflag:$0xD], $0x80, s28, s3, $0xb8;
	[tilespmem:$0x1C980] =	vst v63  }
0xfd: {  	_ = 	snop  }
0xfe: {  	[spmem:s2] =	stream.indirect.scatter.add.f32 [tilespmem:s15], [sflag:$0x11], $0x1, s28, s3, $0xb8;
	[tilespmem:$0x1C980] =	vst v63  }
0xff: {  	_ =	swait.ge [sflag:s19], $0x2000  }
0x100: {  	[sflag:s19] =	ssyncset.done $0x0  }
0x101: {  	[sflag:s19] =	ssyncadd.s32 $0xFFFFE000  }
0x102: {  	_ =	swait.ge [sflag:s20], $0x40  }
0x103: {  	[sflag:s20] =	ssyncset.done $0x0  }
0x104: {  	[sflag:s20] =	ssyncadd.s32 $0xFFFFFFC0  }
0x105: {  	[spmem:s1] =	stream.indirect.scatter.add.f32 [tilespmem:s12], [sflag:$0xE], $0x80, s30, s3, $0xb8;
	[tilespmem:$0x1C980] =	vst v63  }
0x106: {  	_ = 	snop  }
0x107: {  	[spmem:s2] =	stream.indirect.scatter.add.f32 [tilespmem:s15], [sflag:$0x12], $0x1, s30, s3, $0xb8;
	[tilespmem:$0x1C980] =	vst v63  }
0x108: {  	_ =	swait.ge [sflag:s21], $0x2000  }
0x109: {  	[sflag:s21] =	ssyncset.done $0x0  }
0x10a: {  	[sflag:s21] =	ssyncadd.s32 $0xFFFFE000  }
0x10b: {  	_ =	swait.ge [sflag:s16], $0x40  }
0x10c: {  	[sflag:s16] =	ssyncset.done $0x0  }
0x10d: {  	[sflag:s16] =	ssyncadd.s32 $0xFFFFFFC0  }
0x10e: {  	[spmem:s1] =	stream.indirect.scatter.add.f32 [tilespmem:s26], [sflag:$0xF], $0x80, s0, s3, $0xb8;
	[tilespmem:$0x1C980] =	vst v63  }
0x10f: {  	_ = 	snop  }
0x110: {  	[spmem:s2] =	stream.indirect.scatter.add.f32 [tilespmem:s15], [sflag:$0x13], $0x1, s0, s3, $0xb8;
	[tilespmem:$0x1C980] =	vst v63  }
0x111: {  	p3 =	seq.s32 s23, $0x0;
	s23 =	sadd.s32 $0x20, s23;
	_ =	swait.ge [sflag:s18], $0x2000  }
0x112: {  	p2 =	sne.s32 s23, $0x4E0;
	[sflag:s18] =	ssyncset.done $0x0  }
.Ltmp2:
0x113: {  	[sflag:s18] =	ssyncadd.s32 $0xFFFFE000;
	(pc) =	sbr.rel @p2 .LBB2_6-.Ltmp2, $4  }
0x114: {  	_ =	swait.ge [sflag:s25], $0x40  }
0x115: {  	[sflag:s25] =	ssyncset.done $0x0  }
0x116: {  	p1 =	por p3, p3;
	[sflag:s25] =	ssyncadd.s32 $0xFFFFFFC0  }
0x117: {  	[spmem:s1] =	stream.indirect.scatter.add.f32 [tilespmem:s22], [sflag:$0x10], $0x80, s24, s3, $0xb8;
	[tilespmem:$0x1C980] =	vst v63  }
0x118: {  	s22 =	simm.s32 @!p1 $0xD  }
0x119: {  	[spmem:s2] =	stream.indirect.scatter.add.f32 [tilespmem:s15], [sflag:$0x14], $0x1, s24, s3, $0xb8;
	[tilespmem:$0x1C980] =	vst v63  }
0x11a: {  	_ =	swait.ge @!p1 [sflag:s22], $0x2000  }
0x11b: {  	[sflag:s22] =	ssyncset.done @!p1 $0x0  }
0x11c: {  	[sflag:s22] =	ssyncadd.s32 @!p1 $0xFFFFE000;
	s22 =	simm.s32 @!p1 $0x11  }
0x11d: {  	_ =	swait.ge @!p1 [sflag:s22], $0x40  }
0x11e: {  	s23 =	rddreg [dreg:$0x5];
	[sflag:s22] =	ssyncset.done @!p1 $0x0  }
0x11f: {  	s26 =	rddreg [dreg:$0x6];
	[sflag:s22] =	ssyncadd.s32 @!p1 $0xFFFFFFC0;
	s23 =	sadd.s32 s6, s23  }
0x120: {  	[tilespmem:s4], [sflag:$0x1] =	stream.linear.gather [hbm4b:s23+s4], $0x40, $0x38;
	[tilespmem:$0x1C980] =	vst v63  }
0x121: {  	s26 =	sadd.s32 s6, s26;
	s23 =	simm.s32 @!p1 $0xE  }
0x122: {  	[tilespmem:s28], [sflag:$0x5] =	stream.linear.gather [hbm4b:s26+s4], $0x40, $0x38;
	[tilespmem:$0x1C980] =	vst v63  }
0x123: {  	_ =	swait.ge @!p1 [sflag:s23], $0x2000  }
0x124: {  	[sflag:s23] =	ssyncset.done @!p1 $0x0  }
0x125: {  	s22 =	simm.s32 @!p1 $0x12;
	[sflag:s23] =	ssyncadd.s32 @!p1 $0xFFFFE000  }
0x126: {  	_ =	swait.ge @!p1 [sflag:s22], $0x40  }
0x127: {  	s23 =	rddreg [dreg:$0x7]  }
0x128: {  	s26 =	rddreg [dreg:$0x8];
	[sflag:s22] =	ssyncset.done @!p1 $0x0;
	s23 =	sadd.s32 s6, s23  }
0x129: {  	[sflag:s22] =	ssyncadd.s32 @!p1 $0xFFFFFFC0;
	s6 =	sadd.s32 s6, s26;
	s22 =	sadd.s32 $0x8, s23  }
0x12a: {  	[tilespmem:s31], [sflag:$0x2] =	stream.linear.gather [hbm4b:s22+s4], $0x40, $0x38;
	[tilespmem:$0x1C980] =	vst v63  }
0x12b: {  	s26 =	simm.s32 @!p1 $0xF;
	s22 =	sadd.s32 $0x8, s6  }
0x12c: {  	[tilespmem:s30], [sflag:$0x6] =	stream.linear.gather [hbm4b:s22+s4], $0x40, $0x38;
	[tilespmem:$0x1C980] =	vst v63  }
0x12d: {  	_ =	swait.ge @!p1 [sflag:s26], $0x2000  }
0x12e: {  	[sflag:s26] =	ssyncset.done @!p1 $0x0  }
0x12f: {  	s22 =	simm.s32 @!p1 $0x13;
	[sflag:s26] =	ssyncadd.s32 @!p1 $0xFFFFE000  }
0x130: {  	_ =	swait.ge @!p1 [sflag:s22], $0x40  }
0x131: {  	[sflag:s22] =	ssyncset.done @!p1 $0x0  }
0x132: {  	s26 =	sadd.s32 $0x10, s23;
	[sflag:s22] =	ssyncadd.s32 @!p1 $0xFFFFFFC0  }
0x133: {  	[tilespmem:s8], [sflag:$0x3] =	stream.linear.gather [hbm4b:s26+s4], $0x40, $0x38;
	[tilespmem:$0x1C980] =	vst v63  }
0x134: {  	s22 =	sadd.s32 $0x10, s6;
	s26 =	simm.s32 @!p1 $0x10  }
0x135: {  	[tilespmem:s0], [sflag:$0x7] =	stream.linear.gather [hbm4b:s22+s4], $0x40, $0x38;
	[tilespmem:$0x1C980] =	vst v63  }
0x136: {  	_ =	swait.ge @!p1 [sflag:s26], $0x2000  }
0x137: {  	[sflag:s26] =	ssyncset.done @!p1 $0x0  }
0x138: {  	s22 =	simm.s32 @!p1 $0x14;
	[sflag:s26] =	ssyncadd.s32 @!p1 $0xFFFFE000  }
0x139: {  	_ =	swait.ge @!p1 [sflag:s22], $0x40  }
0x13a: {  	[sflag:s22] =	ssyncset.done @!p1 $0x0  }
0x13b: {  	s23 =	sadd.s32 $0x18, s23;
	[sflag:s22] =	ssyncadd.s32 @!p1 $0xFFFFFFC0  }
0x13c: {  	[tilespmem:s10], [sflag:$0x4] =	stream.linear.gather [hbm4b:s23+s4], $0x40, $0x38;
	[tilespmem:$0x1C980] =	vst v63  }
0x13d: {  	s6 =	sadd.s32 $0x18, s6  }
0x13e: {  	[tilespmem:s24], [sflag:$0x8] =	stream.linear.gather [hbm4b:s6+s4], $0x40, $0x38;
	[tilespmem:$0x1C980] =	vst v63  }
0x13f: {  	_ =	swait.ge [sflag:s7], $0x40  }
0x140: {  	[sflag:s7] =	ssyncset.done $0x0  }
0x141: {  	[sflag:s7] =	ssyncadd.s32 $0xFFFFFFC0  }
0x142: {  	[tilespmem:s29], [sflag:$0x9] =	stream.indirect.gather [hbm4b:s5+s3], $0x80, s4, s3, $0xb8;
	[tilespmem:$0x1C980] =	vst v63  }
0x143: {  	_ =	swait.ge [sflag:s9], $0x40  }
0x144: {  	[sflag:s9] =	ssyncset.done $0x0  }
0x145: {  	[sflag:s9] =	ssyncadd.s32 $0xFFFFFFC0  }
0x146: {  	[tilespmem:s12], [sflag:$0xA] =	stream.indirect.gather [hbm4b:s5+s3], $0x80, s31, s3, $0xb8;
	[tilespmem:$0x1C980] =	vst v63  }
0x147: {  	_ =	swait.ge [sflag:s11], $0x40  }
0x148: {  	[sflag:s11] =	ssyncset.done $0x0  }
0x149: {  	s22 =	simm.s32 $0x4400;
	[sflag:s11] =	ssyncadd.s32 $0xFFFFFFC0  }
0x14a: {  	[tilespmem:s22], [sflag:$0xB] =	stream.indirect.gather [hbm4b:s5+s3], $0x80, s8, s3, $0xb8;
	[tilespmem:$0x1C980] =	vst v63  }
0x14b: {  	_ =	swait.ge [sflag:s13], $0x40  }
0x14c: {  	[sflag:s13] =	ssyncset.done $0x0  }
0x14d: {  	s23 =	simm.s32 $0x6400;
	[sflag:s13] =	ssyncadd.s32 $0xFFFFFFC0  }
0x14e: {  	[tilespmem:s23], [sflag:$0xC] =	stream.indirect.gather [hbm4b:s5+s3], $0x80, s10, s3, $0xb8;
	[tilespmem:$0x1C980] =	vst v63  }
0x14f: {  	_ =	swait.ge [sflag:s14], $0x2000  }
0x150: {  	[sflag:s14] =	ssyncset.done $0x0  }
0x151: {  	[sflag:s14] =	ssyncadd.s32 $0xFFFFE000  }
0x152: {  	_ =	swait.ge [sflag:s17], $0x40  }
0x153: {  	[sflag:s17] =	ssyncset.done $0x0  }
0x154: {  	[sflag:s17] =	ssyncadd.s32 $0xFFFFFFC0  }
0x155: {  	[spmem:s1] =	stream.indirect.scatter.add.f32 [tilespmem:s29], [sflag:$0xD], $0x80, s28, s3, $0xb8;
	[tilespmem:$0x1C980] =	vst v63  }
0x156: {  	_ = 	snop  }
0x157: {  	[spmem:s2] =	stream.indirect.scatter.add.f32 [tilespmem:s15], [sflag:$0x11], $0x1, s28, s3, $0xb8;
	[tilespmem:$0x1C980] =	vst v63  }
0x158: {  	_ =	swait.ge [sflag:s19], $0x2000  }
0x159: {  	[sflag:s19] =	ssyncset.done $0x0  }
0x15a: {  	[sflag:s19] =	ssyncadd.s32 $0xFFFFE000  }
0x15b: {  	_ =	swait.ge [sflag:s20], $0x40  }
0x15c: {  	[sflag:s20] =	ssyncset.done $0x0  }
0x15d: {  	[sflag:s20] =	ssyncadd.s32 $0xFFFFFFC0  }
0x15e: {  	[spmem:s1] =	stream.indirect.scatter.add.f32 [tilespmem:s12], [sflag:$0xE], $0x80, s30, s3, $0xb8;
	[tilespmem:$0x1C980] =	vst v63  }
0x15f: {  	_ = 	snop  }
0x160: {  	[spmem:s2] =	stream.indirect.scatter.add.f32 [tilespmem:s15], [sflag:$0x12], $0x1, s30, s3, $0xb8;
	[tilespmem:$0x1C980] =	vst v63  }
0x161: {  	_ =	swait.ge [sflag:s21], $0x2000  }
0x162: {  	[sflag:s21] =	ssyncset.done $0x0  }
0x163: {  	[sflag:s21] =	ssyncadd.s32 $0xFFFFE000  }
0x164: {  	_ =	swait.ge [sflag:s16], $0x40  }
0x165: {  	[sflag:s16] =	ssyncset.done $0x0  }
0x166: {  	[sflag:s16] =	ssyncadd.s32 $0xFFFFFFC0  }
0x167: {  	[spmem:s1] =	stream.indirect.scatter.add.f32 [tilespmem:s22], [sflag:$0xF], $0x80, s0, s3, $0xb8;
	[tilespmem:$0x1C980] =	vst v63  }
0x168: {  	_ = 	snop  }
0x169: {  	[spmem:s2] =	stream.indirect.scatter.add.f32 [tilespmem:s15], [sflag:$0x13], $0x1, s0, s3, $0xb8;
	[tilespmem:$0x1C980] =	vst v63  }
0x16a: {  	_ =	swait.ge [sflag:s18], $0x2000  }
0x16b: {  	[sflag:s18] =	ssyncset.done $0x0  }
0x16c: {  	[sflag:s18] =	ssyncadd.s32 $0xFFFFE000  }
0x16d: {  	_ =	swait.ge [sflag:s25], $0x40  }
0x16e: {  	[sflag:s25] =	ssyncset.done $0x0  }
0x16f: {  	[sflag:s25] =	ssyncadd.s32 $0xFFFFFFC0  }
0x170: {  	[spmem:s1] =	stream.indirect.scatter.add.f32 [tilespmem:s23], [sflag:$0x10], $0x80, s24, s3, $0xb8;
	[tilespmem:$0x1C980] =	vst v63  }
0x171: {  	s26 =	simm.s32 $0xD  }
0x172: {  	[spmem:s2] =	stream.indirect.scatter.add.f32 [tilespmem:s15], [sflag:$0x14], $0x1, s24, s3, $0xb8;
	[tilespmem:$0x1C980] =	vst v63  }
0x173: {  	_ =	swait.ge [sflag:s26], $0x2000  }
0x174: {  	[sflag:s26] =	ssyncset.done $0x0  }
0x175: {  	s6 =	simm.s32 $0x11;
	[sflag:s26] =	ssyncadd.s32 $0xFFFFE000  }
0x176: {  	_ =	swait.ge [sflag:s6], $0x40  }
0x177: {  	[sflag:s6] =	ssyncset.done $0x0  }
0x178: {  	s8 =	simm.s32 $0xE;
	[sflag:s6] =	ssyncadd.s32 $0xFFFFFFC0  }
0x179: {  	_ =	swait.ge [sflag:s8], $0x2000  }
0x17a: {  	[sflag:s8] =	ssyncset.done $0x0  }
0x17b: {  	s9 =	simm.s32 $0x12;
	[sflag:s8] =	ssyncadd.s32 $0xFFFFE000  }
0x17c: {  	_ =	swait.ge [sflag:s9], $0x40  }
0x17d: {  	[sflag:s9] =	ssyncset.done $0x0  }
0x17e: {  	s10 =	simm.s32 $0xF;
	[sflag:s9] =	ssyncadd.s32 $0xFFFFFFC0  }
0x17f: {  	_ =	swait.ge [sflag:s10], $0x2000  }
0x180: {  	[sflag:s10] =	ssyncset.done $0x0  }
0x181: {  	s12 =	simm.s32 $0x13;
	[sflag:s10] =	ssyncadd.s32 $0xFFFFE000  }
0x182: {  	_ =	swait.ge [sflag:s12], $0x40  }
0x183: {  	[sflag:s12] =	ssyncset.done $0x0  }
0x184: {  	s0 =	simm.s32 $0x10;
	[sflag:s12] =	ssyncadd.s32 $0xFFFFFFC0  }
0x185: {  	_ =	swait.ge [sflag:s0], $0x2000  }
0x186: {  	[sflag:s0] =	ssyncset.done $0x0  }
0x187: {  	s22 =	simm.s32 $0x14;
	[sflag:s0] =	ssyncadd.s32 $0xFFFFE000  }
0x188: {  	_ =	swait.ge [sflag:s22], $0x40  }
0x189: {  	[sflag:s22] =	ssyncset.done $0x0  }
0x18a: {  	s6 =	simm.s32 @!p0 $0x0;
	[sflag:s22] =	ssyncadd.s32 $0xFFFFFFC0;
	s22 =	rddreg [dreg:$0x14]  }
0x18b: {  	[tilespmem:s6], [sflag:$0x1] =	stream.linear.gather @!p0 [hbm4b:s22+s6], $0x40, $0x38;
	[tilespmem:$0x1C980] =	vst v63  }
0x18c: {  	s22 =	simm.s32 @!p0 $0x1  }
0x18d: {  	_ =	swait.ge @!p0 [sflag:s22], $0x40  }
0x18e: {  	[sflag:s22] =	ssyncset.done @!p0 $0x0  }
0x18f: {  	s23 =	rddreg [dreg:$0x15];
	[sflag:s22] =	ssyncadd.s32 @!p0 $0xFFFFFFC0;
	s22 =	simm.s32 @!p0 $0x200  }
0x190: {  	[tilespmem:s22], [sflag:$0x5] =	stream.linear.gather @!p0 [hbm4b:s23+s6], $0x40, $0x38;
	[tilespmem:$0x1C980] =	vst v63  }
0x191: {  	s23 =	simm.s32 @!p0 $0x5  }
0x192: {  	_ =	swait.ge @!p0 [sflag:s23], $0x40  }
0x193: {  	[sflag:s23] =	ssyncset.done @!p0 $0x0  }
0x194: {  	s26 =	simm.s32 @!p0 $0x400;
	[sflag:s23] =	ssyncadd.s32 @!p0 $0xFFFFFFC0;
	s23 =	simm.s32 @!p0 $0x40  }
0x195: {  	[tilespmem:s26], [sflag:$0x9] =	stream.indirect.gather @!p0 [hbm4b:s5+s23], $0x80, s6, s23, $0xb8;
	[tilespmem:$0x1C980] =	vst v63  }
0x196: {  	s6 =	simm.s32 @!p0 $0x9  }
0x197: {  	_ =	swait.ge @!p0 [sflag:s6], $0x2000  }
0x198: {  	[sflag:s6] =	ssyncset.done @!p0 $0x0  }
0x199: {  	[sflag:s6] =	ssyncadd.s32 @!p0 $0xFFFFE000;
	s6 =	simm.s32 @!p0 $0x15  }
0x19a: {  	[spmem:s1] =	stream.indirect.scatter.add.f32 @!p0 [tilespmem:s26], [sflag:$0x15], $0x80, s22, s23, $0xb8;
	[tilespmem:$0x1C980] =	vst v63  }
0x19b: {  	_ =	swait.ge @!p0 [sflag:s6], $0x2000  }
0x19c: {  	[sflag:s6] =	ssyncset.done @!p0 $0x0  }
0x19d: {  	s26 =	simm.s32 @!p0 $0x1C400;
	[sflag:s6] =	ssyncadd.s32 @!p0 $0xFFFFE000  }
0x19e: {  	[spmem:s2] =	stream.indirect.scatter.add.f32 @!p0 [tilespmem:s26], [sflag:$0x15], $0x1, s22, s23, $0xb8;
	[tilespmem:$0x1C980] =	vst v63  }
0x19f: {  	_ =	swait.ge @!p0 [sflag:s6], $0x40  }
0x1a0: {  	[sflag:s6] =	ssyncset.done @!p0 $0x0  }
0x1a1: {  	[sflag:s6] =	ssyncadd.s32 @!p0 $0xFFFFFFC0  }
0x1a2: {  	s23 =	stileid.u32;
	[bflag:$0x0] =	sbarrier.arrive $0xFFFF  }
0x1a3: {  	s6 =	sshll.u32 s23, $0x6;
	s29 =	rddreg [dreg:$0x9]  }
0x1a4: {  	s6 =	sor.u32 $0x1C15, s6;
	s8 =	rddreg [dreg:$0x16];
	s26 =	sshrl.u32 s29, $0x3  }
0x1a5: {  	[hbm:s8], [sflag:s6] =	dma.local [spmem:s26], $0x2800  }
0x1a6: {  	s26 =	simm.s32 $0x15  }
0x1a7: {  	_ =	swait.ge [sflag:s26], $0x2800  }
0x1a8: {  	s12 =	simm.s32 $0x20;
	[sflag:s26] =	ssyncset.done $0x0;
	s31 =	rddreg [dreg:$0x13]  }
0x1a9: {  	s10 =	rddreg [dreg:$0x17];
	[sflag:s26] =	ssyncadd.s32 $0xFFFFD800;
	s9 =	sshrl.u32 s31, $0x3  }
0x1aa: {  	[hbm:s10@s12], [sflag:s6] =	dma.strided [spmem:s9@s0], $0x50, s7, $0x10   }
0x1ab: {  	_ =	swait.ge [sflag:s26], $0x50  }
0x1ac: {  	s22 =	rddreg [dreg:$0x19]  }
0x1ad: {  	s23 =	rddreg [dreg:$0x18];
	s9 =	sadd.s32 $0x1, s22  }
0x1ae: {  	p1 =	sne.s32 s9, s23  }
.Ltmp3:
0x1af: {  	_ = 	snop;
	(pc) =	sbr.rel @p1 .LBB2_1-.Ltmp3, $4  }
0x1b0: {  	_ = 	snop  }
0x1b1: {  	s8 =	simm.s32 $0x200  }
0x1b2: {  	s10 =	simm.s32 $0x280;
	s0 =	simm.s32 $0x300;
	[sflag:s26] =	ssyncset.done $0x0  }
0x1b3: {  	s12 =	simm.s32 $0x380;
	s7 =	simm.s32 $0x1;
	[sflag:s26] =	ssyncadd.s32 $0xFFFFFFB0  }
0x1b4: {  	_ =	sfence.sel $0x180000  }
0x1b5: {  	[bflag:$0x0] =	sbarrier.arrive $0xFFFF  }
0x1b6: {  	_ =	strace $0x90000047  }
0x1b7: {  	s0 =	stileid.u32;
	[bflag:$0x2] =	sbarrier.arrive $0xFFFF  }
0x1b8: {  	p0 =	sne.s32 s0, $0x0;
	s0 =	rddreg [dreg:$0x4]  }
0x1b9: {  	s0 =	sadd.s32 @!p0 $0x100000, s0  }
0x1ba: {  	[sflag:s0] =	ssyncadd.tile.s32 @!p0 $0x1;
	_ =	shalt  }
.Lfunc_end2:
_tile_overlayer_lowered:
.L_overlay_start_2:
0x1bb: {  	(tag) =	ssettag $0x2  }
0x1bc: {  	s0 =	rddreg [dreg:$0x0];
	s2 =	stileid.u32  }
0x1bd: {  	s1 =	rddreg [dreg:$0x1];
	p0 =	sne.s32 s2, $0x0  }
0x1be: {  	s3 =	rddreg [dreg:$0x2];
	[bflag:$0x3] =	sbarrier.arrive $0xFFFF;
	s2 =	simm.s32 @!p0 $0x1C15  }
0x1bf: {  	[timem:s3], [sflag:s2] =	dma.local @!p0 [hbm:s0], s1  }
0x1c0: {  	s0 =	simm.s32 @!p0 $0x15  }
0x1c1: {  	_ =	swait.ge @!p0 [sflag:s0], s1  }
0x1c2: {  	s1 =	ssub.s32 @!p0 $0x0, s1;
	[sflag:s0] =	ssyncset.done @!p0 $0x0  }
0x1c3: {  	[sflag:s0] =	ssyncadd.s32 @!p0 s1  }
0x1c4: {  	[bflag:$0x3] =	sbarrier.arrive $0xFFFF  }
0x1c5: {  	_ =	shalt  }

</sc_bundles>
